<compile_context>
chip_gen: v7x
topology: tpu7x:2x2x1
jax: 0.10.2.dev20260603
libtpu: 0.0.44.dev20260713+nightly
codegen_flags: <defaults>
</compile_context>

<pallas_src>
import functools

import jax
import jax.numpy as jnp
from jax import lax
from jax.experimental import pallas as pl
from jax.experimental.pallas import tpu as pltpu
import jax.experimental.pallas.tpu_sc as plsc

B = 16384
F = 26
V = 100000
D = 16

NC = 2
NS = 16
NW = NC * NS
L = 16

FD = F * D
WCH = 2048
NCH = B // WCH
NWIDE = F * NCH
SUB = 128


def _sc_wide(idx_t, w2):
  mesh = plsc.VectorSubcoreMesh(
      core_axis_name="c", subcore_axis_name="s", num_cores=NC, num_subcores=NS
  )

  @functools.partial(
      pl.kernel,
      out_type=jax.ShapeDtypeStruct((F, B), jnp.float32),
      mesh=mesh,
      compiler_params=pltpu.CompilerParams(use_tc_tiling_on_sc=False),
      scratch_types=[
          pltpu.VMEM((WCH,), jnp.int32),
          pltpu.VMEM((WCH,), jnp.float32),
          pltpu.SemaphoreType.DMA,
      ],
  )
  def k(idxt, w, wT, idx_v, out_v, sem):
    wid = lax.axis_index("s") * NC + lax.axis_index("c")

    def wide_task(wt):
      f = wt // NCH
      c = wt % NCH
      pltpu.sync_copy(idxt.at[f, pl.ds(c * WCH, WCH)], idx_v)

      def addoff(i, carry):
        idx_v[pl.ds(i * L, L)] = idx_v[pl.ds(i * L, L)] + f * V
        return carry

      lax.fori_loop(0, WCH // L, addoff, 0)

      def subgather(g, carry):
        base = g * (8 * SUB)
        cps = []
        for t in range(8):
          ii = idx_v.at[pl.ds(base + t * SUB, SUB)]
          cps.append(pltpu.async_copy(
              w.at[0].at[ii], out_v.at[pl.ds(base + t * SUB, SUB)], sem))
        for cp in cps:
          cp.wait()
        return carry

      lax.fori_loop(0, WCH // (8 * SUB), subgather, 0)
      pltpu.sync_copy(out_v, wT.at[f, pl.ds(c * WCH, WCH)])

    def round_body(kk, carry):
      wt = wid + NW * kk

      @pl.when(wt < NWIDE)
      def _():
        wide_task(wt)

      return carry

    lax.fori_loop(0, (NWIDE + NW - 1) // NW, round_body, 0)

  return k(idx_t, w2)


def _sc_deep(table2, idx_t, fd_base, rpw):
  nrows = rpw * NW
  mesh = plsc.VectorSubcoreMesh(
      core_axis_name="c", subcore_axis_name="s", num_cores=NC, num_subcores=NS
  )

  @functools.partial(
      pl.kernel,
      out_type=jax.ShapeDtypeStruct((nrows, B), jnp.float32),
      mesh=mesh,
      compiler_params=pltpu.CompilerParams(use_tc_tiling_on_sc=False),
      scratch_types=[
          pltpu.VMEM_SHARED((NS, V), jnp.float32),
          pltpu.VMEM((2, WCH), jnp.int32),
          pltpu.VMEM((2, WCH), jnp.float32),
          pltpu.SemaphoreType.DMA,
          pltpu.SemaphoreType.DMA,
          pltpu.SemaphoreType.DMA,
      ],
  )
  def k(t2, idxt, xT, tab_s, idx_v, out_v, sem_g, sem_i, sem_o):
    sid = lax.axis_index("s")
    wid = sid * NC + lax.axis_index("c")
    my_tab = tab_s.at[sid]

    def deep_row(r, carry):
      fd = wid * rpw + r
      f = (fd_base + fd) // D
      pltpu.sync_copy(t2.at[fd_base + fd], my_tab)
      pltpu.async_copy(idxt.at[f, pl.ds(0, WCH)], idx_v.at[0], sem_i).wait()

      def chunk(c, carry):
        cur = lax.rem(c, 2)
        nxt = lax.rem(c + 1, 2)

        @pl.when(c + 1 < NCH)
        def _():
          pltpu.async_copy(
              idxt.at[f, pl.ds((c + 1) * WCH, WCH)], idx_v.at[nxt], sem_i)

        def subgather(g, carry2):
          base = g * (8 * SUB)
          cps = []
          for t in range(8):
            ii = idx_v.at[cur].at[pl.ds(base + t * SUB, SUB)]
            cps.append(pltpu.async_copy(
                my_tab.at[ii], out_v.at[cur].at[pl.ds(base + t * SUB, SUB)],
                sem_g))
          for cp in cps:
            cp.wait()
          return carry2

        lax.fori_loop(0, WCH // (8 * SUB), subgather, 0)
        pltpu.sync_copy(out_v.at[cur], xT.at[fd, pl.ds(c * WCH, WCH)])

        @pl.when(c + 1 < NCH)
        def _():
          pltpu.make_async_copy(
              idxt.at[f, pl.ds((c + 1) * WCH, WCH)], idx_v.at[nxt], sem_i
          ).wait()

        return carry

      lax.fori_loop(0, NCH, chunk, 0)
      return carry

    lax.fori_loop(0, rpw, deep_row, 0)

  return k(table2, idx_t)


BM = 1024


NRA = 224
NRB = FD - NRA


def _mlp_body(xta_ref, xtb_ref, wvt_ref, W1_ref, b1_ref, W2_ref, b2_ref,
              W3_ref, b3_ref, Wf_ref, bf_ref, out_ref):
  cdims = (((0,), (0,)), ((), ()))
  W1 = W1_ref[...]
  pre = (lax.dot_general(xta_ref[...], W1[0:NRA, :], cdims,
                         preferred_element_type=jnp.float32)
         + lax.dot_general(xtb_ref[...], W1[NRA:FD, :], cdims,
                           preferred_element_type=jnp.float32))
  h = jnp.maximum(pre + b1_ref[...], 0.0)
  h = jnp.maximum(jnp.dot(h, W2_ref[...], preferred_element_type=jnp.float32)
                  + b2_ref[...], 0.0)
  h = jnp.maximum(jnp.dot(h, W3_ref[...], preferred_element_type=jnp.float32)
                  + b3_ref[...], 0.0)
  deep = jnp.dot(h, Wf_ref[...], preferred_element_type=jnp.float32) + bf_ref[...]
  ones = jnp.full((F, 1), 1.0, dtype=jnp.float32)
  wide = lax.dot_general(wvt_ref[...], ones, cdims,
                         preferred_element_type=jnp.float32)
  z = 0.5 * wide + 0.5 * deep
  out_ref[...] = 1.0 / (1.0 + jnp.exp(-z))


def _tc_mlp(xta, xtb, wvt, W1, b1, W2, b2, W3, b3, Wf, bf):
  grid = (B // BM,)
  return pl.pallas_call(
      _mlp_body,
      grid=grid,
      in_specs=[
          pl.BlockSpec((NRA, BM), lambda i: (0, i)),
          pl.BlockSpec((NRB, BM), lambda i: (0, i)),
          pl.BlockSpec((F, BM), lambda i: (0, i)),
          pl.BlockSpec((FD, 256), lambda i: (0, 0)),
          pl.BlockSpec((1, 256), lambda i: (0, 0)),
          pl.BlockSpec((256, 128), lambda i: (0, 0)),
          pl.BlockSpec((1, 128), lambda i: (0, 0)),
          pl.BlockSpec((128, 64), lambda i: (0, 0)),
          pl.BlockSpec((1, 64), lambda i: (0, 0)),
          pl.BlockSpec((64, 1), lambda i: (0, 0)),
          pl.BlockSpec((1, 1), lambda i: (0, 0)),
      ],
      out_specs=pl.BlockSpec((BM, 1), lambda i: (i, 0)),
      out_shape=jax.ShapeDtypeStruct((B, 1), jnp.float32),
  )(xta, xtb, wvt, W1, b1, W2, b2, W3, b3, Wf, bf)


def kernel(inputs, tables, w_lin, W1, b1, W2, b2, W3, b3, Wf, bf):
  idx_t = inputs.astype(jnp.int32).T
  table2 = tables.transpose(0, 2, 1).reshape(FD, V)
  w2 = w_lin.T
  xta = _sc_deep(table2, idx_t, 0, NRA // NW)
  xtb = _sc_deep(table2, idx_t, NRA, NRB // NW)
  wvt = _sc_wide(idx_t, w2)
  return _tc_mlp(xta, xtb, wvt, W1, b1.reshape(1, 256), W2, b2.reshape(1, 128),
                 W3, b3.reshape(1, 64), Wf, bf.reshape(1, 1))

# --- scband reference (transcript-rebuilt; emitter-appended) ---
"""Pipeline reference for scband-wide-deep-13632226197880 (READ-ONLY COPY).

The authoritative reference and input builder live on the scoring server;
editing this copy changes nothing except your own understanding.
"""

import jax, jax.numpy as jnp
import numpy as np

B = 16384
F = 26
V = 100000
D = 16
HID = [256, 128, 64]


def setup_inputs(seed: int = 0) -> dict:
    key = jax.random.key(seed)
    ks = jax.random.split(key, 12)
    inputs = jax.random.randint(ks[0], (B, F), 0, V, dtype=jnp.int64 if jax.config.jax_enable_x64 else jnp.int32)
    # per-field embedding tables, stacked: [F, V, D] (keras random_uniform init)
    tables = jax.random.uniform(ks[1], (F, V, D), minval=-0.05, maxval=0.05, dtype=jnp.float32)
    # wide linear weight over total one-hot feature length [F*V, 1]
    w_lin = jax.random.normal(ks[2], (F * V, 1), dtype=jnp.float32) * 0.01
    dims = [F * D] + HID
    W1 = jax.random.normal(ks[3], (dims[0], dims[1]), dtype=jnp.float32) * (1.0 / np.sqrt(dims[0]))
    b1 = jnp.zeros((dims[1],), dtype=jnp.float32)
    W2 = jax.random.normal(ks[4], (dims[1], dims[2]), dtype=jnp.float32) * (1.0 / np.sqrt(dims[1]))
    b2 = jnp.zeros((dims[2],), dtype=jnp.float32)
    W3 = jax.random.normal(ks[5], (dims[2], dims[3]), dtype=jnp.float32) * (1.0 / np.sqrt(dims[2]))
    b3 = jnp.zeros((dims[3],), dtype=jnp.float32)
    Wf = jax.random.normal(ks[6], (dims[3], 1), dtype=jnp.float32) * (1.0 / np.sqrt(dims[3]))
    bf = jnp.zeros((1,), dtype=jnp.float32)
    return {"inputs": inputs, "tables": tables, "w_lin": w_lin,
            "W1": W1, "b1": b1, "W2": W2, "b2": b2, "W3": W3, "b3": b3,
            "Wf": Wf, "bf": bf}


def reference(inputs, tables, w_lin, W1, b1, W2, b2, W3, b3, Wf, bf):
    # deep path: per-field embedding lookup, concat along feature dim
    emb = jax.vmap(lambda t, idx: jnp.take(t, idx, axis=0), in_axes=(0, 1), out_axes=1)(tables, inputs)  # [B, F, D]
    x = emb.reshape(inputs.shape[0], F * D)  # [B, F*D]
    # wide path: offset indices into the flattened one-hot space, lookup w, sum over fields
    offsets = (jnp.arange(F, dtype=inputs.dtype) * V)[None, :]
    wide_idx = inputs + offsets  # [B, F]
    wide_out = jnp.take(w_lin, wide_idx, axis=0).sum(axis=1)  # [B, 1]
    # DNN (dropout=0.0 -> identity in eval)
    h = jax.nn.relu(x @ W1 + b1)
    h = jax.nn.relu(h @ W2 + b2)
    h = jax.nn.relu(h @ W3 + b3)
    deep_out = h @ Wf + bf  # [B, 1]
    return jax.nn.sigmoid(0.5 * wide_out + 0.5 * deep_out)

if __name__ == "__main__":
    import jax
    _d = setup_inputs()
    print(jax.jit(kernel)(*tuple(_d.values())))

</pallas_src>

<mosaic_0001>
#map = affine_map<(d0, d1) -> (0, 0)>
module attributes {stable_mosaic.version = 14 : i64} {
  func.func @k(%arg0: i32, %arg1: i32, %arg2: memref<26x16384xi32, #tpu.memory_space<hbm>>, %arg3: memref<1x2600000xf32, #tpu.memory_space<hbm>>, %arg4: memref<26x16384xf32, #tpu.memory_space<hbm>>, %arg5: memref<2048xi32, #tpu.memory_space<vmem>>, %arg6: memref<2048xf32, #tpu.memory_space<vmem>>, %arg7: memref<!tpu.dma_semaphore, #tpu.memory_space<semaphore_mem>>) attributes {dimension_semantics = [#tpu.dimension_semantics<core_parallel>, #tpu.dimension_semantics<subcore_parallel>], iteration_bounds = array<i64: 2, 16>, scalar_prefetch = 0 : i64, scratch_operands = 3 : i64, tpu.core_type = #tpu.core_type<sc_vector_subcore>, window_params = [{transform_indices = #map}, {transform_indices = #map}, {transform_indices = #map}]} {
    %mul3A = arith.constant 2 : i32
    %mul3A_0 = arith.muli %arg1, %mul3A : i32
    %add3A = arith.addi %mul3A_0, %arg0 : i32
    %scan3A = arith.constant 0 : i32
    %scan3A_1 = arith.constant 0 : i32
    %scan3A_2 = arith.constant 7 : i32
    %scan3A_3 = arith.addi %scan3A_1, %scan3A_2 : i32
    %scan3A_4 = arith.constant 1 : i32
    scf.for %scan3A_6 = %scan3A_1 to %scan3A_3 step %scan3A_4  : i32 {
      %mul3A_7 = arith.constant 32 : i32
      %mul3A_8 = arith.muli %mul3A_7, %scan3A_6 : i32
      %add3A_9 = arith.addi %add3A, %mul3A_8 : i32
      %lt3A = arith.constant 208 : i32
      %lt3A_10 = arith.cmpi slt, %add3A_9, %lt3A : i32
      %convert_element_type3A = arith.extui %lt3A_10 : i1 to i32
      %cond3A = arith.constant 0 : i32
      %cond3A_11 = arith.cmpi ne, %convert_element_type3A, %cond3A : i32
      scf.if %cond3A_11 {
        %jit3A = arith.constant 8 : i32
        %div3A = arith.divsi %add3A_9, %jit3A : i32
        %sign3A = arith.constant 0 : i32
        %sign3A_12 = arith.cmpi sgt, %add3A_9, %sign3A : i32
        %sign3A_13 = arith.extui %sign3A_12 : i1 to i32
        %sign3A_14 = arith.constant 0 : i32
        %sign3A_15 = arith.cmpi slt, %add3A_9, %sign3A_14 : i32
        %sign3A_16 = arith.extui %sign3A_15 : i1 to i32
        %sign3A_17 = arith.subi %sign3A_13, %sign3A_16 : i32
        %sign3A_18 = arith.constant 0 : i32
        %sign3A_19 = arith.cmpi sgt, %jit3A, %sign3A_18 : i32
        %sign3A_20 = arith.extui %sign3A_19 : i1 to i32
        %sign3A_21 = arith.constant 0 : i32
        %sign3A_22 = arith.cmpi slt, %jit3A, %sign3A_21 : i32
        %sign3A_23 = arith.extui %sign3A_22 : i1 to i32
        %sign3A_24 = arith.subi %sign3A_20, %sign3A_23 : i32
        %ne3A = arith.cmpi ne, %sign3A_17, %sign3A_24 : i32
        %rem3A = arith.remsi %add3A_9, %jit3A : i32
        %ne3A_25 = arith.constant 0 : i32
        %ne3A_26 = arith.cmpi ne, %rem3A, %ne3A_25 : i32
        %and3A = arith.andi %ne3A, %ne3A_26 : i1
        %sub3A = arith.constant 1 : i32
        %sub3A_27 = arith.subi %div3A, %sub3A : i32
        %select_n3A = arith.select %and3A, %sub3A_27, %div3A : i32
        %jit3A_28 = arith.constant 8 : i32
        %eq3A = arith.constant 0 : i32
        %eq3A_29 = arith.cmpi eq, %jit3A_28, %eq3A : i32
        %jit3A_30 = arith.constant 1 : i32
        %select_n3A_31 = arith.select %eq3A_29, %jit3A_30, %jit3A_28 : i32
        %rem3A_32 = arith.remsi %add3A_9, %select_n3A_31 : i32
        %ne3A_33 = arith.constant 0 : i32
        %ne3A_34 = arith.cmpi ne, %rem3A_32, %ne3A_33 : i32
        %lt3A_35 = arith.constant 0 : i32
        %lt3A_36 = arith.cmpi slt, %rem3A_32, %lt3A_35 : i32
        %lt3A_37 = arith.constant 0 : i32
        %lt3A_38 = arith.cmpi slt, %select_n3A_31, %lt3A_37 : i32
        %ne3A_39 = arith.xori %lt3A_36, %lt3A_38 : i1
        %and3A_40 = arith.andi %ne3A_39, %ne3A_34 : i1
        %add3A_41 = arith.addi %rem3A_32, %select_n3A_31 : i32
        %select_n3A_42 = arith.select %and3A_40, %add3A_41, %rem3A_32 : i32
        %mul3A_43 = arith.constant 2048 : i32
        %mul3A_44 = arith.muli %select_n3A_42, %mul3A_43 : i32
        "tpu.region"() ({
          %run_scoped3A = tpu.sem_alloc : memref<!tpu.dma_semaphore, #tpu.memory_space<semaphore_mem>>
          %dma_start3A = tpu.memref_slice %arg2[%select_n3A, %mul3A_44] : memref<26x16384xi32, #tpu.memory_space<hbm>> -> memref<1x2048xi32, #tpu.memory_space<hbm>>
          %dma_start3A_59 = tpu.memref_squeeze %dma_start3A : memref<1x2048xi32, #tpu.memory_space<hbm>> -> memref<2048xi32, #tpu.memory_space<hbm>>
          %dma_start3A_60 = tpu.memref_slice %arg2[%select_n3A, %mul3A_44] : memref<26x16384xi32, #tpu.memory_space<hbm>> -> memref<1x2048xi32, #tpu.memory_space<hbm>>
          %dma_start3A_61 = tpu.memref_squeeze %dma_start3A_60 : memref<1x2048xi32, #tpu.memory_space<hbm>> -> memref<2048xi32, #tpu.memory_space<hbm>>
          tpu.enqueue_dma source(%dma_start3A_61 : memref<2048xi32, #tpu.memory_space<hbm>>) target(%arg5 : memref<2048xi32, #tpu.memory_space<vmem>>) target_semaphore(%run_scoped3A : memref<!tpu.dma_semaphore, #tpu.memory_space<semaphore_mem>>)
          %dma_wait3A = tpu.memref_slice %arg2[%select_n3A, %mul3A_44] : memref<26x16384xi32, #tpu.memory_space<hbm>> -> memref<1x2048xi32, #tpu.memory_space<hbm>>
          %dma_wait3A_62 = tpu.memref_squeeze %dma_wait3A : memref<1x2048xi32, #tpu.memory_space<hbm>> -> memref<2048xi32, #tpu.memory_space<hbm>>
          %dma_wait3A_63 = tpu.memref_slice %arg2[%select_n3A, %mul3A_44] : memref<26x16384xi32, #tpu.memory_space<hbm>> -> memref<1x2048xi32, #tpu.memory_space<hbm>>
          %dma_wait3A_64 = tpu.memref_squeeze %dma_wait3A_63 : memref<1x2048xi32, #tpu.memory_space<hbm>> -> memref<2048xi32, #tpu.memory_space<hbm>>
          tpu.wait_dma2 semaphore(%run_scoped3A : memref<!tpu.dma_semaphore, #tpu.memory_space<semaphore_mem>>) src(%dma_wait3A_64 : memref<2048xi32, #tpu.memory_space<hbm>>) dst(%arg5 : memref<2048xi32, #tpu.memory_space<vmem>>)
          tpu.yield
        }) : () -> ()
        %scan3A_45 = arith.constant 0 : i32
        %scan3A_46 = arith.constant 0 : i32
        %scan3A_47 = arith.constant 128 : i32
        %scan3A_48 = arith.addi %scan3A_46, %scan3A_47 : i32
        %scan3A_49 = arith.constant 1 : i32
        scf.for %scan3A_59 = %scan3A_46 to %scan3A_48 step %scan3A_49  : i32 {
          %mul3A_60 = arith.constant 16 : i32
          %mul3A_61 = arith.muli %scan3A_59, %mul3A_60 : i32
          %get3A = arith.index_cast %mul3A_61 : i32 to index
          %get3A_62 = tpu.vector_load %arg5[%get3A] {strides = array<i32>} : memref<2048xi32, #tpu.memory_space<vmem>>, vector<16xi32>,
          %get3A_63 = vector.shape_cast %get3A_62 : vector<16xi32> to vector<16xi32>
          %mul3A_64 = arith.constant 100000 : i32
          %mul3A_65 = arith.muli %select_n3A, %mul3A_64 : i32
          %add3A_66 = vector.broadcast %mul3A_65 : i32 to vector<16xi32>
          %add3A_67 = arith.addi %get3A_63, %add3A_66 : vector<16xi32>
          %mul3A_68 = arith.constant 16 : i32
          %mul3A_69 = arith.muli %scan3A_59, %mul3A_68 : i32
          %swap3A = arith.index_cast %mul3A_69 : i32 to index
          %swap3A_70 = tpu.vector_load %arg5[%swap3A] {strides = array<i32>} : memref<2048xi32, #tpu.memory_space<vmem>>, vector<16xi32>,
          %swap3A_71 = vector.shape_cast %swap3A_70 : vector<16xi32> to vector<16xi32>
          %swap3A_72 = vector.shape_cast %add3A_67 : vector<16xi32> to vector<16xi32>
          tpu.vector_store %arg5[%swap3A], %swap3A_72 {strides = array<i32>} : memref<2048xi32, #tpu.memory_space<vmem>>, vector<16xi32>,
        }
        %scan3A_50 = arith.constant 128 : i32
        %scan3A_51 = arith.constant 0 : i32
        %scan3A_52 = arith.constant 0 : i32
        %scan3A_53 = arith.constant 2 : i32
        %scan3A_54 = arith.addi %scan3A_52, %scan3A_53 : i32
        %scan3A_55 = arith.constant 1 : i32
        scf.for %scan3A_59 = %scan3A_52 to %scan3A_54 step %scan3A_55  : i32 {
          %mul3A_60 = arith.constant 1024 : i32
          %mul3A_61 = arith.muli %scan3A_59, %mul3A_60 : i32
          %add3A_62 = arith.constant 0 : i32
          %add3A_63 = arith.addi %mul3A_61, %add3A_62 : i32
          %add3A_64 = arith.constant 0 : i32
          %add3A_65 = arith.addi %mul3A_61, %add3A_64 : i32
          %dma_start3A = arith.constant 0 : i32
          %dma_start3A_66 = tpu.memref_slice %arg6[%add3A_65] : memref<2048xf32, #tpu.memory_space<vmem>> -> memref<128xf32, #tpu.memory_space<vmem>>
          %dma_start3A_67 = tpu.memref_slice %arg5[%add3A_63] : memref<2048xi32, #tpu.memory_space<vmem>> -> memref<128xi32, #tpu.memory_space<vmem>>
          %dma_start3A_68 = arith.constant 0 : i32
          %dma_start3A_69 = tpu.memref_slice %arg3[%dma_start3A, %dma_start3A_68] : memref<1x2600000xf32, #tpu.memory_space<hbm>> -> memref<1x2600000xf32, #tpu.memory_space<hbm>>
          %dma_start3A_70 = tpu.memref_squeeze %dma_start3A_69 : memref<1x2600000xf32, #tpu.memory_space<hbm>> -> memref<2600000xf32, #tpu.memory_space<hbm>>
          %dma_start3A_71 = arith.constant 0 : i32
          %dma_start3A_72 = tpu.memref_slice %dma_start3A_70[%dma_start3A_71] : memref<2600000xf32, #tpu.memory_space<hbm>> -> memref<2600000xf32, #tpu.memory_space<hbm>>
          tpu.enqueue_indirect_dma source(%dma_start3A_72 : memref<2600000xf32, #tpu.memory_space<hbm>>) target(%dma_start3A_66 : memref<128xf32, #tpu.memory_space<vmem>>) offsets(%dma_start3A_67 : memref<128xi32, #tpu.memory_space<vmem>>) semaphore(%arg7 : memref<!tpu.dma_semaphore, #tpu.memory_space<semaphore_mem>>)
          %add3A_73 = arith.constant 128 : i32
          %add3A_74 = arith.addi %mul3A_61, %add3A_73 : i32
          %add3A_75 = arith.constant 128 : i32
          %add3A_76 = arith.addi %mul3A_61, %add3A_75 : i32
          %dma_start3A_77 = arith.constant 0 : i32
          %dma_start3A_78 = tpu.memref_slice %arg6[%add3A_76] : memref<2048xf32, #tpu.memory_space<vmem>> -> memref<128xf32, #tpu.memory_space<vmem>>
          %dma_start3A_79 = tpu.memref_slice %arg5[%add3A_74] : memref<2048xi32, #tpu.memory_space<vmem>> -> memref<128xi32, #tpu.memory_space<vmem>>
          %dma_start3A_80 = arith.constant 0 : i32
          %dma_start3A_81 = tpu.memref_slice %arg3[%dma_start3A_77, %dma_start3A_80] : memref<1x2600000xf32, #tpu.memory_space<hbm>> -> memref<1x2600000xf32, #tpu.memory_space<hbm>>
          %dma_start3A_82 = tpu.memref_squeeze %dma_start3A_81 : memref<1x2600000xf32, #tpu.memory_space<hbm>> -> memref<2600000xf32, #tpu.memory_space<hbm>>
          %dma_start3A_83 = arith.constant 0 : i32
          %dma_start3A_84 = tpu.memref_slice %dma_start3A_82[%dma_start3A_83] : memref<2600000xf32, #tpu.memory_space<hbm>> -> memref<2600000xf32, #tpu.memory_space<hbm>>
          tpu.enqueue_indirect_dma source(%dma_start3A_84 : memref<2600000xf32, #tpu.memory_space<hbm>>) target(%dma_start3A_78 : memref<128xf32, #tpu.memory_space<vmem>>) offsets(%dma_start3A_79 : memref<128xi32, #tpu.memory_space<vmem>>) semaphore(%arg7 : memref<!tpu.dma_semaphore, #tpu.memory_space<semaphore_mem>>)
          %add3A_85 = arith.constant 256 : i32
          %add3A_86 = arith.addi %mul3A_61, %add3A_85 : i32
          %add3A_87 = arith.constant 256 : i32
          %add3A_88 = arith.addi %mul3A_61, %add3A_87 : i32
          %dma_start3A_89 = arith.constant 0 : i32
          %dma_start3A_90 = tpu.memref_slice %arg6[%add3A_88] : memref<2048xf32, #tpu.memory_space<vmem>> -> memref<128xf32, #tpu.memory_space<vmem>>
          %dma_start3A_91 = tpu.memref_slice %arg5[%add3A_86] : memref<2048xi32, #tpu.memory_space<vmem>> -> memref<128xi32, #tpu.memory_space<vmem>>
          %dma_start3A_92 = arith.constant 0 : i32
          %dma_start3A_93 = tpu.memref_slice %arg3[%dma_start3A_89, %dma_start3A_92] : memref<1x2600000xf32, #tpu.memory_space<hbm>> -> memref<1x2600000xf32, #tpu.memory_space<hbm>>
          %dma_start3A_94 = tpu.memref_squeeze %dma_start3A_93 : memref<1x2600000xf32, #tpu.memory_space<hbm>> -> memref<2600000xf32, #tpu.memory_space<hbm>>
          %dma_start3A_95 = arith.constant 0 : i32
          %dma_start3A_96 = tpu.memref_slice %dma_start3A_94[%dma_start3A_95] : memref<2600000xf32, #tpu.memory_space<hbm>> -> memref<2600000xf32, #tpu.memory_space<hbm>>
          tpu.enqueue_indirect_dma source(%dma_start3A_96 : memref<2600000xf32, #tpu.memory_space<hbm>>) target(%dma_start3A_90 : memref<128xf32, #tpu.memory_space<vmem>>) offsets(%dma_start3A_91 : memref<128xi32, #tpu.memory_space<vmem>>) semaphore(%arg7 : memref<!tpu.dma_semaphore, #tpu.memory_space<semaphore_mem>>)
          %add3A_97 = arith.constant 384 : i32
          %add3A_98 = arith.addi %mul3A_61, %add3A_97 : i32
          %add3A_99 = arith.constant 384 : i32
          %add3A_100 = arith.addi %mul3A_61, %add3A_99 : i32
          %dma_start3A_101 = arith.constant 0 : i32
          %dma_start3A_102 = tpu.memref_slice %arg6[%add3A_100] : memref<2048xf32, #tpu.memory_space<vmem>> -> memref<128xf32, #tpu.memory_space<vmem>>
          %dma_start3A_103 = tpu.memref_slice %arg5[%add3A_98] : memref<2048xi32, #tpu.memory_space<vmem>> -> memref<128xi32, #tpu.memory_space<vmem>>
          %dma_start3A_104 = arith.constant 0 : i32
          %dma_start3A_105 = tpu.memref_slice %arg3[%dma_start3A_101, %dma_start3A_104] : memref<1x2600000xf32, #tpu.memory_space<hbm>> -> memref<1x2600000xf32, #tpu.memory_space<hbm>>
          %dma_start3A_106 = tpu.memref_squeeze %dma_start3A_105 : memref<1x2600000xf32, #tpu.memory_space<hbm>> -> memref<2600000xf32, #tpu.memory_space<hbm>>
          %dma_start3A_107 = arith.constant 0 : i32
          %dma_start3A_108 = tpu.memref_slice %dma_start3A_106[%dma_start3A_107] : memref<2600000xf32, #tpu.memory_space<hbm>> -> memref<2600000xf32, #tpu.memory_space<hbm>>
          tpu.enqueue_indirect_dma source(%dma_start3A_108 : memref<2600000xf32, #tpu.memory_space<hbm>>) target(%dma_start3A_102 : memref<128xf32, #tpu.memory_space<vmem>>) offsets(%dma_start3A_103 : memref<128xi32, #tpu.memory_space<vmem>>) semaphore(%arg7 : memref<!tpu.dma_semaphore, #tpu.memory_space<semaphore_mem>>)
          %add3A_109 = arith.constant 512 : i32
          %add3A_110 = arith.addi %mul3A_61, %add3A_109 : i32
          %add3A_111 = arith.constant 512 : i32
          %add3A_112 = arith.addi %mul3A_61, %add3A_111 : i32
          %dma_start3A_113 = arith.constant 0 : i32
          %dma_start3A_114 = tpu.memref_slice %arg6[%add3A_112] : memref<2048xf32, #tpu.memory_space<vmem>> -> memref<128xf32, #tpu.memory_space<vmem>>
          %dma_start3A_115 = tpu.memref_slice %arg5[%add3A_110] : memref<2048xi32, #tpu.memory_space<vmem>> -> memref<128xi32, #tpu.memory_space<vmem>>
          %dma_start3A_116 = arith.constant 0 : i32
          %dma_start3A_117 = tpu.memref_slice %arg3[%dma_start3A_113, %dma_start3A_116] : memref<1x2600000xf32, #tpu.memory_space<hbm>> -> memref<1x2600000xf32, #tpu.memory_space<hbm>>
          %dma_start3A_118 = tpu.memref_squeeze %dma_start3A_117 : memref<1x2600000xf32, #tpu.memory_space<hbm>> -> memref<2600000xf32, #tpu.memory_space<hbm>>
          %dma_start3A_119 = arith.constant 0 : i32
          %dma_start3A_120 = tpu.memref_slice %dma_start3A_118[%dma_start3A_119] : memref<2600000xf32, #tpu.memory_space<hbm>> -> memref<2600000xf32, #tpu.memory_space<hbm>>
          tpu.enqueue_indirect_dma source(%dma_start3A_120 : memref<2600000xf32, #tpu.memory_space<hbm>>) target(%dma_start3A_114 : memref<128xf32, #tpu.memory_space<vmem>>) offsets(%dma_start3A_115 : memref<128xi32, #tpu.memory_space<vmem>>) semaphore(%arg7 : memref<!tpu.dma_semaphore, #tpu.memory_space<semaphore_mem>>)
          %add3A_121 = arith.constant 640 : i32
          %add3A_122 = arith.addi %mul3A_61, %add3A_121 : i32
          %add3A_123 = arith.constant 640 : i32
          %add3A_124 = arith.addi %mul3A_61, %add3A_123 : i32
          %dma_start3A_125 = arith.constant 0 : i32
          %dma_start3A_126 = tpu.memref_slice %arg6[%add3A_124] : memref<2048xf32, #tpu.memory_space<vmem>> -> memref<128xf32, #tpu.memory_space<vmem>>
          %dma_start3A_127 = tpu.memref_slice %arg5[%add3A_122] : memref<2048xi32, #tpu.memory_space<vmem>> -> memref<128xi32, #tpu.memory_space<vmem>>
          %dma_start3A_128 = arith.constant 0 : i32
          %dma_start3A_129 = tpu.memref_slice %arg3[%dma_start3A_125, %dma_start3A_128] : memref<1x2600000xf32, #tpu.memory_space<hbm>> -> memref<1x2600000xf32, #tpu.memory_space<hbm>>
          %dma_start3A_130 = tpu.memref_squeeze %dma_start3A_129 : memref<1x2600000xf32, #tpu.memory_space<hbm>> -> memref<2600000xf32, #tpu.memory_space<hbm>>
          %dma_start3A_131 = arith.constant 0 : i32
          %dma_start3A_132 = tpu.memref_slice %dma_start3A_130[%dma_start3A_131] : memref<2600000xf32, #tpu.memory_space<hbm>> -> memref<2600000xf32, #tpu.memory_space<hbm>>
          tpu.enqueue_indirect_dma source(%dma_start3A_132 : memref<2600000xf32, #tpu.memory_space<hbm>>) target(%dma_start3A_126 : memref<128xf32, #tpu.memory_space<vmem>>) offsets(%dma_start3A_127 : memref<128xi32, #tpu.memory_space<vmem>>) semaphore(%arg7 : memref<!tpu.dma_semaphore, #tpu.memory_space<semaphore_mem>>)
          %add3A_133 = arith.constant 768 : i32
          %add3A_134 = arith.addi %mul3A_61, %add3A_133 : i32
          %add3A_135 = arith.constant 768 : i32
          %add3A_136 = arith.addi %mul3A_61, %add3A_135 : i32
          %dma_start3A_137 = arith.constant 0 : i32
          %dma_start3A_138 = tpu.memref_slice %arg6[%add3A_136] : memref<2048xf32, #tpu.memory_space<vmem>> -> memref<128xf32, #tpu.memory_space<vmem>>
          %dma_start3A_139 = tpu.memref_slice %arg5[%add3A_134] : memref<2048xi32, #tpu.memory_space<vmem>> -> memref<128xi32, #tpu.memory_space<vmem>>
          %dma_start3A_140 = arith.constant 0 : i32
          %dma_start3A_141 = tpu.memref_slice %arg3[%dma_start3A_137, %dma_start3A_140] : memref<1x2600000xf32, #tpu.memory_space<hbm>> -> memref<1x2600000xf32, #tpu.memory_space<hbm>>
          %dma_start3A_142 = tpu.memref_squeeze %dma_start3A_141 : memref<1x2600000xf32, #tpu.memory_space<hbm>> -> memref<2600000xf32, #tpu.memory_space<hbm>>
          %dma_start3A_143 = arith.constant 0 : i32
          %dma_start3A_144 = tpu.memref_slice %dma_start3A_142[%dma_start3A_143] : memref<2600000xf32, #tpu.memory_space<hbm>> -> memref<2600000xf32, #tpu.memory_space<hbm>>
          tpu.enqueue_indirect_dma source(%dma_start3A_144 : memref<2600000xf32, #tpu.memory_space<hbm>>) target(%dma_start3A_138 : memref<128xf32, #tpu.memory_space<vmem>>) offsets(%dma_start3A_139 : memref<128xi32, #tpu.memory_space<vmem>>) semaphore(%arg7 : memref<!tpu.dma_semaphore, #tpu.memory_space<semaphore_mem>>)
          %add3A_145 = arith.constant 896 : i32
          %add3A_146 = arith.addi %mul3A_61, %add3A_145 : i32
          %add3A_147 = arith.constant 896 : i32
          %add3A_148 = arith.addi %mul3A_61, %add3A_147 : i32
          %dma_start3A_149 = arith.constant 0 : i32
          %dma_start3A_150 = tpu.memref_slice %arg6[%add3A_148] : memref<2048xf32, #tpu.memory_space<vmem>> -> memref<128xf32, #tpu.memory_space<vmem>>
          %dma_start3A_151 = tpu.memref_slice %arg5[%add3A_146] : memref<2048xi32, #tpu.memory_space<vmem>> -> memref<128xi32, #tpu.memory_space<vmem>>
          %dma_start3A_152 = arith.constant 0 : i32
          %dma_start3A_153 = tpu.memref_slice %arg3[%dma_start3A_149, %dma_start3A_152] : memref<1x2600000xf32, #tpu.memory_space<hbm>> -> memref<1x2600000xf32, #tpu.memory_space<hbm>>
          %dma_start3A_154 = tpu.memref_squeeze %dma_start3A_153 : memref<1x2600000xf32, #tpu.memory_space<hbm>> -> memref<2600000xf32, #tpu.memory_space<hbm>>
          %dma_start3A_155 = arith.constant 0 : i32
          %dma_start3A_156 = tpu.memref_slice %dma_start3A_154[%dma_start3A_155] : memref<2600000xf32, #tpu.memory_space<hbm>> -> memref<2600000xf32, #tpu.memory_space<hbm>>
          tpu.enqueue_indirect_dma source(%dma_start3A_156 : memref<2600000xf32, #tpu.memory_space<hbm>>) target(%dma_start3A_150 : memref<128xf32, #tpu.memory_space<vmem>>) offsets(%dma_start3A_151 : memref<128xi32, #tpu.memory_space<vmem>>) semaphore(%arg7 : memref<!tpu.dma_semaphore, #tpu.memory_space<semaphore_mem>>)
          %dma_wait3A = arith.constant 0 : i32
          %dma_wait3A_157 = tpu.memref_slice %arg6[%add3A_65] : memref<2048xf32, #tpu.memory_space<vmem>> -> memref<128xf32, #tpu.memory_space<vmem>>
          %dma_wait3A_158 = tpu.memref_slice %arg5[%add3A_63] : memref<2048xi32, #tpu.memory_space<vmem>> -> memref<128xi32, #tpu.memory_space<vmem>>
          %dma_wait3A_159 = arith.constant 0 : i32
          %dma_wait3A_160 = tpu.memref_slice %arg3[%dma_wait3A, %dma_wait3A_159] : memref<1x2600000xf32, #tpu.memory_space<hbm>> -> memref<1x2600000xf32, #tpu.memory_space<hbm>>
          %dma_wait3A_161 = tpu.memref_squeeze %dma_wait3A_160 : memref<1x2600000xf32, #tpu.memory_space<hbm>> -> memref<2600000xf32, #tpu.memory_space<hbm>>
          %dma_wait3A_162 = arith.constant 0 : i32
          %dma_wait3A_163 = tpu.memref_slice %dma_wait3A_161[%dma_wait3A_162] : memref<2600000xf32, #tpu.memory_space<hbm>> -> memref<2600000xf32, #tpu.memory_space<hbm>>
          tpu.wait_indirect_dma semaphore(%arg7 : memref<!tpu.dma_semaphore, #tpu.memory_space<semaphore_mem>>) src(%dma_wait3A_163 : memref<2600000xf32, #tpu.memory_space<hbm>>) dst(%dma_wait3A_157 : memref<128xf32, #tpu.memory_space<vmem>>)
          %dma_wait3A_164 = arith.constant 0 : i32
          %dma_wait3A_165 = tpu.memref_slice %arg6[%add3A_76] : memref<2048xf32, #tpu.memory_space<vmem>> -> memref<128xf32, #tpu.memory_space<vmem>>
          %dma_wait3A_166 = tpu.memref_slice %arg5[%add3A_74] : memref<2048xi32, #tpu.memory_space<vmem>> -> memref<128xi32, #tpu.memory_space<vmem>>
          %dma_wait3A_167 = arith.constant 0 : i32
          %dma_wait3A_168 = tpu.memref_slice %arg3[%dma_wait3A_164, %dma_wait3A_167] : memref<1x2600000xf32, #tpu.memory_space<hbm>> -> memref<1x2600000xf32, #tpu.memory_space<hbm>>
          %dma_wait3A_169 = tpu.memref_squeeze %dma_wait3A_168 : memref<1x2600000xf32, #tpu.memory_space<hbm>> -> memref<2600000xf32, #tpu.memory_space<hbm>>
          %dma_wait3A_170 = arith.constant 0 : i32
          %dma_wait3A_171 = tpu.memref_slice %dma_wait3A_169[%dma_wait3A_170] : memref<2600000xf32, #tpu.memory_space<hbm>> -> memref<2600000xf32, #tpu.memory_space<hbm>>
          tpu.wait_indirect_dma semaphore(%arg7 : memref<!tpu.dma_semaphore, #tpu.memory_space<semaphore_mem>>) src(%dma_wait3A_171 : memref<2600000xf32, #tpu.memory_space<hbm>>) dst(%dma_wait3A_165 : memref<128xf32, #tpu.memory_space<vmem>>)
          %dma_wait3A_172 = arith.constant 0 : i32
          %dma_wait3A_173 = tpu.memref_slice %arg6[%add3A_88] : memref<2048xf32, #tpu.memory_space<vmem>> -> memref<128xf32, #tpu.memory_space<vmem>>
          %dma_wait3A_174 = tpu.memref_slice %arg5[%add3A_86] : memref<2048xi32, #tpu.memory_space<vmem>> -> memref<128xi32, #tpu.memory_space<vmem>>
          %dma_wait3A_175 = arith.constant 0 : i32
          %dma_wait3A_176 = tpu.memref_slice %arg3[%dma_wait3A_172, %dma_wait3A_175] : memref<1x2600000xf32, #tpu.memory_space<hbm>> -> memref<1x2600000xf32, #tpu.memory_space<hbm>>
          %dma_wait3A_177 = tpu.memref_squeeze %dma_wait3A_176 : memref<1x2600000xf32, #tpu.memory_space<hbm>> -> memref<2600000xf32, #tpu.memory_space<hbm>>
          %dma_wait3A_178 = arith.constant 0 : i32
          %dma_wait3A_179 = tpu.memref_slice %dma_wait3A_177[%dma_wait3A_178] : memref<2600000xf32, #tpu.memory_space<hbm>> -> memref<2600000xf32, #tpu.memory_space<hbm>>
          tpu.wait_indirect_dma semaphore(%arg7 : memref<!tpu.dma_semaphore, #tpu.memory_space<semaphore_mem>>) src(%dma_wait3A_179 : memref<2600000xf32, #tpu.memory_space<hbm>>) dst(%dma_wait3A_173 : memref<128xf32, #tpu.memory_space<vmem>>)
          %dma_wait3A_180 = arith.constant 0 : i32
          %dma_wait3A_181 = tpu.memref_slice %arg6[%add3A_100] : memref<2048xf32, #tpu.memory_space<vmem>> -> memref<128xf32, #tpu.memory_space<vmem>>
          %dma_wait3A_182 = tpu.memref_slice %arg5[%add3A_98] : memref<2048xi32, #tpu.memory_space<vmem>> -> memref<128xi32, #tpu.memory_space<vmem>>
          %dma_wait3A_183 = arith.constant 0 : i32
          %dma_wait3A_184 = tpu.memref_slice %arg3[%dma_wait3A_180, %dma_wait3A_183] : memref<1x2600000xf32, #tpu.memory_space<hbm>> -> memref<1x2600000xf32, #tpu.memory_space<hbm>>
          %dma_wait3A_185 = tpu.memref_squeeze %dma_wait3A_184 : memref<1x2600000xf32, #tpu.memory_space<hbm>> -> memref<2600000xf32, #tpu.memory_space<hbm>>
          %dma_wait3A_186 = arith.constant 0 : i32
          %dma_wait3A_187 = tpu.memref_slice %dma_wait3A_185[%dma_wait3A_186] : memref<2600000xf32, #tpu.memory_space<hbm>> -> memref<2600000xf32, #tpu.memory_space<hbm>>
          tpu.wait_indirect_dma semaphore(%arg7 : memref<!tpu.dma_semaphore, #tpu.memory_space<semaphore_mem>>) src(%dma_wait3A_187 : memref<2600000xf32, #tpu.memory_space<hbm>>) dst(%dma_wait3A_181 : memref<128xf32, #tpu.memory_space<vmem>>)
          %dma_wait3A_188 = arith.constant 0 : i32
          %dma_wait3A_189 = tpu.memref_slice %arg6[%add3A_112] : memref<2048xf32, #tpu.memory_space<vmem>> -> memref<128xf32, #tpu.memory_space<vmem>>
          %dma_wait3A_190 = tpu.memref_slice %arg5[%add3A_110] : memref<2048xi32, #tpu.memory_space<vmem>> -> memref<128xi32, #tpu.memory_space<vmem>>
          %dma_wait3A_191 = arith.constant 0 : i32
          %dma_wait3A_192 = tpu.memref_slice %arg3[%dma_wait3A_188, %dma_wait3A_191] : memref<1x2600000xf32, #tpu.memory_space<hbm>> -> memref<1x2600000xf32, #tpu.memory_space<hbm>>
          %dma_wait3A_193 = tpu.memref_squeeze %dma_wait3A_192 : memref<1x2600000xf32, #tpu.memory_space<hbm>> -> memref<2600000xf32, #tpu.memory_space<hbm>>
          %dma_wait3A_194 = arith.constant 0 : i32
          %dma_wait3A_195 = tpu.memref_slice %dma_wait3A_193[%dma_wait3A_194] : memref<2600000xf32, #tpu.memory_space<hbm>> -> memref<2600000xf32, #tpu.memory_space<hbm>>
          tpu.wait_indirect_dma semaphore(%arg7 : memref<!tpu.dma_semaphore, #tpu.memory_space<semaphore_mem>>) src(%dma_wait3A_195 : memref<2600000xf32, #tpu.memory_space<hbm>>) dst(%dma_wait3A_189 : memref<128xf32, #tpu.memory_space<vmem>>)
          %dma_wait3A_196 = arith.constant 0 : i32
          %dma_wait3A_197 = tpu.memref_slice %arg6[%add3A_124] : memref<2048xf32, #tpu.memory_space<vmem>> -> memref<128xf32, #tpu.memory_space<vmem>>
          %dma_wait3A_198 = tpu.memref_slice %arg5[%add3A_122] : memref<2048xi32, #tpu.memory_space<vmem>> -> memref<128xi32, #tpu.memory_space<vmem>>
          %dma_wait3A_199 = arith.constant 0 : i32
          %dma_wait3A_200 = tpu.memref_slice %arg3[%dma_wait3A_196, %dma_wait3A_199] : memref<1x2600000xf32, #tpu.memory_space<hbm>> -> memref<1x2600000xf32, #tpu.memory_space<hbm>>
          %dma_wait3A_201 = tpu.memref_squeeze %dma_wait3A_200 : memref<1x2600000xf32, #tpu.memory_space<hbm>> -> memref<2600000xf32, #tpu.memory_space<hbm>>
          %dma_wait3A_202 = arith.constant 0 : i32
          %dma_wait3A_203 = tpu.memref_slice %dma_wait3A_201[%dma_wait3A_202] : memref<2600000xf32, #tpu.memory_space<hbm>> -> memref<2600000xf32, #tpu.memory_space<hbm>>
          tpu.wait_indirect_dma semaphore(%arg7 : memref<!tpu.dma_semaphore, #tpu.memory_space<semaphore_mem>>) src(%dma_wait3A_203 : memref<2600000xf32, #tpu.memory_space<hbm>>) dst(%dma_wait3A_197 : memref<128xf32, #tpu.memory_space<vmem>>)
          %dma_wait3A_204 = arith.constant 0 : i32
          %dma_wait3A_205 = tpu.memref_slice %arg6[%add3A_136] : memref<2048xf32, #tpu.memory_space<vmem>> -> memref<128xf32, #tpu.memory_space<vmem>>
          %dma_wait3A_206 = tpu.memref_slice %arg5[%add3A_134] : memref<2048xi32, #tpu.memory_space<vmem>> -> memref<128xi32, #tpu.memory_space<vmem>>
          %dma_wait3A_207 = arith.constant 0 : i32
          %dma_wait3A_208 = tpu.memref_slice %arg3[%dma_wait3A_204, %dma_wait3A_207] : memref<1x2600000xf32, #tpu.memory_space<hbm>> -> memref<1x2600000xf32, #tpu.memory_space<hbm>>
          %dma_wait3A_209 = tpu.memref_squeeze %dma_wait3A_208 : memref<1x2600000xf32, #tpu.memory_space<hbm>> -> memref<2600000xf32, #tpu.memory_space<hbm>>
          %dma_wait3A_210 = arith.constant 0 : i32
          %dma_wait3A_211 = tpu.memref_slice %dma_wait3A_209[%dma_wait3A_210] : memref<2600000xf32, #tpu.memory_space<hbm>> -> memref<2600000xf32, #tpu.memory_space<hbm>>
          tpu.wait_indirect_dma semaphore(%arg7 : memref<!tpu.dma_semaphore, #tpu.memory_space<semaphore_mem>>) src(%dma_wait3A_211 : memref<2600000xf32, #tpu.memory_space<hbm>>) dst(%dma_wait3A_205 : memref<128xf32, #tpu.memory_space<vmem>>)
          %dma_wait3A_212 = arith.constant 0 : i32
          %dma_wait3A_213 = tpu.memref_slice %arg6[%add3A_148] : memref<2048xf32, #tpu.memory_space<vmem>> -> memref<128xf32, #tpu.memory_space<vmem>>
          %dma_wait3A_214 = tpu.memref_slice %arg5[%add3A_146] : memref<2048xi32, #tpu.memory_space<vmem>> -> memref<128xi32, #tpu.memory_space<vmem>>
          %dma_wait3A_215 = arith.constant 0 : i32
          %dma_wait3A_216 = tpu.memref_slice %arg3[%dma_wait3A_212, %dma_wait3A_215] : memref<1x2600000xf32, #tpu.memory_space<hbm>> -> memref<1x2600000xf32, #tpu.memory_space<hbm>>
          %dma_wait3A_217 = tpu.memref_squeeze %dma_wait3A_216 : memref<1x2600000xf32, #tpu.memory_space<hbm>> -> memref<2600000xf32, #tpu.memory_space<hbm>>
          %dma_wait3A_218 = arith.constant 0 : i32
          %dma_wait3A_219 = tpu.memref_slice %dma_wait3A_217[%dma_wait3A_218] : memref<2600000xf32, #tpu.memory_space<hbm>> -> memref<2600000xf32, #tpu.memory_space<hbm>>
          tpu.wait_indirect_dma semaphore(%arg7 : memref<!tpu.dma_semaphore, #tpu.memory_space<semaphore_mem>>) src(%dma_wait3A_219 : memref<2600000xf32, #tpu.memory_space<hbm>>) dst(%dma_wait3A_213 : memref<128xf32, #tpu.memory_space<vmem>>)
        }
        %scan3A_56 = arith.constant 2 : i32
        %mul3A_57 = arith.constant 2048 : i32
        %mul3A_58 = arith.muli %select_n3A_42, %mul3A_57 : i32
        "tpu.region"() ({
          %run_scoped3A = tpu.sem_alloc : memref<!tpu.dma_semaphore, #tpu.memory_space<semaphore_mem>>
          %dma_start3A = tpu.memref_slice %arg4[%select_n3A, %mul3A_58] : memref<26x16384xf32, #tpu.memory_space<hbm>> -> memref<1x2048xf32, #tpu.memory_space<hbm>>
          %dma_start3A_59 = tpu.memref_squeeze %dma_start3A : memref<1x2048xf32, #tpu.memory_space<hbm>> -> memref<2048xf32, #tpu.memory_space<hbm>>
          %dma_start3A_60 = tpu.memref_slice %arg4[%select_n3A, %mul3A_58] : memref<26x16384xf32, #tpu.memory_space<hbm>> -> memref<1x2048xf32, #tpu.memory_space<hbm>>
          %dma_start3A_61 = tpu.memref_squeeze %dma_start3A_60 : memref<1x2048xf32, #tpu.memory_space<hbm>> -> memref<2048xf32, #tpu.memory_space<hbm>>
          tpu.enqueue_dma source(%arg6 : memref<2048xf32, #tpu.memory_space<vmem>>) target(%dma_start3A_61 : memref<2048xf32, #tpu.memory_space<hbm>>) target_semaphore(%run_scoped3A : memref<!tpu.dma_semaphore, #tpu.memory_space<semaphore_mem>>)
          %dma_wait3A = tpu.memref_slice %arg4[%select_n3A, %mul3A_58] : memref<26x16384xf32, #tpu.memory_space<hbm>> -> memref<1x2048xf32, #tpu.memory_space<hbm>>
          %dma_wait3A_62 = tpu.memref_squeeze %dma_wait3A : memref<1x2048xf32, #tpu.memory_space<hbm>> -> memref<2048xf32, #tpu.memory_space<hbm>>
          %dma_wait3A_63 = tpu.memref_slice %arg4[%select_n3A, %mul3A_58] : memref<26x16384xf32, #tpu.memory_space<hbm>> -> memref<1x2048xf32, #tpu.memory_space<hbm>>
          %dma_wait3A_64 = tpu.memref_squeeze %dma_wait3A_63 : memref<1x2048xf32, #tpu.memory_space<hbm>> -> memref<2048xf32, #tpu.memory_space<hbm>>
          tpu.wait_dma2 semaphore(%run_scoped3A : memref<!tpu.dma_semaphore, #tpu.memory_space<semaphore_mem>>) src(%arg6 : memref<2048xf32, #tpu.memory_space<vmem>>) dst(%dma_wait3A_64 : memref<2048xf32, #tpu.memory_space<hbm>>)
          tpu.yield
        }) : () -> ()
      } else {
      }
    }
    %scan3A_5 = arith.constant 7 : i32
    return
  }
}

#map = affine_map<(d0, d1) -> (0, 0)>
module attributes {stable_mosaic.version = 14 : i64} {
  func.func @k(%arg0: i32, %arg1: i32, %arg2: memref<416x100000xf32, #tpu.memory_space<hbm>>, %arg3: memref<26x16384xi32, #tpu.memory_space<hbm>>, %arg4: memref<224x16384xf32, #tpu.memory_space<hbm>>, %arg5: memref<16x100000xf32, #tpu.memory_space<vmem_shared>>, %arg6: memref<2x2048xi32, #tpu.memory_space<vmem>>, %arg7: memref<2x2048xf32, #tpu.memory_space<vmem>>, %arg8: memref<!tpu.dma_semaphore, #tpu.memory_space<semaphore_mem>>, %arg9: memref<!tpu.dma_semaphore, #tpu.memory_space<semaphore_mem>>, %arg10: memref<!tpu.dma_semaphore, #tpu.memory_space<semaphore_mem>>) attributes {dimension_semantics = [#tpu.dimension_semantics<core_parallel>, #tpu.dimension_semantics<subcore_parallel>], iteration_bounds = array<i64: 2, 16>, scalar_prefetch = 0 : i64, scratch_operands = 6 : i64, tpu.core_type = #tpu.core_type<sc_vector_subcore>, window_params = [{transform_indices = #map}, {transform_indices = #map}, {transform_indices = #map}]} {
    %mul3A = arith.constant 2 : i32
    %mul3A_0 = arith.muli %arg1, %mul3A : i32
    %add3A = arith.addi %mul3A_0, %arg0 : i32
    %scan3A = arith.constant 0 : i32
    %scan3A_1 = arith.constant 0 : i32
    %scan3A_2 = arith.constant 7 : i32
    %scan3A_3 = arith.addi %scan3A_1, %scan3A_2 : i32
    %scan3A_4 = arith.constant 1 : i32
    scf.for %scan3A_6 = %scan3A_1 to %scan3A_3 step %scan3A_4  : i32 {
      %mul3A_7 = arith.constant 7 : i32
      %mul3A_8 = arith.muli %add3A, %mul3A_7 : i32
      %add3A_9 = arith.addi %mul3A_8, %scan3A_6 : i32
      %add3A_10 = arith.constant 0 : i32
      %add3A_11 = arith.addi %add3A_10, %add3A_9 : i32
      %jit3A = arith.constant 16 : i32
      %div3A = arith.divsi %add3A_11, %jit3A : i32
      %sign3A = arith.constant 0 : i32
      %sign3A_12 = arith.cmpi sgt, %add3A_11, %sign3A : i32
      %sign3A_13 = arith.extui %sign3A_12 : i1 to i32
      %sign3A_14 = arith.constant 0 : i32
      %sign3A_15 = arith.cmpi slt, %add3A_11, %sign3A_14 : i32
      %sign3A_16 = arith.extui %sign3A_15 : i1 to i32
      %sign3A_17 = arith.subi %sign3A_13, %sign3A_16 : i32
      %sign3A_18 = arith.constant 0 : i32
      %sign3A_19 = arith.cmpi sgt, %jit3A, %sign3A_18 : i32
      %sign3A_20 = arith.extui %sign3A_19 : i1 to i32
      %sign3A_21 = arith.constant 0 : i32
      %sign3A_22 = arith.cmpi slt, %jit3A, %sign3A_21 : i32
      %sign3A_23 = arith.extui %sign3A_22 : i1 to i32
      %sign3A_24 = arith.subi %sign3A_20, %sign3A_23 : i32
      %ne3A = arith.cmpi ne, %sign3A_17, %sign3A_24 : i32
      %rem3A = arith.remsi %add3A_11, %jit3A : i32
      %ne3A_25 = arith.constant 0 : i32
      %ne3A_26 = arith.cmpi ne, %rem3A, %ne3A_25 : i32
      %and3A = arith.andi %ne3A, %ne3A_26 : i1
      %sub3A = arith.constant 1 : i32
      %sub3A_27 = arith.subi %div3A, %sub3A : i32
      %select_n3A = arith.select %and3A, %sub3A_27, %div3A : i32
      %add3A_28 = arith.constant 0 : i32
      %add3A_29 = arith.addi %add3A_28, %add3A_9 : i32
      "tpu.region"() ({
        %run_scoped3A = tpu.sem_alloc : memref<!tpu.dma_semaphore, #tpu.memory_space<semaphore_mem>>
        %dma_start3A_60 = arith.constant 0 : i32
        %dma_start3A_61 = tpu.memref_slice %arg5[%arg1, %dma_start3A_60] : memref<16x100000xf32, #tpu.memory_space<vmem_shared>> -> memref<1x100000xf32, #tpu.memory_space<vmem_shared>>
        %dma_start3A_62 = tpu.memref_squeeze %dma_start3A_61 : memref<1x100000xf32, #tpu.memory_space<vmem_shared>> -> memref<100000xf32, #tpu.memory_space<vmem_shared>>
        %dma_start3A_63 = arith.constant 0 : i32
        %dma_start3A_64 = tpu.memref_slice %arg2[%add3A_29, %dma_start3A_63] : memref<416x100000xf32, #tpu.memory_space<hbm>> -> memref<1x100000xf32, #tpu.memory_space<hbm>>
        %dma_start3A_65 = tpu.memref_squeeze %dma_start3A_64 : memref<1x100000xf32, #tpu.memory_space<hbm>> -> memref<100000xf32, #tpu.memory_space<hbm>>
        tpu.enqueue_dma source(%dma_start3A_65 : memref<100000xf32, #tpu.memory_space<hbm>>) target(%dma_start3A_62 : memref<100000xf32, #tpu.memory_space<vmem_shared>>) target_semaphore(%run_scoped3A : memref<!tpu.dma_semaphore, #tpu.memory_space<semaphore_mem>>)
        %dma_wait3A_66 = arith.constant 0 : i32
        %dma_wait3A_67 = tpu.memref_slice %arg5[%arg1, %dma_wait3A_66] : memref<16x100000xf32, #tpu.memory_space<vmem_shared>> -> memref<1x100000xf32, #tpu.memory_space<vmem_shared>>
        %dma_wait3A_68 = tpu.memref_squeeze %dma_wait3A_67 : memref<1x100000xf32, #tpu.memory_space<vmem_shared>> -> memref<100000xf32, #tpu.memory_space<vmem_shared>>
        %dma_wait3A_69 = arith.constant 0 : i32
        %dma_wait3A_70 = tpu.memref_slice %arg2[%add3A_29, %dma_wait3A_69] : memref<416x100000xf32, #tpu.memory_space<hbm>> -> memref<1x100000xf32, #tpu.memory_space<hbm>>
        %dma_wait3A_71 = tpu.memref_squeeze %dma_wait3A_70 : memref<1x100000xf32, #tpu.memory_space<hbm>> -> memref<100000xf32, #tpu.memory_space<hbm>>
        tpu.wait_dma2 semaphore(%run_scoped3A : memref<!tpu.dma_semaphore, #tpu.memory_space<semaphore_mem>>) src(%dma_wait3A_71 : memref<100000xf32, #tpu.memory_space<hbm>>) dst(%dma_wait3A_68 : memref<100000xf32, #tpu.memory_space<vmem_shared>>)
        tpu.yield
      }) : () -> ()
      %dma_start3A = arith.constant 0 : i32
      %dma_start3A_30 = arith.constant 0 : i32
      %dma_start3A_31 = tpu.memref_slice %arg6[%dma_start3A, %dma_start3A_30] : memref<2x2048xi32, #tpu.memory_space<vmem>> -> memref<1x2048xi32, #tpu.memory_space<vmem>>
      %dma_start3A_32 = tpu.memref_squeeze %dma_start3A_31 : memref<1x2048xi32, #tpu.memory_space<vmem>> -> memref<2048xi32, #tpu.memory_space<vmem>>
      %dma_start3A_33 = arith.constant 0 : i32
      %dma_start3A_34 = tpu.memref_slice %arg3[%select_n3A, %dma_start3A_33] : memref<26x16384xi32, #tpu.memory_space<hbm>> -> memref<1x2048xi32, #tpu.memory_space<hbm>>
      %dma_start3A_35 = tpu.memref_squeeze %dma_start3A_34 : memref<1x2048xi32, #tpu.memory_space<hbm>> -> memref<2048xi32, #tpu.memory_space<hbm>>
      %dma_start3A_36 = arith.constant 0 : i32
      %dma_start3A_37 = tpu.memref_slice %arg6[%dma_start3A, %dma_start3A_36] : memref<2x2048xi32, #tpu.memory_space<vmem>> -> memref<1x2048xi32, #tpu.memory_space<vmem>>
      %dma_start3A_38 = tpu.memref_squeeze %dma_start3A_37 : memref<1x2048xi32, #tpu.memory_space<vmem>> -> memref<2048xi32, #tpu.memory_space<vmem>>
      %dma_start3A_39 = arith.constant 0 : i32
      %dma_start3A_40 = tpu.memref_slice %arg3[%select_n3A, %dma_start3A_39] : memref<26x16384xi32, #tpu.memory_space<hbm>> -> memref<1x2048xi32, #tpu.memory_space<hbm>>
      %dma_start3A_41 = tpu.memref_squeeze %dma_start3A_40 : memref<1x2048xi32, #tpu.memory_space<hbm>> -> memref<2048xi32, #tpu.memory_space<hbm>>
      tpu.enqueue_dma source(%dma_start3A_41 : memref<2048xi32, #tpu.memory_space<hbm>>) target(%dma_start3A_38 : memref<2048xi32, #tpu.memory_space<vmem>>) target_semaphore(%arg9 : memref<!tpu.dma_semaphore, #tpu.memory_space<semaphore_mem>>)
      %dma_wait3A = arith.constant 0 : i32
      %dma_wait3A_42 = arith.constant 0 : i32
      %dma_wait3A_43 = tpu.memref_slice %arg6[%dma_wait3A, %dma_wait3A_42] : memref<2x2048xi32, #tpu.memory_space<vmem>> -> memref<1x2048xi32, #tpu.memory_space<vmem>>
      %dma_wait3A_44 = tpu.memref_squeeze %dma_wait3A_43 : memref<1x2048xi32, #tpu.memory_space<vmem>> -> memref<2048xi32, #tpu.memory_space<vmem>>
      %dma_wait3A_45 = arith.constant 0 : i32
      %dma_wait3A_46 = tpu.memref_slice %arg3[%select_n3A, %dma_wait3A_45] : memref<26x16384xi32, #tpu.memory_space<hbm>> -> memref<1x2048xi32, #tpu.memory_space<hbm>>
      %dma_wait3A_47 = tpu.memref_squeeze %dma_wait3A_46 : memref<1x2048xi32, #tpu.memory_space<hbm>> -> memref<2048xi32, #tpu.memory_space<hbm>>
      %dma_wait3A_48 = arith.constant 0 : i32
      %dma_wait3A_49 = tpu.memref_slice %arg6[%dma_wait3A, %dma_wait3A_48] : memref<2x2048xi32, #tpu.memory_space<vmem>> -> memref<1x2048xi32, #tpu.memory_space<vmem>>
      %dma_wait3A_50 = tpu.memref_squeeze %dma_wait3A_49 : memref<1x2048xi32, #tpu.memory_space<vmem>> -> memref<2048xi32, #tpu.memory_space<vmem>>
      %dma_wait3A_51 = arith.constant 0 : i32
      %dma_wait3A_52 = tpu.memref_slice %arg3[%select_n3A, %dma_wait3A_51] : memref<26x16384xi32, #tpu.memory_space<hbm>> -> memref<1x2048xi32, #tpu.memory_space<hbm>>
      %dma_wait3A_53 = tpu.memref_squeeze %dma_wait3A_52 : memref<1x2048xi32, #tpu.memory_space<hbm>> -> memref<2048xi32, #tpu.memory_space<hbm>>
      tpu.wait_dma2 semaphore(%arg9 : memref<!tpu.dma_semaphore, #tpu.memory_space<semaphore_mem>>) src(%dma_wait3A_53 : memref<2048xi32, #tpu.memory_space<hbm>>) dst(%dma_wait3A_50 : memref<2048xi32, #tpu.memory_space<vmem>>)
      %scan3A_54 = arith.constant 0 : i32
      %scan3A_55 = arith.constant 0 : i32
      %scan3A_56 = arith.constant 8 : i32
      %scan3A_57 = arith.addi %scan3A_55, %scan3A_56 : i32
      %scan3A_58 = arith.constant 1 : i32
      scf.for %scan3A_60 = %scan3A_55 to %scan3A_57 step %scan3A_58  : i32 {
        %rem3A_61 = arith.constant 2 : i32
        %rem3A_62 = arith.remsi %scan3A_60, %rem3A_61 : i32
        %add3A_63 = arith.constant 1 : i32
        %add3A_64 = arith.addi %scan3A_60, %add3A_63 : i32
        %rem3A_65 = arith.constant 2 : i32
        %rem3A_66 = arith.remsi %add3A_64, %rem3A_65 : i32
        %add3A_67 = arith.constant 1 : i32
        %add3A_68 = arith.addi %scan3A_60, %add3A_67 : i32
        %lt3A = arith.constant 8 : i32
        %lt3A_69 = arith.cmpi slt, %add3A_68, %lt3A : i32
        %convert_element_type3A = arith.extui %lt3A_69 : i1 to i32
        %cond3A = arith.constant 0 : i32
        %cond3A_70 = arith.cmpi ne, %convert_element_type3A, %cond3A : i32
        scf.if %cond3A_70 {
          %add3A_86 = arith.constant 1 : i32
          %add3A_87 = arith.addi %scan3A_60, %add3A_86 : i32
          %mul3A_88 = arith.constant 2048 : i32
          %mul3A_89 = arith.muli %add3A_87, %mul3A_88 : i32
          %dma_start3A_90 = arith.constant 0 : i32
          %dma_start3A_91 = tpu.memref_slice %arg6[%rem3A_66, %dma_start3A_90] : memref<2x2048xi32, #tpu.memory_space<vmem>> -> memref<1x2048xi32, #tpu.memory_space<vmem>>
          %dma_start3A_92 = tpu.memref_squeeze %dma_start3A_91 : memref<1x2048xi32, #tpu.memory_space<vmem>> -> memref<2048xi32, #tpu.memory_space<vmem>>
          %dma_start3A_93 = tpu.memref_slice %arg3[%select_n3A, %mul3A_89] : memref<26x16384xi32, #tpu.memory_space<hbm>> -> memref<1x2048xi32, #tpu.memory_space<hbm>>
          %dma_start3A_94 = tpu.memref_squeeze %dma_start3A_93 : memref<1x2048xi32, #tpu.memory_space<hbm>> -> memref<2048xi32, #tpu.memory_space<hbm>>
          %dma_start3A_95 = arith.constant 0 : i32
          %dma_start3A_96 = tpu.memref_slice %arg6[%rem3A_66, %dma_start3A_95] : memref<2x2048xi32, #tpu.memory_space<vmem>> -> memref<1x2048xi32, #tpu.memory_space<vmem>>
          %dma_start3A_97 = tpu.memref_squeeze %dma_start3A_96 : memref<1x2048xi32, #tpu.memory_space<vmem>> -> memref<2048xi32, #tpu.memory_space<vmem>>
          %dma_start3A_98 = tpu.memref_slice %arg3[%select_n3A, %mul3A_89] : memref<26x16384xi32, #tpu.memory_space<hbm>> -> memref<1x2048xi32, #tpu.memory_space<hbm>>
          %dma_start3A_99 = tpu.memref_squeeze %dma_start3A_98 : memref<1x2048xi32, #tpu.memory_space<hbm>> -> memref<2048xi32, #tpu.memory_space<hbm>>
          tpu.enqueue_dma source(%dma_start3A_99 : memref<2048xi32, #tpu.memory_space<hbm>>) target(%dma_start3A_97 : memref<2048xi32, #tpu.memory_space<vmem>>) target_semaphore(%arg9 : memref<!tpu.dma_semaphore, #tpu.memory_space<semaphore_mem>>)
        } else {
        }
        %scan3A_71 = arith.constant 0 : i32
        %scan3A_72 = arith.constant 0 : i32
        %scan3A_73 = arith.constant 2 : i32
        %scan3A_74 = arith.addi %scan3A_72, %scan3A_73 : i32
        %scan3A_75 = arith.constant 1 : i32
        scf.for %scan3A_86 = %scan3A_72 to %scan3A_74 step %scan3A_75  : i32 {
          %mul3A_87 = arith.constant 1024 : i32
          %mul3A_88 = arith.muli %scan3A_86, %mul3A_87 : i32
          %add3A_89 = arith.constant 0 : i32
          %add3A_90 = arith.addi %mul3A_88, %add3A_89 : i32
          %add3A_91 = arith.constant 0 : i32
          %add3A_92 = arith.addi %mul3A_88, %add3A_91 : i32
          %dma_start3A_93 = arith.constant 0 : i32
          %dma_start3A_94 = tpu.memref_slice %arg7[%rem3A_62, %dma_start3A_93] : memref<2x2048xf32, #tpu.memory_space<vmem>> -> memref<1x2048xf32, #tpu.memory_space<vmem>>
          %dma_start3A_95 = tpu.memref_squeeze %dma_start3A_94 : memref<1x2048xf32, #tpu.memory_space<vmem>> -> memref<2048xf32, #tpu.memory_space<vmem>>
          %dma_start3A_96 = tpu.memref_slice %dma_start3A_95[%add3A_92] : memref<2048xf32, #tpu.memory_space<vmem>> -> memref<128xf32, #tpu.memory_space<vmem>>
          %dma_start3A_97 = arith.constant 0 : i32
          %dma_start3A_98 = tpu.memref_slice %arg6[%rem3A_62, %dma_start3A_97] : memref<2x2048xi32, #tpu.memory_space<vmem>> -> memref<1x2048xi32, #tpu.memory_space<vmem>>
          %dma_start3A_99 = tpu.memref_squeeze %dma_start3A_98 : memref<1x2048xi32, #tpu.memory_space<vmem>> -> memref<2048xi32, #tpu.memory_space<vmem>>
          %dma_start3A_100 = tpu.memref_slice %dma_start3A_99[%add3A_90] : memref<2048xi32, #tpu.memory_space<vmem>> -> memref<128xi32, #tpu.memory_space<vmem>>
          %dma_start3A_101 = arith.constant 0 : i32
          %dma_start3A_102 = tpu.memref_slice %arg5[%arg1, %dma_start3A_101] : memref<16x100000xf32, #tpu.memory_space<vmem_shared>> -> memref<1x100000xf32, #tpu.memory_space<vmem_shared>>
          %dma_start3A_103 = tpu.memref_squeeze %dma_start3A_102 : memref<1x100000xf32, #tpu.memory_space<vmem_shared>> -> memref<100000xf32, #tpu.memory_space<vmem_shared>>
          %dma_start3A_104 = arith.constant 0 : i32
          %dma_start3A_105 = tpu.memref_slice %dma_start3A_103[%dma_start3A_104] : memref<100000xf32, #tpu.memory_space<vmem_shared>> -> memref<100000xf32, #tpu.memory_space<vmem_shared>>
          tpu.enqueue_indirect_dma source(%dma_start3A_105 : memref<100000xf32, #tpu.memory_space<vmem_shared>>) target(%dma_start3A_96 : memref<128xf32, #tpu.memory_space<vmem>>) offsets(%dma_start3A_100 : memref<128xi32, #tpu.memory_space<vmem>>) semaphore(%arg8 : memref<!tpu.dma_semaphore, #tpu.memory_space<semaphore_mem>>)
          %add3A_106 = arith.constant 128 : i32
          %add3A_107 = arith.addi %mul3A_88, %add3A_106 : i32
          %add3A_108 = arith.constant 128 : i32
          %add3A_109 = arith.addi %mul3A_88, %add3A_108 : i32
          %dma_start3A_110 = arith.constant 0 : i32
          %dma_start3A_111 = tpu.memref_slice %arg7[%rem3A_62, %dma_start3A_110] : memref<2x2048xf32, #tpu.memory_space<vmem>> -> memref<1x2048xf32, #tpu.memory_space<vmem>>
          %dma_start3A_112 = tpu.memref_squeeze %dma_start3A_111 : memref<1x2048xf32, #tpu.memory_space<vmem>> -> memref<2048xf32, #tpu.memory_space<vmem>>
          %dma_start3A_113 = tpu.memref_slice %dma_start3A_112[%add3A_109] : memref<2048xf32, #tpu.memory_space<vmem>> -> memref<128xf32, #tpu.memory_space<vmem>>
          %dma_start3A_114 = arith.constant 0 : i32
          %dma_start3A_115 = tpu.memref_slice %arg6[%rem3A_62, %dma_start3A_114] : memref<2x2048xi32, #tpu.memory_space<vmem>> -> memref<1x2048xi32, #tpu.memory_space<vmem>>
          %dma_start3A_116 = tpu.memref_squeeze %dma_start3A_115 : memref<1x2048xi32, #tpu.memory_space<vmem>> -> memref<2048xi32, #tpu.memory_space<vmem>>
          %dma_start3A_117 = tpu.memref_slice %dma_start3A_116[%add3A_107] : memref<2048xi32, #tpu.memory_space<vmem>> -> memref<128xi32, #tpu.memory_space<vmem>>
          %dma_start3A_118 = arith.constant 0 : i32
          %dma_start3A_119 = tpu.memref_slice %arg5[%arg1, %dma_start3A_118] : memref<16x100000xf32, #tpu.memory_space<vmem_shared>> -> memref<1x100000xf32, #tpu.memory_space<vmem_shared>>
          %dma_start3A_120 = tpu.memref_squeeze %dma_start3A_119 : memref<1x100000xf32, #tpu.memory_space<vmem_shared>> -> memref<100000xf32, #tpu.memory_space<vmem_shared>>
          %dma_start3A_121 = arith.constant 0 : i32
          %dma_start3A_122 = tpu.memref_slice %dma_start3A_120[%dma_start3A_121] : memref<100000xf32, #tpu.memory_space<vmem_shared>> -> memref<100000xf32, #tpu.memory_space<vmem_shared>>
          tpu.enqueue_indirect_dma source(%dma_start3A_122 : memref<100000xf32, #tpu.memory_space<vmem_shared>>) target(%dma_start3A_113 : memref<128xf32, #tpu.memory_space<vmem>>) offsets(%dma_start3A_117 : memref<128xi32, #tpu.memory_space<vmem>>) semaphore(%arg8 : memref<!tpu.dma_semaphore, #tpu.memory_space<semaphore_mem>>)
          %add3A_123 = arith.constant 256 : i32
          %add3A_124 = arith.addi %mul3A_88, %add3A_123 : i32
          %add3A_125 = arith.constant 256 : i32
          %add3A_126 = arith.addi %mul3A_88, %add3A_125 : i32
          %dma_start3A_127 = arith.constant 0 : i32
          %dma_start3A_128 = tpu.memref_slice %arg7[%rem3A_62, %dma_start3A_127] : memref<2x2048xf32, #tpu.memory_space<vmem>> -> memref<1x2048xf32, #tpu.memory_space<vmem>>
          %dma_start3A_129 = tpu.memref_squeeze %dma_start3A_128 : memref<1x2048xf32, #tpu.memory_space<vmem>> -> memref<2048xf32, #tpu.memory_space<vmem>>
          %dma_start3A_130 = tpu.memref_slice %dma_start3A_129[%add3A_126] : memref<2048xf32, #tpu.memory_space<vmem>> -> memref<128xf32, #tpu.memory_space<vmem>>
          %dma_start3A_131 = arith.constant 0 : i32
          %dma_start3A_132 = tpu.memref_slice %arg6[%rem3A_62, %dma_start3A_131] : memref<2x2048xi32, #tpu.memory_space<vmem>> -> memref<1x2048xi32, #tpu.memory_space<vmem>>
          %dma_start3A_133 = tpu.memref_squeeze %dma_start3A_132 : memref<1x2048xi32, #tpu.memory_space<vmem>> -> memref<2048xi32, #tpu.memory_space<vmem>>
          %dma_start3A_134 = tpu.memref_slice %dma_start3A_133[%add3A_124] : memref<2048xi32, #tpu.memory_space<vmem>> -> memref<128xi32, #tpu.memory_space<vmem>>
          %dma_start3A_135 = arith.constant 0 : i32
          %dma_start3A_136 = tpu.memref_slice %arg5[%arg1, %dma_start3A_135] : memref<16x100000xf32, #tpu.memory_space<vmem_shared>> -> memref<1x100000xf32, #tpu.memory_space<vmem_shared>>
          %dma_start3A_137 = tpu.memref_squeeze %dma_start3A_136 : memref<1x100000xf32, #tpu.memory_space<vmem_shared>> -> memref<100000xf32, #tpu.memory_space<vmem_shared>>
          %dma_start3A_138 = arith.constant 0 : i32
          %dma_start3A_139 = tpu.memref_slice %dma_start3A_137[%dma_start3A_138] : memref<100000xf32, #tpu.memory_space<vmem_shared>> -> memref<100000xf32, #tpu.memory_space<vmem_shared>>
          tpu.enqueue_indirect_dma source(%dma_start3A_139 : memref<100000xf32, #tpu.memory_space<vmem_shared>>) target(%dma_start3A_130 : memref<128xf32, #tpu.memory_space<vmem>>) offsets(%dma_start3A_134 : memref<128xi32, #tpu.memory_space<vmem>>) semaphore(%arg8 : memref<!tpu.dma_semaphore, #tpu.memory_space<semaphore_mem>>)
          %add3A_140 = arith.constant 384 : i32
          %add3A_141 = arith.addi %mul3A_88, %add3A_140 : i32
          %add3A_142 = arith.constant 384 : i32
          %add3A_143 = arith.addi %mul3A_88, %add3A_142 : i32
          %dma_start3A_144 = arith.constant 0 : i32
          %dma_start3A_145 = tpu.memref_slice %arg7[%rem3A_62, %dma_start3A_144] : memref<2x2048xf32, #tpu.memory_space<vmem>> -> memref<1x2048xf32, #tpu.memory_space<vmem>>
          %dma_start3A_146 = tpu.memref_squeeze %dma_start3A_145 : memref<1x2048xf32, #tpu.memory_space<vmem>> -> memref<2048xf32, #tpu.memory_space<vmem>>
          %dma_start3A_147 = tpu.memref_slice %dma_start3A_146[%add3A_143] : memref<2048xf32, #tpu.memory_space<vmem>> -> memref<128xf32, #tpu.memory_space<vmem>>
          %dma_start3A_148 = arith.constant 0 : i32
          %dma_start3A_149 = tpu.memref_slice %arg6[%rem3A_62, %dma_start3A_148] : memref<2x2048xi32, #tpu.memory_space<vmem>> -> memref<1x2048xi32, #tpu.memory_space<vmem>>
          %dma_start3A_150 = tpu.memref_squeeze %dma_start3A_149 : memref<1x2048xi32, #tpu.memory_space<vmem>> -> memref<2048xi32, #tpu.memory_space<vmem>>
          %dma_start3A_151 = tpu.memref_slice %dma_start3A_150[%add3A_141] : memref<2048xi32, #tpu.memory_space<vmem>> -> memref<128xi32, #tpu.memory_space<vmem>>
          %dma_start3A_152 = arith.constant 0 : i32
          %dma_start3A_153 = tpu.memref_slice %arg5[%arg1, %dma_start3A_152] : memref<16x100000xf32, #tpu.memory_space<vmem_shared>> -> memref<1x100000xf32, #tpu.memory_space<vmem_shared>>
          %dma_start3A_154 = tpu.memref_squeeze %dma_start3A_153 : memref<1x100000xf32, #tpu.memory_space<vmem_shared>> -> memref<100000xf32, #tpu.memory_space<vmem_shared>>
          %dma_start3A_155 = arith.constant 0 : i32
          %dma_start3A_156 = tpu.memref_slice %dma_start3A_154[%dma_start3A_155] : memref<100000xf32, #tpu.memory_space<vmem_shared>> -> memref<100000xf32, #tpu.memory_space<vmem_shared>>
          tpu.enqueue_indirect_dma source(%dma_start3A_156 : memref<100000xf32, #tpu.memory_space<vmem_shared>>) target(%dma_start3A_147 : memref<128xf32, #tpu.memory_space<vmem>>) offsets(%dma_start3A_151 : memref<128xi32, #tpu.memory_space<vmem>>) semaphore(%arg8 : memref<!tpu.dma_semaphore, #tpu.memory_space<semaphore_mem>>)
          %add3A_157 = arith.constant 512 : i32
          %add3A_158 = arith.addi %mul3A_88, %add3A_157 : i32
          %add3A_159 = arith.constant 512 : i32
          %add3A_160 = arith.addi %mul3A_88, %add3A_159 : i32
          %dma_start3A_161 = arith.constant 0 : i32
          %dma_start3A_162 = tpu.memref_slice %arg7[%rem3A_62, %dma_start3A_161] : memref<2x2048xf32, #tpu.memory_space<vmem>> -> memref<1x2048xf32, #tpu.memory_space<vmem>>
          %dma_start3A_163 = tpu.memref_squeeze %dma_start3A_162 : memref<1x2048xf32, #tpu.memory_space<vmem>> -> memref<2048xf32, #tpu.memory_space<vmem>>
          %dma_start3A_164 = tpu.memref_slice %dma_start3A_163[%add3A_160] : memref<2048xf32, #tpu.memory_space<vmem>> -> memref<128xf32, #tpu.memory_space<vmem>>
          %dma_start3A_165 = arith.constant 0 : i32
          %dma_start3A_166 = tpu.memref_slice %arg6[%rem3A_62, %dma_start3A_165] : memref<2x2048xi32, #tpu.memory_space<vmem>> -> memref<1x2048xi32, #tpu.memory_space<vmem>>
          %dma_start3A_167 = tpu.memref_squeeze %dma_start3A_166 : memref<1x2048xi32, #tpu.memory_space<vmem>> -> memref<2048xi32, #tpu.memory_space<vmem>>
          %dma_start3A_168 = tpu.memref_slice %dma_start3A_167[%add3A_158] : memref<2048xi32, #tpu.memory_space<vmem>> -> memref<128xi32, #tpu.memory_space<vmem>>
          %dma_start3A_169 = arith.constant 0 : i32
          %dma_start3A_170 = tpu.memref_slice %arg5[%arg1, %dma_start3A_169] : memref<16x100000xf32, #tpu.memory_space<vmem_shared>> -> memref<1x100000xf32, #tpu.memory_space<vmem_shared>>
          %dma_start3A_171 = tpu.memref_squeeze %dma_start3A_170 : memref<1x100000xf32, #tpu.memory_space<vmem_shared>> -> memref<100000xf32, #tpu.memory_space<vmem_shared>>
          %dma_start3A_172 = arith.constant 0 : i32
          %dma_start3A_173 = tpu.memref_slice %dma_start3A_171[%dma_start3A_172] : memref<100000xf32, #tpu.memory_space<vmem_shared>> -> memref<100000xf32, #tpu.memory_space<vmem_shared>>
          tpu.enqueue_indirect_dma source(%dma_start3A_173 : memref<100000xf32, #tpu.memory_space<vmem_shared>>) target(%dma_start3A_164 : memref<128xf32, #tpu.memory_space<vmem>>) offsets(%dma_start3A_168 : memref<128xi32, #tpu.memory_space<vmem>>) semaphore(%arg8 : memref<!tpu.dma_semaphore, #tpu.memory_space<semaphore_mem>>)
          %add3A_174 = arith.constant 640 : i32
          %add3A_175 = arith.addi %mul3A_88, %add3A_174 : i32
          %add3A_176 = arith.constant 640 : i32
          %add3A_177 = arith.addi %mul3A_88, %add3A_176 : i32
          %dma_start3A_178 = arith.constant 0 : i32
          %dma_start3A_179 = tpu.memref_slice %arg7[%rem3A_62, %dma_start3A_178] : memref<2x2048xf32, #tpu.memory_space<vmem>> -> memref<1x2048xf32, #tpu.memory_space<vmem>>
          %dma_start3A_180 = tpu.memref_squeeze %dma_start3A_179 : memref<1x2048xf32, #tpu.memory_space<vmem>> -> memref<2048xf32, #tpu.memory_space<vmem>>
          %dma_start3A_181 = tpu.memref_slice %dma_start3A_180[%add3A_177] : memref<2048xf32, #tpu.memory_space<vmem>> -> memref<128xf32, #tpu.memory_space<vmem>>
          %dma_start3A_182 = arith.constant 0 : i32
          %dma_start3A_183 = tpu.memref_slice %arg6[%rem3A_62, %dma_start3A_182] : memref<2x2048xi32, #tpu.memory_space<vmem>> -> memref<1x2048xi32, #tpu.memory_space<vmem>>
          %dma_start3A_184 = tpu.memref_squeeze %dma_start3A_183 : memref<1x2048xi32, #tpu.memory_space<vmem>> -> memref<2048xi32, #tpu.memory_space<vmem>>
          %dma_start3A_185 = tpu.memref_slice %dma_start3A_184[%add3A_175] : memref<2048xi32, #tpu.memory_space<vmem>> -> memref<128xi32, #tpu.memory_space<vmem>>
          %dma_start3A_186 = arith.constant 0 : i32
          %dma_start3A_187 = tpu.memref_slice %arg5[%arg1, %dma_start3A_186] : memref<16x100000xf32, #tpu.memory_space<vmem_shared>> -> memref<1x100000xf32, #tpu.memory_space<vmem_shared>>
          %dma_start3A_188 = tpu.memref_squeeze %dma_start3A_187 : memref<1x100000xf32, #tpu.memory_space<vmem_shared>> -> memref<100000xf32, #tpu.memory_space<vmem_shared>>
          %dma_start3A_189 = arith.constant 0 : i32
          %dma_start3A_190 = tpu.memref_slice %dma_start3A_188[%dma_start3A_189] : memref<100000xf32, #tpu.memory_space<vmem_shared>> -> memref<100000xf32, #tpu.memory_space<vmem_shared>>
          tpu.enqueue_indirect_dma source(%dma_start3A_190 : memref<100000xf32, #tpu.memory_space<vmem_shared>>) target(%dma_start3A_181 : memref<128xf32, #tpu.memory_space<vmem>>) offsets(%dma_start3A_185 : memref<128xi32, #tpu.memory_space<vmem>>) semaphore(%arg8 : memref<!tpu.dma_semaphore, #tpu.memory_space<semaphore_mem>>)
          %add3A_191 = arith.constant 768 : i32
          %add3A_192 = arith.addi %mul3A_88, %add3A_191 : i32
          %add3A_193 = arith.constant 768 : i32
          %add3A_194 = arith.addi %mul3A_88, %add3A_193 : i32
          %dma_start3A_195 = arith.constant 0 : i32
          %dma_start3A_196 = tpu.memref_slice %arg7[%rem3A_62, %dma_start3A_195] : memref<2x2048xf32, #tpu.memory_space<vmem>> -> memref<1x2048xf32, #tpu.memory_space<vmem>>
          %dma_start3A_197 = tpu.memref_squeeze %dma_start3A_196 : memref<1x2048xf32, #tpu.memory_space<vmem>> -> memref<2048xf32, #tpu.memory_space<vmem>>
          %dma_start3A_198 = tpu.memref_slice %dma_start3A_197[%add3A_194] : memref<2048xf32, #tpu.memory_space<vmem>> -> memref<128xf32, #tpu.memory_space<vmem>>
          %dma_start3A_199 = arith.constant 0 : i32
          %dma_start3A_200 = tpu.memref_slice %arg6[%rem3A_62, %dma_start3A_199] : memref<2x2048xi32, #tpu.memory_space<vmem>> -> memref<1x2048xi32, #tpu.memory_space<vmem>>
          %dma_start3A_201 = tpu.memref_squeeze %dma_start3A_200 : memref<1x2048xi32, #tpu.memory_space<vmem>> -> memref<2048xi32, #tpu.memory_space<vmem>>
          %dma_start3A_202 = tpu.memref_slice %dma_start3A_201[%add3A_192] : memref<2048xi32, #tpu.memory_space<vmem>> -> memref<128xi32, #tpu.memory_space<vmem>>
          %dma_start3A_203 = arith.constant 0 : i32
          %dma_start3A_204 = tpu.memref_slice %arg5[%arg1, %dma_start3A_203] : memref<16x100000xf32, #tpu.memory_space<vmem_shared>> -> memref<1x100000xf32, #tpu.memory_space<vmem_shared>>
          %dma_start3A_205 = tpu.memref_squeeze %dma_start3A_204 : memref<1x100000xf32, #tpu.memory_space<vmem_shared>> -> memref<100000xf32, #tpu.memory_space<vmem_shared>>
          %dma_start3A_206 = arith.constant 0 : i32
          %dma_start3A_207 = tpu.memref_slice %dma_start3A_205[%dma_start3A_206] : memref<100000xf32, #tpu.memory_space<vmem_shared>> -> memref<100000xf32, #tpu.memory_space<vmem_shared>>
          tpu.enqueue_indirect_dma source(%dma_start3A_207 : memref<100000xf32, #tpu.memory_space<vmem_shared>>) target(%dma_start3A_198 : memref<128xf32, #tpu.memory_space<vmem>>) offsets(%dma_start3A_202 : memref<128xi32, #tpu.memory_space<vmem>>) semaphore(%arg8 : memref<!tpu.dma_semaphore, #tpu.memory_space<semaphore_mem>>)
          %add3A_208 = arith.constant 896 : i32
          %add3A_209 = arith.addi %mul3A_88, %add3A_208 : i32
          %add3A_210 = arith.constant 896 : i32
          %add3A_211 = arith.addi %mul3A_88, %add3A_210 : i32
          %dma_start3A_212 = arith.constant 0 : i32
          %dma_start3A_213 = tpu.memref_slice %arg7[%rem3A_62, %dma_start3A_212] : memref<2x2048xf32, #tpu.memory_space<vmem>> -> memref<1x2048xf32, #tpu.memory_space<vmem>>
          %dma_start3A_214 = tpu.memref_squeeze %dma_start3A_213 : memref<1x2048xf32, #tpu.memory_space<vmem>> -> memref<2048xf32, #tpu.memory_space<vmem>>
          %dma_start3A_215 = tpu.memref_slice %dma_start3A_214[%add3A_211] : memref<2048xf32, #tpu.memory_space<vmem>> -> memref<128xf32, #tpu.memory_space<vmem>>
          %dma_start3A_216 = arith.constant 0 : i32
          %dma_start3A_217 = tpu.memref_slice %arg6[%rem3A_62, %dma_start3A_216] : memref<2x2048xi32, #tpu.memory_space<vmem>> -> memref<1x2048xi32, #tpu.memory_space<vmem>>
          %dma_start3A_218 = tpu.memref_squeeze %dma_start3A_217 : memref<1x2048xi32, #tpu.memory_space<vmem>> -> memref<2048xi32, #tpu.memory_space<vmem>>
          %dma_start3A_219 = tpu.memref_slice %dma_start3A_218[%add3A_209] : memref<2048xi32, #tpu.memory_space<vmem>> -> memref<128xi32, #tpu.memory_space<vmem>>
          %dma_start3A_220 = arith.constant 0 : i32
          %dma_start3A_221 = tpu.memref_slice %arg5[%arg1, %dma_start3A_220] : memref<16x100000xf32, #tpu.memory_space<vmem_shared>> -> memref<1x100000xf32, #tpu.memory_space<vmem_shared>>
          %dma_start3A_222 = tpu.memref_squeeze %dma_start3A_221 : memref<1x100000xf32, #tpu.memory_space<vmem_shared>> -> memref<100000xf32, #tpu.memory_space<vmem_shared>>
          %dma_start3A_223 = arith.constant 0 : i32
          %dma_start3A_224 = tpu.memref_slice %dma_start3A_222[%dma_start3A_223] : memref<100000xf32, #tpu.memory_space<vmem_shared>> -> memref<100000xf32, #tpu.memory_space<vmem_shared>>
          tpu.enqueue_indirect_dma source(%dma_start3A_224 : memref<100000xf32, #tpu.memory_space<vmem_shared>>) target(%dma_start3A_215 : memref<128xf32, #tpu.memory_space<vmem>>) offsets(%dma_start3A_219 : memref<128xi32, #tpu.memory_space<vmem>>) semaphore(%arg8 : memref<!tpu.dma_semaphore, #tpu.memory_space<semaphore_mem>>)
          %dma_wait3A_225 = arith.constant 0 : i32
          %dma_wait3A_226 = tpu.memref_slice %arg7[%rem3A_62, %dma_wait3A_225] : memref<2x2048xf32, #tpu.memory_space<vmem>> -> memref<1x2048xf32, #tpu.memory_space<vmem>>
          %dma_wait3A_227 = tpu.memref_squeeze %dma_wait3A_226 : memref<1x2048xf32, #tpu.memory_space<vmem>> -> memref<2048xf32, #tpu.memory_space<vmem>>
          %dma_wait3A_228 = tpu.memref_slice %dma_wait3A_227[%add3A_92] : memref<2048xf32, #tpu.memory_space<vmem>> -> memref<128xf32, #tpu.memory_space<vmem>>
          %dma_wait3A_229 = arith.constant 0 : i32
          %dma_wait3A_230 = tpu.memref_slice %arg6[%rem3A_62, %dma_wait3A_229] : memref<2x2048xi32, #tpu.memory_space<vmem>> -> memref<1x2048xi32, #tpu.memory_space<vmem>>
          %dma_wait3A_231 = tpu.memref_squeeze %dma_wait3A_230 : memref<1x2048xi32, #tpu.memory_space<vmem>> -> memref<2048xi32, #tpu.memory_space<vmem>>
          %dma_wait3A_232 = tpu.memref_slice %dma_wait3A_231[%add3A_90] : memref<2048xi32, #tpu.memory_space<vmem>> -> memref<128xi32, #tpu.memory_space<vmem>>
          %dma_wait3A_233 = arith.constant 0 : i32
          %dma_wait3A_234 = tpu.memref_slice %arg5[%arg1, %dma_wait3A_233] : memref<16x100000xf32, #tpu.memory_space<vmem_shared>> -> memref<1x100000xf32, #tpu.memory_space<vmem_shared>>
          %dma_wait3A_235 = tpu.memref_squeeze %dma_wait3A_234 : memref<1x100000xf32, #tpu.memory_space<vmem_shared>> -> memref<100000xf32, #tpu.memory_space<vmem_shared>>
          %dma_wait3A_236 = arith.constant 0 : i32
          %dma_wait3A_237 = tpu.memref_slice %dma_wait3A_235[%dma_wait3A_236] : memref<100000xf32, #tpu.memory_space<vmem_shared>> -> memref<100000xf32, #tpu.memory_space<vmem_shared>>
          tpu.wait_indirect_dma semaphore(%arg8 : memref<!tpu.dma_semaphore, #tpu.memory_space<semaphore_mem>>) src(%dma_wait3A_237 : memref<100000xf32, #tpu.memory_space<vmem_shared>>) dst(%dma_wait3A_228 : memref<128xf32, #tpu.memory_space<vmem>>)
          %dma_wait3A_238 = arith.constant 0 : i32
          %dma_wait3A_239 = tpu.memref_slice %arg7[%rem3A_62, %dma_wait3A_238] : memref<2x2048xf32, #tpu.memory_space<vmem>> -> memref<1x2048xf32, #tpu.memory_space<vmem>>
          %dma_wait3A_240 = tpu.memref_squeeze %dma_wait3A_239 : memref<1x2048xf32, #tpu.memory_space<vmem>> -> memref<2048xf32, #tpu.memory_space<vmem>>
          %dma_wait3A_241 = tpu.memref_slice %dma_wait3A_240[%add3A_109] : memref<2048xf32, #tpu.memory_space<vmem>> -> memref<128xf32, #tpu.memory_space<vmem>>
          %dma_wait3A_242 = arith.constant 0 : i32
          %dma_wait3A_243 = tpu.memref_slice %arg6[%rem3A_62, %dma_wait3A_242] : memref<2x2048xi32, #tpu.memory_space<vmem>> -> memref<1x2048xi32, #tpu.memory_space<vmem>>
          %dma_wait3A_244 = tpu.memref_squeeze %dma_wait3A_243 : memref<1x2048xi32, #tpu.memory_space<vmem>> -> memref<2048xi32, #tpu.memory_space<vmem>>
          %dma_wait3A_245 = tpu.memref_slice %dma_wait3A_244[%add3A_107] : memref<2048xi32, #tpu.memory_space<vmem>> -> memref<128xi32, #tpu.memory_space<vmem>>
          %dma_wait3A_246 = arith.constant 0 : i32
          %dma_wait3A_247 = tpu.memref_slice %arg5[%arg1, %dma_wait3A_246] : memref<16x100000xf32, #tpu.memory_space<vmem_shared>> -> memref<1x100000xf32, #tpu.memory_space<vmem_shared>>
          %dma_wait3A_248 = tpu.memref_squeeze %dma_wait3A_247 : memref<1x100000xf32, #tpu.memory_space<vmem_shared>> -> memref<100000xf32, #tpu.memory_space<vmem_shared>>
          %dma_wait3A_249 = arith.constant 0 : i32
          %dma_wait3A_250 = tpu.memref_slice %dma_wait3A_248[%dma_wait3A_249] : memref<100000xf32, #tpu.memory_space<vmem_shared>> -> memref<100000xf32, #tpu.memory_space<vmem_shared>>
          tpu.wait_indirect_dma semaphore(%arg8 : memref<!tpu.dma_semaphore, #tpu.memory_space<semaphore_mem>>) src(%dma_wait3A_250 : memref<100000xf32, #tpu.memory_space<vmem_shared>>) dst(%dma_wait3A_241 : memref<128xf32, #tpu.memory_space<vmem>>)
          %dma_wait3A_251 = arith.constant 0 : i32
          %dma_wait3A_252 = tpu.memref_slice %arg7[%rem3A_62, %dma_wait3A_251] : memref<2x2048xf32, #tpu.memory_space<vmem>> -> memref<1x2048xf32, #tpu.memory_space<vmem>>
          %dma_wait3A_253 = tpu.memref_squeeze %dma_wait3A_252 : memref<1x2048xf32, #tpu.memory_space<vmem>> -> memref<2048xf32, #tpu.memory_space<vmem>>
          %dma_wait3A_254 = tpu.memref_slice %dma_wait3A_253[%add3A_126] : memref<2048xf32, #tpu.memory_space<vmem>> -> memref<128xf32, #tpu.memory_space<vmem>>
          %dma_wait3A_255 = arith.constant 0 : i32
          %dma_wait3A_256 = tpu.memref_slice %arg6[%rem3A_62, %dma_wait3A_255] : memref<2x2048xi32, #tpu.memory_space<vmem>> -> memref<1x2048xi32, #tpu.memory_space<vmem>>
          %dma_wait3A_257 = tpu.memref_squeeze %dma_wait3A_256 : memref<1x2048xi32, #tpu.memory_space<vmem>> -> memref<2048xi32, #tpu.memory_space<vmem>>
          %dma_wait3A_258 = tpu.memref_slice %dma_wait3A_257[%add3A_124] : memref<2048xi32, #tpu.memory_space<vmem>> -> memref<128xi32, #tpu.memory_space<vmem>>
          %dma_wait3A_259 = arith.constant 0 : i32
          %dma_wait3A_260 = tpu.memref_slice %arg5[%arg1, %dma_wait3A_259] : memref<16x100000xf32, #tpu.memory_space<vmem_shared>> -> memref<1x100000xf32, #tpu.memory_space<vmem_shared>>
          %dma_wait3A_261 = tpu.memref_squeeze %dma_wait3A_260 : memref<1x100000xf32, #tpu.memory_space<vmem_shared>> -> memref<100000xf32, #tpu.memory_space<vmem_shared>>
          %dma_wait3A_262 = arith.constant 0 : i32
          %dma_wait3A_263 = tpu.memref_slice %dma_wait3A_261[%dma_wait3A_262] : memref<100000xf32, #tpu.memory_space<vmem_shared>> -> memref<100000xf32, #tpu.memory_space<vmem_shared>>
          tpu.wait_indirect_dma semaphore(%arg8 : memref<!tpu.dma_semaphore, #tpu.memory_space<semaphore_mem>>) src(%dma_wait3A_263 : memref<100000xf32, #tpu.memory_space<vmem_shared>>) dst(%dma_wait3A_254 : memref<128xf32, #tpu.memory_space<vmem>>)
          %dma_wait3A_264 = arith.constant 0 : i32
          %dma_wait3A_265 = tpu.memref_slice %arg7[%rem3A_62, %dma_wait3A_264] : memref<2x2048xf32, #tpu.memory_space<vmem>> -> memref<1x2048xf32, #tpu.memory_space<vmem>>
          %dma_wait3A_266 = tpu.memref_squeeze %dma_wait3A_265 : memref<1x2048xf32, #tpu.memory_space<vmem>> -> memref<2048xf32, #tpu.memory_space<vmem>>
          %dma_wait3A_267 = tpu.memref_slice %dma_wait3A_266[%add3A_143] : memref<2048xf32, #tpu.memory_space<vmem>> -> memref<128xf32, #tpu.memory_space<vmem>>
          %dma_wait3A_268 = arith.constant 0 : i32
          %dma_wait3A_269 = tpu.memref_slice %arg6[%rem3A_62, %dma_wait3A_268] : memref<2x2048xi32, #tpu.memory_space<vmem>> -> memref<1x2048xi32, #tpu.memory_space<vmem>>
          %dma_wait3A_270 = tpu.memref_squeeze %dma_wait3A_269 : memref<1x2048xi32, #tpu.memory_space<vmem>> -> memref<2048xi32, #tpu.memory_space<vmem>>
          %dma_wait3A_271 = tpu.memref_slice %dma_wait3A_270[%add3A_141] : memref<2048xi32, #tpu.memory_space<vmem>> -> memref<128xi32, #tpu.memory_space<vmem>>
          %dma_wait3A_272 = arith.constant 0 : i32
          %dma_wait3A_273 = tpu.memref_slice %arg5[%arg1, %dma_wait3A_272] : memref<16x100000xf32, #tpu.memory_space<vmem_shared>> -> memref<1x100000xf32, #tpu.memory_space<vmem_shared>>
          %dma_wait3A_274 = tpu.memref_squeeze %dma_wait3A_273 : memref<1x100000xf32, #tpu.memory_space<vmem_shared>> -> memref<100000xf32, #tpu.memory_space<vmem_shared>>
          %dma_wait3A_275 = arith.constant 0 : i32
          %dma_wait3A_276 = tpu.memref_slice %dma_wait3A_274[%dma_wait3A_275] : memref<100000xf32, #tpu.memory_space<vmem_shared>> -> memref<100000xf32, #tpu.memory_space<vmem_shared>>
          tpu.wait_indirect_dma semaphore(%arg8 : memref<!tpu.dma_semaphore, #tpu.memory_space<semaphore_mem>>) src(%dma_wait3A_276 : memref<100000xf32, #tpu.memory_space<vmem_shared>>) dst(%dma_wait3A_267 : memref<128xf32, #tpu.memory_space<vmem>>)
          %dma_wait3A_277 = arith.constant 0 : i32
          %dma_wait3A_278 = tpu.memref_slice %arg7[%rem3A_62, %dma_wait3A_277] : memref<2x2048xf32, #tpu.memory_space<vmem>> -> memref<1x2048xf32, #tpu.memory_space<vmem>>
          %dma_wait3A_279 = tpu.memref_squeeze %dma_wait3A_278 : memref<1x2048xf32, #tpu.memory_space<vmem>> -> memref<2048xf32, #tpu.memory_space<vmem>>
          %dma_wait3A_280 = tpu.memref_slice %dma_wait3A_279[%add3A_160] : memref<2048xf32, #tpu.memory_space<vmem>> -> memref<128xf32, #tpu.memory_space<vmem>>
          %dma_wait3A_281 = arith.constant 0 : i32
          %dma_wait3A_282 = tpu.memref_slice %arg6[%rem3A_62, %dma_wait3A_281] : memref<2x2048xi32, #tpu.memory_space<vmem>> -> memref<1x2048xi32, #tpu.memory_space<vmem>>
          %dma_wait3A_283 = tpu.memref_squeeze %dma_wait3A_282 : memref<1x2048xi32, #tpu.memory_space<vmem>> -> memref<2048xi32, #tpu.memory_space<vmem>>
          %dma_wait3A_284 = tpu.memref_slice %dma_wait3A_283[%add3A_158] : memref<2048xi32, #tpu.memory_space<vmem>> -> memref<128xi32, #tpu.memory_space<vmem>>
          %dma_wait3A_285 = arith.constant 0 : i32
          %dma_wait3A_286 = tpu.memref_slice %arg5[%arg1, %dma_wait3A_285] : memref<16x100000xf32, #tpu.memory_space<vmem_shared>> -> memref<1x100000xf32, #tpu.memory_space<vmem_shared>>
          %dma_wait3A_287 = tpu.memref_squeeze %dma_wait3A_286 : memref<1x100000xf32, #tpu.memory_space<vmem_shared>> -> memref<100000xf32, #tpu.memory_space<vmem_shared>>
          %dma_wait3A_288 = arith.constant 0 : i32
          %dma_wait3A_289 = tpu.memref_slice %dma_wait3A_287[%dma_wait3A_288] : memref<100000xf32, #tpu.memory_space<vmem_shared>> -> memref<100000xf32, #tpu.memory_space<vmem_shared>>
          tpu.wait_indirect_dma semaphore(%arg8 : memref<!tpu.dma_semaphore, #tpu.memory_space<semaphore_mem>>) src(%dma_wait3A_289 : memref<100000xf32, #tpu.memory_space<vmem_shared>>) dst(%dma_wait3A_280 : memref<128xf32, #tpu.memory_space<vmem>>)
          %dma_wait3A_290 = arith.constant 0 : i32
          %dma_wait3A_291 = tpu.memref_slice %arg7[%rem3A_62, %dma_wait3A_290] : memref<2x2048xf32, #tpu.memory_space<vmem>> -> memref<1x2048xf32, #tpu.memory_space<vmem>>
          %dma_wait3A_292 = tpu.memref_squeeze %dma_wait3A_291 : memref<1x2048xf32, #tpu.memory_space<vmem>> -> memref<2048xf32, #tpu.memory_space<vmem>>
          %dma_wait3A_293 = tpu.memref_slice %dma_wait3A_292[%add3A_177] : memref<2048xf32, #tpu.memory_space<vmem>> -> memref<128xf32, #tpu.memory_space<vmem>>
          %dma_wait3A_294 = arith.constant 0 : i32
          %dma_wait3A_295 = tpu.memref_slice %arg6[%rem3A_62, %dma_wait3A_294] : memref<2x2048xi32, #tpu.memory_space<vmem>> -> memref<1x2048xi32, #tpu.memory_space<vmem>>
          %dma_wait3A_296 = tpu.memref_squeeze %dma_wait3A_295 : memref<1x2048xi32, #tpu.memory_space<vmem>> -> memref<2048xi32, #tpu.memory_space<vmem>>
          %dma_wait3A_297 = tpu.memref_slice %dma_wait3A_296[%add3A_175] : memref<2048xi32, #tpu.memory_space<vmem>> -> memref<128xi32, #tpu.memory_space<vmem>>
          %dma_wait3A_298 = arith.constant 0 : i32
          %dma_wait3A_299 = tpu.memref_slice %arg5[%arg1, %dma_wait3A_298] : memref<16x100000xf32, #tpu.memory_space<vmem_shared>> -> memref<1x100000xf32, #tpu.memory_space<vmem_shared>>
          %dma_wait3A_300 = tpu.memref_squeeze %dma_wait3A_299 : memref<1x100000xf32, #tpu.memory_space<vmem_shared>> -> memref<100000xf32, #tpu.memory_space<vmem_shared>>
          %dma_wait3A_301 = arith.constant 0 : i32
          %dma_wait3A_302 = tpu.memref_slice %dma_wait3A_300[%dma_wait3A_301] : memref<100000xf32, #tpu.memory_space<vmem_shared>> -> memref<100000xf32, #tpu.memory_space<vmem_shared>>
          tpu.wait_indirect_dma semaphore(%arg8 : memref<!tpu.dma_semaphore, #tpu.memory_space<semaphore_mem>>) src(%dma_wait3A_302 : memref<100000xf32, #tpu.memory_space<vmem_shared>>) dst(%dma_wait3A_293 : memref<128xf32, #tpu.memory_space<vmem>>)
          %dma_wait3A_303 = arith.constant 0 : i32
          %dma_wait3A_304 = tpu.memref_slice %arg7[%rem3A_62, %dma_wait3A_303] : memref<2x2048xf32, #tpu.memory_space<vmem>> -> memref<1x2048xf32, #tpu.memory_space<vmem>>
          %dma_wait3A_305 = tpu.memref_squeeze %dma_wait3A_304 : memref<1x2048xf32, #tpu.memory_space<vmem>> -> memref<2048xf32, #tpu.memory_space<vmem>>
          %dma_wait3A_306 = tpu.memref_slice %dma_wait3A_305[%add3A_194] : memref<2048xf32, #tpu.memory_space<vmem>> -> memref<128xf32, #tpu.memory_space<vmem>>
          %dma_wait3A_307 = arith.constant 0 : i32
          %dma_wait3A_308 = tpu.memref_slice %arg6[%rem3A_62, %dma_wait3A_307] : memref<2x2048xi32, #tpu.memory_space<vmem>> -> memref<1x2048xi32, #tpu.memory_space<vmem>>
          %dma_wait3A_309 = tpu.memref_squeeze %dma_wait3A_308 : memref<1x2048xi32, #tpu.memory_space<vmem>> -> memref<2048xi32, #tpu.memory_space<vmem>>
          %dma_wait3A_310 = tpu.memref_slice %dma_wait3A_309[%add3A_192] : memref<2048xi32, #tpu.memory_space<vmem>> -> memref<128xi32, #tpu.memory_space<vmem>>
          %dma_wait3A_311 = arith.constant 0 : i32
          %dma_wait3A_312 = tpu.memref_slice %arg5[%arg1, %dma_wait3A_311] : memref<16x100000xf32, #tpu.memory_space<vmem_shared>> -> memref<1x100000xf32, #tpu.memory_space<vmem_shared>>
          %dma_wait3A_313 = tpu.memref_squeeze %dma_wait3A_312 : memref<1x100000xf32, #tpu.memory_space<vmem_shared>> -> memref<100000xf32, #tpu.memory_space<vmem_shared>>
          %dma_wait3A_314 = arith.constant 0 : i32
          %dma_wait3A_315 = tpu.memref_slice %dma_wait3A_313[%dma_wait3A_314] : memref<100000xf32, #tpu.memory_space<vmem_shared>> -> memref<100000xf32, #tpu.memory_space<vmem_shared>>
          tpu.wait_indirect_dma semaphore(%arg8 : memref<!tpu.dma_semaphore, #tpu.memory_space<semaphore_mem>>) src(%dma_wait3A_315 : memref<100000xf32, #tpu.memory_space<vmem_shared>>) dst(%dma_wait3A_306 : memref<128xf32, #tpu.memory_space<vmem>>)
          %dma_wait3A_316 = arith.constant 0 : i32
          %dma_wait3A_317 = tpu.memref_slice %arg7[%rem3A_62, %dma_wait3A_316] : memref<2x2048xf32, #tpu.memory_space<vmem>> -> memref<1x2048xf32, #tpu.memory_space<vmem>>
          %dma_wait3A_318 = tpu.memref_squeeze %dma_wait3A_317 : memref<1x2048xf32, #tpu.memory_space<vmem>> -> memref<2048xf32, #tpu.memory_space<vmem>>
          %dma_wait3A_319 = tpu.memref_slice %dma_wait3A_318[%add3A_211] : memref<2048xf32, #tpu.memory_space<vmem>> -> memref<128xf32, #tpu.memory_space<vmem>>
          %dma_wait3A_320 = arith.constant 0 : i32
          %dma_wait3A_321 = tpu.memref_slice %arg6[%rem3A_62, %dma_wait3A_320] : memref<2x2048xi32, #tpu.memory_space<vmem>> -> memref<1x2048xi32, #tpu.memory_space<vmem>>
          %dma_wait3A_322 = tpu.memref_squeeze %dma_wait3A_321 : memref<1x2048xi32, #tpu.memory_space<vmem>> -> memref<2048xi32, #tpu.memory_space<vmem>>
          %dma_wait3A_323 = tpu.memref_slice %dma_wait3A_322[%add3A_209] : memref<2048xi32, #tpu.memory_space<vmem>> -> memref<128xi32, #tpu.memory_space<vmem>>
          %dma_wait3A_324 = arith.constant 0 : i32
          %dma_wait3A_325 = tpu.memref_slice %arg5[%arg1, %dma_wait3A_324] : memref<16x100000xf32, #tpu.memory_space<vmem_shared>> -> memref<1x100000xf32, #tpu.memory_space<vmem_shared>>
          %dma_wait3A_326 = tpu.memref_squeeze %dma_wait3A_325 : memref<1x100000xf32, #tpu.memory_space<vmem_shared>> -> memref<100000xf32, #tpu.memory_space<vmem_shared>>
          %dma_wait3A_327 = arith.constant 0 : i32
          %dma_wait3A_328 = tpu.memref_slice %dma_wait3A_326[%dma_wait3A_327] : memref<100000xf32, #tpu.memory_space<vmem_shared>> -> memref<100000xf32, #tpu.memory_space<vmem_shared>>
          tpu.wait_indirect_dma semaphore(%arg8 : memref<!tpu.dma_semaphore, #tpu.memory_space<semaphore_mem>>) src(%dma_wait3A_328 : memref<100000xf32, #tpu.memory_space<vmem_shared>>) dst(%dma_wait3A_319 : memref<128xf32, #tpu.memory_space<vmem>>)
        }
        %scan3A_76 = arith.constant 2 : i32
        %mul3A_77 = arith.constant 2048 : i32
        %mul3A_78 = arith.muli %scan3A_60, %mul3A_77 : i32
        "tpu.region"() ({
          %run_scoped3A = tpu.sem_alloc : memref<!tpu.dma_semaphore, #tpu.memory_space<semaphore_mem>>
          %dma_start3A_86 = arith.constant 0 : i32
          %dma_start3A_87 = tpu.memref_slice %arg7[%rem3A_62, %dma_start3A_86] : memref<2x2048xf32, #tpu.memory_space<vmem>> -> memref<1x2048xf32, #tpu.memory_space<vmem>>
          %dma_start3A_88 = tpu.memref_squeeze %dma_start3A_87 : memref<1x2048xf32, #tpu.memory_space<vmem>> -> memref<2048xf32, #tpu.memory_space<vmem>>
          %dma_start3A_89 = tpu.memref_slice %arg4[%add3A_9, %mul3A_78] : memref<224x16384xf32, #tpu.memory_space<hbm>> -> memref<1x2048xf32, #tpu.memory_space<hbm>>
          %dma_start3A_90 = tpu.memref_squeeze %dma_start3A_89 : memref<1x2048xf32, #tpu.memory_space<hbm>> -> memref<2048xf32, #tpu.memory_space<hbm>>
          %dma_start3A_91 = tpu.memref_slice %arg4[%add3A_9, %mul3A_78] : memref<224x16384xf32, #tpu.memory_space<hbm>> -> memref<1x2048xf32, #tpu.memory_space<hbm>>
          %dma_start3A_92 = tpu.memref_squeeze %dma_start3A_91 : memref<1x2048xf32, #tpu.memory_space<hbm>> -> memref<2048xf32, #tpu.memory_space<hbm>>
          %dma_start3A_93 = arith.constant 0 : i32
          %dma_start3A_94 = tpu.memref_slice %arg7[%rem3A_62, %dma_start3A_93] : memref<2x2048xf32, #tpu.memory_space<vmem>> -> memref<1x2048xf32, #tpu.memory_space<vmem>>
          %dma_start3A_95 = tpu.memref_squeeze %dma_start3A_94 : memref<1x2048xf32, #tpu.memory_space<vmem>> -> memref<2048xf32, #tpu.memory_space<vmem>>
          tpu.enqueue_dma source(%dma_start3A_95 : memref<2048xf32, #tpu.memory_space<vmem>>) target(%dma_start3A_92 : memref<2048xf32, #tpu.memory_space<hbm>>) target_semaphore(%run_scoped3A : memref<!tpu.dma_semaphore, #tpu.memory_space<semaphore_mem>>)
          %dma_wait3A_96 = arith.constant 0 : i32
          %dma_wait3A_97 = tpu.memref_slice %arg7[%rem3A_62, %dma_wait3A_96] : memref<2x2048xf32, #tpu.memory_space<vmem>> -> memref<1x2048xf32, #tpu.memory_space<vmem>>
          %dma_wait3A_98 = tpu.memref_squeeze %dma_wait3A_97 : memref<1x2048xf32, #tpu.memory_space<vmem>> -> memref<2048xf32, #tpu.memory_space<vmem>>
          %dma_wait3A_99 = tpu.memref_slice %arg4[%add3A_9, %mul3A_78] : memref<224x16384xf32, #tpu.memory_space<hbm>> -> memref<1x2048xf32, #tpu.memory_space<hbm>>
          %dma_wait3A_100 = tpu.memref_squeeze %dma_wait3A_99 : memref<1x2048xf32, #tpu.memory_space<hbm>> -> memref<2048xf32, #tpu.memory_space<hbm>>
          %dma_wait3A_101 = tpu.memref_slice %arg4[%add3A_9, %mul3A_78] : memref<224x16384xf32, #tpu.memory_space<hbm>> -> memref<1x2048xf32, #tpu.memory_space<hbm>>
          %dma_wait3A_102 = tpu.memref_squeeze %dma_wait3A_101 : memref<1x2048xf32, #tpu.memory_space<hbm>> -> memref<2048xf32, #tpu.memory_space<hbm>>
          %dma_wait3A_103 = arith.constant 0 : i32
          %dma_wait3A_104 = tpu.memref_slice %arg7[%rem3A_62, %dma_wait3A_103] : memref<2x2048xf32, #tpu.memory_space<vmem>> -> memref<1x2048xf32, #tpu.memory_space<vmem>>
          %dma_wait3A_105 = tpu.memref_squeeze %dma_wait3A_104 : memref<1x2048xf32, #tpu.memory_space<vmem>> -> memref<2048xf32, #tpu.memory_space<vmem>>
          tpu.wait_dma2 semaphore(%run_scoped3A : memref<!tpu.dma_semaphore, #tpu.memory_space<semaphore_mem>>) src(%dma_wait3A_105 : memref<2048xf32, #tpu.memory_space<vmem>>) dst(%dma_wait3A_102 : memref<2048xf32, #tpu.memory_space<hbm>>)
          tpu.yield
        }) : () -> ()
        %add3A_79 = arith.constant 1 : i32
        %add3A_80 = arith.addi %scan3A_60, %add3A_79 : i32
        %lt3A_81 = arith.constant 8 : i32
        %lt3A_82 = arith.cmpi slt, %add3A_80, %lt3A_81 : i32
        %convert_element_type3A_83 = arith.extui %lt3A_82 : i1 to i32
        %cond3A_84 = arith.constant 0 : i32
        %cond3A_85 = arith.cmpi ne, %convert_element_type3A_83, %cond3A_84 : i32
        scf.if %cond3A_85 {
          %add3A_86 = arith.constant 1 : i32
          %add3A_87 = arith.addi %scan3A_60, %add3A_86 : i32
          %mul3A_88 = arith.constant 2048 : i32
          %mul3A_89 = arith.muli %add3A_87, %mul3A_88 : i32
          %dma_wait3A_90 = arith.constant 0 : i32
          %dma_wait3A_91 = tpu.memref_slice %arg6[%rem3A_66, %dma_wait3A_90] : memref<2x2048xi32, #tpu.memory_space<vmem>> -> memref<1x2048xi32, #tpu.memory_space<vmem>>
          %dma_wait3A_92 = tpu.memref_squeeze %dma_wait3A_91 : memref<1x2048xi32, #tpu.memory_space<vmem>> -> memref<2048xi32, #tpu.memory_space<vmem>>
          %dma_wait3A_93 = tpu.memref_slice %arg3[%select_n3A, %mul3A_89] : memref<26x16384xi32, #tpu.memory_space<hbm>> -> memref<1x2048xi32, #tpu.memory_space<hbm>>
          %dma_wait3A_94 = tpu.memref_squeeze %dma_wait3A_93 : memref<1x2048xi32, #tpu.memory_space<hbm>> -> memref<2048xi32, #tpu.memory_space<hbm>>
          %dma_wait3A_95 = arith.constant 0 : i32
          %dma_wait3A_96 = tpu.memref_slice %arg6[%rem3A_66, %dma_wait3A_95] : memref<2x2048xi32, #tpu.memory_space<vmem>> -> memref<1x2048xi32, #tpu.memory_space<vmem>>
          %dma_wait3A_97 = tpu.memref_squeeze %dma_wait3A_96 : memref<1x2048xi32, #tpu.memory_space<vmem>> -> memref<2048xi32, #tpu.memory_space<vmem>>
          %dma_wait3A_98 = tpu.memref_slice %arg3[%select_n3A, %mul3A_89] : memref<26x16384xi32, #tpu.memory_space<hbm>> -> memref<1x2048xi32, #tpu.memory_space<hbm>>
          %dma_wait3A_99 = tpu.memref_squeeze %dma_wait3A_98 : memref<1x2048xi32, #tpu.memory_space<hbm>> -> memref<2048xi32, #tpu.memory_space<hbm>>
          tpu.wait_dma2 semaphore(%arg9 : memref<!tpu.dma_semaphore, #tpu.memory_space<semaphore_mem>>) src(%dma_wait3A_99 : memref<2048xi32, #tpu.memory_space<hbm>>) dst(%dma_wait3A_97 : memref<2048xi32, #tpu.memory_space<vmem>>)
        } else {
        }
      }
      %scan3A_59 = arith.constant 8 : i32
    }
    %scan3A_5 = arith.constant 7 : i32
    return
  }
}

#map = affine_map<(d0, d1) -> (0, 0)>
module attributes {stable_mosaic.version = 14 : i64} {
  func.func @k(%arg0: i32, %arg1: i32, %arg2: memref<416x100000xf32, #tpu.memory_space<hbm>>, %arg3: memref<26x16384xi32, #tpu.memory_space<hbm>>, %arg4: memref<192x16384xf32, #tpu.memory_space<hbm>>, %arg5: memref<16x100000xf32, #tpu.memory_space<vmem_shared>>, %arg6: memref<2x2048xi32, #tpu.memory_space<vmem>>, %arg7: memref<2x2048xf32, #tpu.memory_space<vmem>>, %arg8: memref<!tpu.dma_semaphore, #tpu.memory_space<semaphore_mem>>, %arg9: memref<!tpu.dma_semaphore, #tpu.memory_space<semaphore_mem>>, %arg10: memref<!tpu.dma_semaphore, #tpu.memory_space<semaphore_mem>>) attributes {dimension_semantics = [#tpu.dimension_semantics<core_parallel>, #tpu.dimension_semantics<subcore_parallel>], iteration_bounds = array<i64: 2, 16>, scalar_prefetch = 0 : i64, scratch_operands = 6 : i64, tpu.core_type = #tpu.core_type<sc_vector_subcore>, window_params = [{transform_indices = #map}, {transform_indices = #map}, {transform_indices = #map}]} {
    %mul3A = arith.constant 2 : i32
    %mul3A_0 = arith.muli %arg1, %mul3A : i32
    %add3A = arith.addi %mul3A_0, %arg0 : i32
    %scan3A = arith.constant 0 : i32
    %scan3A_1 = arith.constant 0 : i32
    %scan3A_2 = arith.constant 6 : i32
    %scan3A_3 = arith.addi %scan3A_1, %scan3A_2 : i32
    %scan3A_4 = arith.constant 1 : i32
    scf.for %scan3A_6 = %scan3A_1 to %scan3A_3 step %scan3A_4  : i32 {
      %mul3A_7 = arith.constant 6 : i32
      %mul3A_8 = arith.muli %add3A, %mul3A_7 : i32
      %add3A_9 = arith.addi %mul3A_8, %scan3A_6 : i32
      %add3A_10 = arith.constant 224 : i32
      %add3A_11 = arith.addi %add3A_10, %add3A_9 : i32
      %jit3A = arith.constant 16 : i32
      %div3A = arith.divsi %add3A_11, %jit3A : i32
      %sign3A = arith.constant 0 : i32
      %sign3A_12 = arith.cmpi sgt, %add3A_11, %sign3A : i32
      %sign3A_13 = arith.extui %sign3A_12 : i1 to i32
      %sign3A_14 = arith.constant 0 : i32
      %sign3A_15 = arith.cmpi slt, %add3A_11, %sign3A_14 : i32
      %sign3A_16 = arith.extui %sign3A_15 : i1 to i32
      %sign3A_17 = arith.subi %sign3A_13, %sign3A_16 : i32
      %sign3A_18 = arith.constant 0 : i32
      %sign3A_19 = arith.cmpi sgt, %jit3A, %sign3A_18 : i32
      %sign3A_20 = arith.extui %sign3A_19 : i1 to i32
      %sign3A_21 = arith.constant 0 : i32
      %sign3A_22 = arith.cmpi slt, %jit3A, %sign3A_21 : i32
      %sign3A_23 = arith.extui %sign3A_22 : i1 to i32
      %sign3A_24 = arith.subi %sign3A_20, %sign3A_23 : i32
      %ne3A = arith.cmpi ne, %sign3A_17, %sign3A_24 : i32
      %rem3A = arith.remsi %add3A_11, %jit3A : i32
      %ne3A_25 = arith.constant 0 : i32
      %ne3A_26 = arith.cmpi ne, %rem3A, %ne3A_25 : i32
      %and3A = arith.andi %ne3A, %ne3A_26 : i1
      %sub3A = arith.constant 1 : i32
      %sub3A_27 = arith.subi %div3A, %sub3A : i32
      %select_n3A = arith.select %and3A, %sub3A_27, %div3A : i32
      %add3A_28 = arith.constant 224 : i32
      %add3A_29 = arith.addi %add3A_28, %add3A_9 : i32
      "tpu.region"() ({
        %run_scoped3A = tpu.sem_alloc : memref<!tpu.dma_semaphore, #tpu.memory_space<semaphore_mem>>
        %dma_start3A_60 = arith.constant 0 : i32
        %dma_start3A_61 = tpu.memref_slice %arg5[%arg1, %dma_start3A_60] : memref<16x100000xf32, #tpu.memory_space<vmem_shared>> -> memref<1x100000xf32, #tpu.memory_space<vmem_shared>>
        %dma_start3A_62 = tpu.memref_squeeze %dma_start3A_61 : memref<1x100000xf32, #tpu.memory_space<vmem_shared>> -> memref<100000xf32, #tpu.memory_space<vmem_shared>>
        %dma_start3A_63 = arith.constant 0 : i32
        %dma_start3A_64 = tpu.memref_slice %arg2[%add3A_29, %dma_start3A_63] : memref<416x100000xf32, #tpu.memory_space<hbm>> -> memref<1x100000xf32, #tpu.memory_space<hbm>>
        %dma_start3A_65 = tpu.memref_squeeze %dma_start3A_64 : memref<1x100000xf32, #tpu.memory_space<hbm>> -> memref<100000xf32, #tpu.memory_space<hbm>>
        tpu.enqueue_dma source(%dma_start3A_65 : memref<100000xf32, #tpu.memory_space<hbm>>) target(%dma_start3A_62 : memref<100000xf32, #tpu.memory_space<vmem_shared>>) target_semaphore(%run_scoped3A : memref<!tpu.dma_semaphore, #tpu.memory_space<semaphore_mem>>)
        %dma_wait3A_66 = arith.constant 0 : i32
        %dma_wait3A_67 = tpu.memref_slice %arg5[%arg1, %dma_wait3A_66] : memref<16x100000xf32, #tpu.memory_space<vmem_shared>> -> memref<1x100000xf32, #tpu.memory_space<vmem_shared>>
        %dma_wait3A_68 = tpu.memref_squeeze %dma_wait3A_67 : memref<1x100000xf32, #tpu.memory_space<vmem_shared>> -> memref<100000xf32, #tpu.memory_space<vmem_shared>>
        %dma_wait3A_69 = arith.constant 0 : i32
        %dma_wait3A_70 = tpu.memref_slice %arg2[%add3A_29, %dma_wait3A_69] : memref<416x100000xf32, #tpu.memory_space<hbm>> -> memref<1x100000xf32, #tpu.memory_space<hbm>>
        %dma_wait3A_71 = tpu.memref_squeeze %dma_wait3A_70 : memref<1x100000xf32, #tpu.memory_space<hbm>> -> memref<100000xf32, #tpu.memory_space<hbm>>
        tpu.wait_dma2 semaphore(%run_scoped3A : memref<!tpu.dma_semaphore, #tpu.memory_space<semaphore_mem>>) src(%dma_wait3A_71 : memref<100000xf32, #tpu.memory_space<hbm>>) dst(%dma_wait3A_68 : memref<100000xf32, #tpu.memory_space<vmem_shared>>)
        tpu.yield
      }) : () -> ()
      %dma_start3A = arith.constant 0 : i32
      %dma_start3A_30 = arith.constant 0 : i32
      %dma_start3A_31 = tpu.memref_slice %arg6[%dma_start3A, %dma_start3A_30] : memref<2x2048xi32, #tpu.memory_space<vmem>> -> memref<1x2048xi32, #tpu.memory_space<vmem>>
      %dma_start3A_32 = tpu.memref_squeeze %dma_start3A_31 : memref<1x2048xi32, #tpu.memory_space<vmem>> -> memref<2048xi32, #tpu.memory_space<vmem>>
      %dma_start3A_33 = arith.constant 0 : i32
      %dma_start3A_34 = tpu.memref_slice %arg3[%select_n3A, %dma_start3A_33] : memref<26x16384xi32, #tpu.memory_space<hbm>> -> memref<1x2048xi32, #tpu.memory_space<hbm>>
      %dma_start3A_35 = tpu.memref_squeeze %dma_start3A_34 : memref<1x2048xi32, #tpu.memory_space<hbm>> -> memref<2048xi32, #tpu.memory_space<hbm>>
      %dma_start3A_36 = arith.constant 0 : i32
      %dma_start3A_37 = tpu.memref_slice %arg6[%dma_start3A, %dma_start3A_36] : memref<2x2048xi32, #tpu.memory_space<vmem>> -> memref<1x2048xi32, #tpu.memory_space<vmem>>
      %dma_start3A_38 = tpu.memref_squeeze %dma_start3A_37 : memref<1x2048xi32, #tpu.memory_space<vmem>> -> memref<2048xi32, #tpu.memory_space<vmem>>
      %dma_start3A_39 = arith.constant 0 : i32
      %dma_start3A_40 = tpu.memref_slice %arg3[%select_n3A, %dma_start3A_39] : memref<26x16384xi32, #tpu.memory_space<hbm>> -> memref<1x2048xi32, #tpu.memory_space<hbm>>
      %dma_start3A_41 = tpu.memref_squeeze %dma_start3A_40 : memref<1x2048xi32, #tpu.memory_space<hbm>> -> memref<2048xi32, #tpu.memory_space<hbm>>
      tpu.enqueue_dma source(%dma_start3A_41 : memref<2048xi32, #tpu.memory_space<hbm>>) target(%dma_start3A_38 : memref<2048xi32, #tpu.memory_space<vmem>>) target_semaphore(%arg9 : memref<!tpu.dma_semaphore, #tpu.memory_space<semaphore_mem>>)
      %dma_wait3A = arith.constant 0 : i32
      %dma_wait3A_42 = arith.constant 0 : i32
      %dma_wait3A_43 = tpu.memref_slice %arg6[%dma_wait3A, %dma_wait3A_42] : memref<2x2048xi32, #tpu.memory_space<vmem>> -> memref<1x2048xi32, #tpu.memory_space<vmem>>
      %dma_wait3A_44 = tpu.memref_squeeze %dma_wait3A_43 : memref<1x2048xi32, #tpu.memory_space<vmem>> -> memref<2048xi32, #tpu.memory_space<vmem>>
      %dma_wait3A_45 = arith.constant 0 : i32
      %dma_wait3A_46 = tpu.memref_slice %arg3[%select_n3A, %dma_wait3A_45] : memref<26x16384xi32, #tpu.memory_space<hbm>> -> memref<1x2048xi32, #tpu.memory_space<hbm>>
      %dma_wait3A_47 = tpu.memref_squeeze %dma_wait3A_46 : memref<1x2048xi32, #tpu.memory_space<hbm>> -> memref<2048xi32, #tpu.memory_space<hbm>>
      %dma_wait3A_48 = arith.constant 0 : i32
      %dma_wait3A_49 = tpu.memref_slice %arg6[%dma_wait3A, %dma_wait3A_48] : memref<2x2048xi32, #tpu.memory_space<vmem>> -> memref<1x2048xi32, #tpu.memory_space<vmem>>
      %dma_wait3A_50 = tpu.memref_squeeze %dma_wait3A_49 : memref<1x2048xi32, #tpu.memory_space<vmem>> -> memref<2048xi32, #tpu.memory_space<vmem>>
      %dma_wait3A_51 = arith.constant 0 : i32
      %dma_wait3A_52 = tpu.memref_slice %arg3[%select_n3A, %dma_wait3A_51] : memref<26x16384xi32, #tpu.memory_space<hbm>> -> memref<1x2048xi32, #tpu.memory_space<hbm>>
      %dma_wait3A_53 = tpu.memref_squeeze %dma_wait3A_52 : memref<1x2048xi32, #tpu.memory_space<hbm>> -> memref<2048xi32, #tpu.memory_space<hbm>>
      tpu.wait_dma2 semaphore(%arg9 : memref<!tpu.dma_semaphore, #tpu.memory_space<semaphore_mem>>) src(%dma_wait3A_53 : memref<2048xi32, #tpu.memory_space<hbm>>) dst(%dma_wait3A_50 : memref<2048xi32, #tpu.memory_space<vmem>>)
      %scan3A_54 = arith.constant 0 : i32
      %scan3A_55 = arith.constant 0 : i32
      %scan3A_56 = arith.constant 8 : i32
      %scan3A_57 = arith.addi %scan3A_55, %scan3A_56 : i32
      %scan3A_58 = arith.constant 1 : i32
      scf.for %scan3A_60 = %scan3A_55 to %scan3A_57 step %scan3A_58  : i32 {
        %rem3A_61 = arith.constant 2 : i32
        %rem3A_62 = arith.remsi %scan3A_60, %rem3A_61 : i32
        %add3A_63 = arith.constant 1 : i32
        %add3A_64 = arith.addi %scan3A_60, %add3A_63 : i32
        %rem3A_65 = arith.constant 2 : i32
        %rem3A_66 = arith.remsi %add3A_64, %rem3A_65 : i32
        %add3A_67 = arith.constant 1 : i32
        %add3A_68 = arith.addi %scan3A_60, %add3A_67 : i32
        %lt3A = arith.constant 8 : i32
        %lt3A_69 = arith.cmpi slt, %add3A_68, %lt3A : i32
        %convert_element_type3A = arith.extui %lt3A_69 : i1 to i32
        %cond3A = arith.constant 0 : i32
        %cond3A_70 = arith.cmpi ne, %convert_element_type3A, %cond3A : i32
        scf.if %cond3A_70 {
          %add3A_86 = arith.constant 1 : i32
          %add3A_87 = arith.addi %scan3A_60, %add3A_86 : i32
          %mul3A_88 = arith.constant 2048 : i32
          %mul3A_89 = arith.muli %add3A_87, %mul3A_88 : i32
          %dma_start3A_90 = arith.constant 0 : i32
          %dma_start3A_91 = tpu.memref_slice %arg6[%rem3A_66, %dma_start3A_90] : memref<2x2048xi32, #tpu.memory_space<vmem>> -> memref<1x2048xi32, #tpu.memory_space<vmem>>
          %dma_start3A_92 = tpu.memref_squeeze %dma_start3A_91 : memref<1x2048xi32, #tpu.memory_space<vmem>> -> memref<2048xi32, #tpu.memory_space<vmem>>
          %dma_start3A_93 = tpu.memref_slice %arg3[%select_n3A, %mul3A_89] : memref<26x16384xi32, #tpu.memory_space<hbm>> -> memref<1x2048xi32, #tpu.memory_space<hbm>>
          %dma_start3A_94 = tpu.memref_squeeze %dma_start3A_93 : memref<1x2048xi32, #tpu.memory_space<hbm>> -> memref<2048xi32, #tpu.memory_space<hbm>>
          %dma_start3A_95 = arith.constant 0 : i32
          %dma_start3A_96 = tpu.memref_slice %arg6[%rem3A_66, %dma_start3A_95] : memref<2x2048xi32, #tpu.memory_space<vmem>> -> memref<1x2048xi32, #tpu.memory_space<vmem>>
          %dma_start3A_97 = tpu.memref_squeeze %dma_start3A_96 : memref<1x2048xi32, #tpu.memory_space<vmem>> -> memref<2048xi32, #tpu.memory_space<vmem>>
          %dma_start3A_98 = tpu.memref_slice %arg3[%select_n3A, %mul3A_89] : memref<26x16384xi32, #tpu.memory_space<hbm>> -> memref<1x2048xi32, #tpu.memory_space<hbm>>
          %dma_start3A_99 = tpu.memref_squeeze %dma_start3A_98 : memref<1x2048xi32, #tpu.memory_space<hbm>> -> memref<2048xi32, #tpu.memory_space<hbm>>
          tpu.enqueue_dma source(%dma_start3A_99 : memref<2048xi32, #tpu.memory_space<hbm>>) target(%dma_start3A_97 : memref<2048xi32, #tpu.memory_space<vmem>>) target_semaphore(%arg9 : memref<!tpu.dma_semaphore, #tpu.memory_space<semaphore_mem>>)
        } else {
        }
        %scan3A_71 = arith.constant 0 : i32
        %scan3A_72 = arith.constant 0 : i32
        %scan3A_73 = arith.constant 2 : i32
        %scan3A_74 = arith.addi %scan3A_72, %scan3A_73 : i32
        %scan3A_75 = arith.constant 1 : i32
        scf.for %scan3A_86 = %scan3A_72 to %scan3A_74 step %scan3A_75  : i32 {
          %mul3A_87 = arith.constant 1024 : i32
          %mul3A_88 = arith.muli %scan3A_86, %mul3A_87 : i32
          %add3A_89 = arith.constant 0 : i32
          %add3A_90 = arith.addi %mul3A_88, %add3A_89 : i32
          %add3A_91 = arith.constant 0 : i32
          %add3A_92 = arith.addi %mul3A_88, %add3A_91 : i32
          %dma_start3A_93 = arith.constant 0 : i32
          %dma_start3A_94 = tpu.memref_slice %arg7[%rem3A_62, %dma_start3A_93] : memref<2x2048xf32, #tpu.memory_space<vmem>> -> memref<1x2048xf32, #tpu.memory_space<vmem>>
          %dma_start3A_95 = tpu.memref_squeeze %dma_start3A_94 : memref<1x2048xf32, #tpu.memory_space<vmem>> -> memref<2048xf32, #tpu.memory_space<vmem>>
          %dma_start3A_96 = tpu.memref_slice %dma_start3A_95[%add3A_92] : memref<2048xf32, #tpu.memory_space<vmem>> -> memref<128xf32, #tpu.memory_space<vmem>>
          %dma_start3A_97 = arith.constant 0 : i32
          %dma_start3A_98 = tpu.memref_slice %arg6[%rem3A_62, %dma_start3A_97] : memref<2x2048xi32, #tpu.memory_space<vmem>> -> memref<1x2048xi32, #tpu.memory_space<vmem>>
          %dma_start3A_99 = tpu.memref_squeeze %dma_start3A_98 : memref<1x2048xi32, #tpu.memory_space<vmem>> -> memref<2048xi32, #tpu.memory_space<vmem>>
          %dma_start3A_100 = tpu.memref_slice %dma_start3A_99[%add3A_90] : memref<2048xi32, #tpu.memory_space<vmem>> -> memref<128xi32, #tpu.memory_space<vmem>>
          %dma_start3A_101 = arith.constant 0 : i32
          %dma_start3A_102 = tpu.memref_slice %arg5[%arg1, %dma_start3A_101] : memref<16x100000xf32, #tpu.memory_space<vmem_shared>> -> memref<1x100000xf32, #tpu.memory_space<vmem_shared>>
          %dma_start3A_103 = tpu.memref_squeeze %dma_start3A_102 : memref<1x100000xf32, #tpu.memory_space<vmem_shared>> -> memref<100000xf32, #tpu.memory_space<vmem_shared>>
          %dma_start3A_104 = arith.constant 0 : i32
          %dma_start3A_105 = tpu.memref_slice %dma_start3A_103[%dma_start3A_104] : memref<100000xf32, #tpu.memory_space<vmem_shared>> -> memref<100000xf32, #tpu.memory_space<vmem_shared>>
          tpu.enqueue_indirect_dma source(%dma_start3A_105 : memref<100000xf32, #tpu.memory_space<vmem_shared>>) target(%dma_start3A_96 : memref<128xf32, #tpu.memory_space<vmem>>) offsets(%dma_start3A_100 : memref<128xi32, #tpu.memory_space<vmem>>) semaphore(%arg8 : memref<!tpu.dma_semaphore, #tpu.memory_space<semaphore_mem>>)
          %add3A_106 = arith.constant 128 : i32
          %add3A_107 = arith.addi %mul3A_88, %add3A_106 : i32
          %add3A_108 = arith.constant 128 : i32
          %add3A_109 = arith.addi %mul3A_88, %add3A_108 : i32
          %dma_start3A_110 = arith.constant 0 : i32
          %dma_start3A_111 = tpu.memref_slice %arg7[%rem3A_62, %dma_start3A_110] : memref<2x2048xf32, #tpu.memory_space<vmem>> -> memref<1x2048xf32, #tpu.memory_space<vmem>>
          %dma_start3A_112 = tpu.memref_squeeze %dma_start3A_111 : memref<1x2048xf32, #tpu.memory_space<vmem>> -> memref<2048xf32, #tpu.memory_space<vmem>>
          %dma_start3A_113 = tpu.memref_slice %dma_start3A_112[%add3A_109] : memref<2048xf32, #tpu.memory_space<vmem>> -> memref<128xf32, #tpu.memory_space<vmem>>
          %dma_start3A_114 = arith.constant 0 : i32
          %dma_start3A_115 = tpu.memref_slice %arg6[%rem3A_62, %dma_start3A_114] : memref<2x2048xi32, #tpu.memory_space<vmem>> -> memref<1x2048xi32, #tpu.memory_space<vmem>>
          %dma_start3A_116 = tpu.memref_squeeze %dma_start3A_115 : memref<1x2048xi32, #tpu.memory_space<vmem>> -> memref<2048xi32, #tpu.memory_space<vmem>>
          %dma_start3A_117 = tpu.memref_slice %dma_start3A_116[%add3A_107] : memref<2048xi32, #tpu.memory_space<vmem>> -> memref<128xi32, #tpu.memory_space<vmem>>
          %dma_start3A_118 = arith.constant 0 : i32
          %dma_start3A_119 = tpu.memref_slice %arg5[%arg1, %dma_start3A_118] : memref<16x100000xf32, #tpu.memory_space<vmem_shared>> -> memref<1x100000xf32, #tpu.memory_space<vmem_shared>>
          %dma_start3A_120 = tpu.memref_squeeze %dma_start3A_119 : memref<1x100000xf32, #tpu.memory_space<vmem_shared>> -> memref<100000xf32, #tpu.memory_space<vmem_shared>>
          %dma_start3A_121 = arith.constant 0 : i32
          %dma_start3A_122 = tpu.memref_slice %dma_start3A_120[%dma_start3A_121] : memref<100000xf32, #tpu.memory_space<vmem_shared>> -> memref<100000xf32, #tpu.memory_space<vmem_shared>>
          tpu.enqueue_indirect_dma source(%dma_start3A_122 : memref<100000xf32, #tpu.memory_space<vmem_shared>>) target(%dma_start3A_113 : memref<128xf32, #tpu.memory_space<vmem>>) offsets(%dma_start3A_117 : memref<128xi32, #tpu.memory_space<vmem>>) semaphore(%arg8 : memref<!tpu.dma_semaphore, #tpu.memory_space<semaphore_mem>>)
          %add3A_123 = arith.constant 256 : i32
          %add3A_124 = arith.addi %mul3A_88, %add3A_123 : i32
          %add3A_125 = arith.constant 256 : i32
          %add3A_126 = arith.addi %mul3A_88, %add3A_125 : i32
          %dma_start3A_127 = arith.constant 0 : i32
          %dma_start3A_128 = tpu.memref_slice %arg7[%rem3A_62, %dma_start3A_127] : memref<2x2048xf32, #tpu.memory_space<vmem>> -> memref<1x2048xf32, #tpu.memory_space<vmem>>
          %dma_start3A_129 = tpu.memref_squeeze %dma_start3A_128 : memref<1x2048xf32, #tpu.memory_space<vmem>> -> memref<2048xf32, #tpu.memory_space<vmem>>
          %dma_start3A_130 = tpu.memref_slice %dma_start3A_129[%add3A_126] : memref<2048xf32, #tpu.memory_space<vmem>> -> memref<128xf32, #tpu.memory_space<vmem>>
          %dma_start3A_131 = arith.constant 0 : i32
          %dma_start3A_132 = tpu.memref_slice %arg6[%rem3A_62, %dma_start3A_131] : memref<2x2048xi32, #tpu.memory_space<vmem>> -> memref<1x2048xi32, #tpu.memory_space<vmem>>
          %dma_start3A_133 = tpu.memref_squeeze %dma_start3A_132 : memref<1x2048xi32, #tpu.memory_space<vmem>> -> memref<2048xi32, #tpu.memory_space<vmem>>
          %dma_start3A_134 = tpu.memref_slice %dma_start3A_133[%add3A_124] : memref<2048xi32, #tpu.memory_space<vmem>> -> memref<128xi32, #tpu.memory_space<vmem>>
          %dma_start3A_135 = arith.constant 0 : i32
          %dma_start3A_136 = tpu.memref_slice %arg5[%arg1, %dma_start3A_135] : memref<16x100000xf32, #tpu.memory_space<vmem_shared>> -> memref<1x100000xf32, #tpu.memory_space<vmem_shared>>
          %dma_start3A_137 = tpu.memref_squeeze %dma_start3A_136 : memref<1x100000xf32, #tpu.memory_space<vmem_shared>> -> memref<100000xf32, #tpu.memory_space<vmem_shared>>
          %dma_start3A_138 = arith.constant 0 : i32
          %dma_start3A_139 = tpu.memref_slice %dma_start3A_137[%dma_start3A_138] : memref<100000xf32, #tpu.memory_space<vmem_shared>> -> memref<100000xf32, #tpu.memory_space<vmem_shared>>
          tpu.enqueue_indirect_dma source(%dma_start3A_139 : memref<100000xf32, #tpu.memory_space<vmem_shared>>) target(%dma_start3A_130 : memref<128xf32, #tpu.memory_space<vmem>>) offsets(%dma_start3A_134 : memref<128xi32, #tpu.memory_space<vmem>>) semaphore(%arg8 : memref<!tpu.dma_semaphore, #tpu.memory_space<semaphore_mem>>)
          %add3A_140 = arith.constant 384 : i32
          %add3A_141 = arith.addi %mul3A_88, %add3A_140 : i32
          %add3A_142 = arith.constant 384 : i32
          %add3A_143 = arith.addi %mul3A_88, %add3A_142 : i32
          %dma_start3A_144 = arith.constant 0 : i32
          %dma_start3A_145 = tpu.memref_slice %arg7[%rem3A_62, %dma_start3A_144] : memref<2x2048xf32, #tpu.memory_space<vmem>> -> memref<1x2048xf32, #tpu.memory_space<vmem>>
          %dma_start3A_146 = tpu.memref_squeeze %dma_start3A_145 : memref<1x2048xf32, #tpu.memory_space<vmem>> -> memref<2048xf32, #tpu.memory_space<vmem>>
          %dma_start3A_147 = tpu.memref_slice %dma_start3A_146[%add3A_143] : memref<2048xf32, #tpu.memory_space<vmem>> -> memref<128xf32, #tpu.memory_space<vmem>>
          %dma_start3A_148 = arith.constant 0 : i32
          %dma_start3A_149 = tpu.memref_slice %arg6[%rem3A_62, %dma_start3A_148] : memref<2x2048xi32, #tpu.memory_space<vmem>> -> memref<1x2048xi32, #tpu.memory_space<vmem>>
          %dma_start3A_150 = tpu.memref_squeeze %dma_start3A_149 : memref<1x2048xi32, #tpu.memory_space<vmem>> -> memref<2048xi32, #tpu.memory_space<vmem>>
          %dma_start3A_151 = tpu.memref_slice %dma_start3A_150[%add3A_141] : memref<2048xi32, #tpu.memory_space<vmem>> -> memref<128xi32, #tpu.memory_space<vmem>>
          %dma_start3A_152 = arith.constant 0 : i32
          %dma_start3A_153 = tpu.memref_slice %arg5[%arg1, %dma_start3A_152] : memref<16x100000xf32, #tpu.memory_space<vmem_shared>> -> memref<1x100000xf32, #tpu.memory_space<vmem_shared>>
          %dma_start3A_154 = tpu.memref_squeeze %dma_start3A_153 : memref<1x100000xf32, #tpu.memory_space<vmem_shared>> -> memref<100000xf32, #tpu.memory_space<vmem_shared>>
          %dma_start3A_155 = arith.constant 0 : i32
          %dma_start3A_156 = tpu.memref_slice %dma_start3A_154[%dma_start3A_155] : memref<100000xf32, #tpu.memory_space<vmem_shared>> -> memref<100000xf32, #tpu.memory_space<vmem_shared>>
          tpu.enqueue_indirect_dma source(%dma_start3A_156 : memref<100000xf32, #tpu.memory_space<vmem_shared>>) target(%dma_start3A_147 : memref<128xf32, #tpu.memory_space<vmem>>) offsets(%dma_start3A_151 : memref<128xi32, #tpu.memory_space<vmem>>) semaphore(%arg8 : memref<!tpu.dma_semaphore, #tpu.memory_space<semaphore_mem>>)
          %add3A_157 = arith.constant 512 : i32
          %add3A_158 = arith.addi %mul3A_88, %add3A_157 : i32
          %add3A_159 = arith.constant 512 : i32
          %add3A_160 = arith.addi %mul3A_88, %add3A_159 : i32
          %dma_start3A_161 = arith.constant 0 : i32
          %dma_start3A_162 = tpu.memref_slice %arg7[%rem3A_62, %dma_start3A_161] : memref<2x2048xf32, #tpu.memory_space<vmem>> -> memref<1x2048xf32, #tpu.memory_space<vmem>>
          %dma_start3A_163 = tpu.memref_squeeze %dma_start3A_162 : memref<1x2048xf32, #tpu.memory_space<vmem>> -> memref<2048xf32, #tpu.memory_space<vmem>>
          %dma_start3A_164 = tpu.memref_slice %dma_start3A_163[%add3A_160] : memref<2048xf32, #tpu.memory_space<vmem>> -> memref<128xf32, #tpu.memory_space<vmem>>
          %dma_start3A_165 = arith.constant 0 : i32
          %dma_start3A_166 = tpu.memref_slice %arg6[%rem3A_62, %dma_start3A_165] : memref<2x2048xi32, #tpu.memory_space<vmem>> -> memref<1x2048xi32, #tpu.memory_space<vmem>>
          %dma_start3A_167 = tpu.memref_squeeze %dma_start3A_166 : memref<1x2048xi32, #tpu.memory_space<vmem>> -> memref<2048xi32, #tpu.memory_space<vmem>>
          %dma_start3A_168 = tpu.memref_slice %dma_start3A_167[%add3A_158] : memref<2048xi32, #tpu.memory_space<vmem>> -> memref<128xi32, #tpu.memory_space<vmem>>
          %dma_start3A_169 = arith.constant 0 : i32
          %dma_start3A_170 = tpu.memref_slice %arg5[%arg1, %dma_start3A_169] : memref<16x100000xf32, #tpu.memory_space<vmem_shared>> -> memref<1x100000xf32, #tpu.memory_space<vmem_shared>>
          %dma_start3A_171 = tpu.memref_squeeze %dma_start3A_170 : memref<1x100000xf32, #tpu.memory_space<vmem_shared>> -> memref<100000xf32, #tpu.memory_space<vmem_shared>>
          %dma_start3A_172 = arith.constant 0 : i32
          %dma_start3A_173 = tpu.memref_slice %dma_start3A_171[%dma_start3A_172] : memref<100000xf32, #tpu.memory_space<vmem_shared>> -> memref<100000xf32, #tpu.memory_space<vmem_shared>>
          tpu.enqueue_indirect_dma source(%dma_start3A_173 : memref<100000xf32, #tpu.memory_space<vmem_shared>>) target(%dma_start3A_164 : memref<128xf32, #tpu.memory_space<vmem>>) offsets(%dma_start3A_168 : memref<128xi32, #tpu.memory_space<vmem>>) semaphore(%arg8 : memref<!tpu.dma_semaphore, #tpu.memory_space<semaphore_mem>>)
          %add3A_174 = arith.constant 640 : i32
          %add3A_175 = arith.addi %mul3A_88, %add3A_174 : i32
          %add3A_176 = arith.constant 640 : i32
          %add3A_177 = arith.addi %mul3A_88, %add3A_176 : i32
          %dma_start3A_178 = arith.constant 0 : i32
          %dma_start3A_179 = tpu.memref_slice %arg7[%rem3A_62, %dma_start3A_178] : memref<2x2048xf32, #tpu.memory_space<vmem>> -> memref<1x2048xf32, #tpu.memory_space<vmem>>
          %dma_start3A_180 = tpu.memref_squeeze %dma_start3A_179 : memref<1x2048xf32, #tpu.memory_space<vmem>> -> memref<2048xf32, #tpu.memory_space<vmem>>
          %dma_start3A_181 = tpu.memref_slice %dma_start3A_180[%add3A_177] : memref<2048xf32, #tpu.memory_space<vmem>> -> memref<128xf32, #tpu.memory_space<vmem>>
          %dma_start3A_182 = arith.constant 0 : i32
          %dma_start3A_183 = tpu.memref_slice %arg6[%rem3A_62, %dma_start3A_182] : memref<2x2048xi32, #tpu.memory_space<vmem>> -> memref<1x2048xi32, #tpu.memory_space<vmem>>
          %dma_start3A_184 = tpu.memref_squeeze %dma_start3A_183 : memref<1x2048xi32, #tpu.memory_space<vmem>> -> memref<2048xi32, #tpu.memory_space<vmem>>
          %dma_start3A_185 = tpu.memref_slice %dma_start3A_184[%add3A_175] : memref<2048xi32, #tpu.memory_space<vmem>> -> memref<128xi32, #tpu.memory_space<vmem>>
          %dma_start3A_186 = arith.constant 0 : i32
          %dma_start3A_187 = tpu.memref_slice %arg5[%arg1, %dma_start3A_186] : memref<16x100000xf32, #tpu.memory_space<vmem_shared>> -> memref<1x100000xf32, #tpu.memory_space<vmem_shared>>
          %dma_start3A_188 = tpu.memref_squeeze %dma_start3A_187 : memref<1x100000xf32, #tpu.memory_space<vmem_shared>> -> memref<100000xf32, #tpu.memory_space<vmem_shared>>
          %dma_start3A_189 = arith.constant 0 : i32
          %dma_start3A_190 = tpu.memref_slice %dma_start3A_188[%dma_start3A_189] : memref<100000xf32, #tpu.memory_space<vmem_shared>> -> memref<100000xf32, #tpu.memory_space<vmem_shared>>
          tpu.enqueue_indirect_dma source(%dma_start3A_190 : memref<100000xf32, #tpu.memory_space<vmem_shared>>) target(%dma_start3A_181 : memref<128xf32, #tpu.memory_space<vmem>>) offsets(%dma_start3A_185 : memref<128xi32, #tpu.memory_space<vmem>>) semaphore(%arg8 : memref<!tpu.dma_semaphore, #tpu.memory_space<semaphore_mem>>)
          %add3A_191 = arith.constant 768 : i32
          %add3A_192 = arith.addi %mul3A_88, %add3A_191 : i32
          %add3A_193 = arith.constant 768 : i32
          %add3A_194 = arith.addi %mul3A_88, %add3A_193 : i32
          %dma_start3A_195 = arith.constant 0 : i32
          %dma_start3A_196 = tpu.memref_slice %arg7[%rem3A_62, %dma_start3A_195] : memref<2x2048xf32, #tpu.memory_space<vmem>> -> memref<1x2048xf32, #tpu.memory_space<vmem>>
          %dma_start3A_197 = tpu.memref_squeeze %dma_start3A_196 : memref<1x2048xf32, #tpu.memory_space<vmem>> -> memref<2048xf32, #tpu.memory_space<vmem>>
          %dma_start3A_198 = tpu.memref_slice %dma_start3A_197[%add3A_194] : memref<2048xf32, #tpu.memory_space<vmem>> -> memref<128xf32, #tpu.memory_space<vmem>>
          %dma_start3A_199 = arith.constant 0 : i32
          %dma_start3A_200 = tpu.memref_slice %arg6[%rem3A_62, %dma_start3A_199] : memref<2x2048xi32, #tpu.memory_space<vmem>> -> memref<1x2048xi32, #tpu.memory_space<vmem>>
          %dma_start3A_201 = tpu.memref_squeeze %dma_start3A_200 : memref<1x2048xi32, #tpu.memory_space<vmem>> -> memref<2048xi32, #tpu.memory_space<vmem>>
          %dma_start3A_202 = tpu.memref_slice %dma_start3A_201[%add3A_192] : memref<2048xi32, #tpu.memory_space<vmem>> -> memref<128xi32, #tpu.memory_space<vmem>>
          %dma_start3A_203 = arith.constant 0 : i32
          %dma_start3A_204 = tpu.memref_slice %arg5[%arg1, %dma_start3A_203] : memref<16x100000xf32, #tpu.memory_space<vmem_shared>> -> memref<1x100000xf32, #tpu.memory_space<vmem_shared>>
          %dma_start3A_205 = tpu.memref_squeeze %dma_start3A_204 : memref<1x100000xf32, #tpu.memory_space<vmem_shared>> -> memref<100000xf32, #tpu.memory_space<vmem_shared>>
          %dma_start3A_206 = arith.constant 0 : i32
          %dma_start3A_207 = tpu.memref_slice %dma_start3A_205[%dma_start3A_206] : memref<100000xf32, #tpu.memory_space<vmem_shared>> -> memref<100000xf32, #tpu.memory_space<vmem_shared>>
          tpu.enqueue_indirect_dma source(%dma_start3A_207 : memref<100000xf32, #tpu.memory_space<vmem_shared>>) target(%dma_start3A_198 : memref<128xf32, #tpu.memory_space<vmem>>) offsets(%dma_start3A_202 : memref<128xi32, #tpu.memory_space<vmem>>) semaphore(%arg8 : memref<!tpu.dma_semaphore, #tpu.memory_space<semaphore_mem>>)
          %add3A_208 = arith.constant 896 : i32
          %add3A_209 = arith.addi %mul3A_88, %add3A_208 : i32
          %add3A_210 = arith.constant 896 : i32
          %add3A_211 = arith.addi %mul3A_88, %add3A_210 : i32
          %dma_start3A_212 = arith.constant 0 : i32
          %dma_start3A_213 = tpu.memref_slice %arg7[%rem3A_62, %dma_start3A_212] : memref<2x2048xf32, #tpu.memory_space<vmem>> -> memref<1x2048xf32, #tpu.memory_space<vmem>>
          %dma_start3A_214 = tpu.memref_squeeze %dma_start3A_213 : memref<1x2048xf32, #tpu.memory_space<vmem>> -> memref<2048xf32, #tpu.memory_space<vmem>>
          %dma_start3A_215 = tpu.memref_slice %dma_start3A_214[%add3A_211] : memref<2048xf32, #tpu.memory_space<vmem>> -> memref<128xf32, #tpu.memory_space<vmem>>
          %dma_start3A_216 = arith.constant 0 : i32
          %dma_start3A_217 = tpu.memref_slice %arg6[%rem3A_62, %dma_start3A_216] : memref<2x2048xi32, #tpu.memory_space<vmem>> -> memref<1x2048xi32, #tpu.memory_space<vmem>>
          %dma_start3A_218 = tpu.memref_squeeze %dma_start3A_217 : memref<1x2048xi32, #tpu.memory_space<vmem>> -> memref<2048xi32, #tpu.memory_space<vmem>>
          %dma_start3A_219 = tpu.memref_slice %dma_start3A_218[%add3A_209] : memref<2048xi32, #tpu.memory_space<vmem>> -> memref<128xi32, #tpu.memory_space<vmem>>
          %dma_start3A_220 = arith.constant 0 : i32
          %dma_start3A_221 = tpu.memref_slice %arg5[%arg1, %dma_start3A_220] : memref<16x100000xf32, #tpu.memory_space<vmem_shared>> -> memref<1x100000xf32, #tpu.memory_space<vmem_shared>>
          %dma_start3A_222 = tpu.memref_squeeze %dma_start3A_221 : memref<1x100000xf32, #tpu.memory_space<vmem_shared>> -> memref<100000xf32, #tpu.memory_space<vmem_shared>>
          %dma_start3A_223 = arith.constant 0 : i32
          %dma_start3A_224 = tpu.memref_slice %dma_start3A_222[%dma_start3A_223] : memref<100000xf32, #tpu.memory_space<vmem_shared>> -> memref<100000xf32, #tpu.memory_space<vmem_shared>>
          tpu.enqueue_indirect_dma source(%dma_start3A_224 : memref<100000xf32, #tpu.memory_space<vmem_shared>>) target(%dma_start3A_215 : memref<128xf32, #tpu.memory_space<vmem>>) offsets(%dma_start3A_219 : memref<128xi32, #tpu.memory_space<vmem>>) semaphore(%arg8 : memref<!tpu.dma_semaphore, #tpu.memory_space<semaphore_mem>>)
          %dma_wait3A_225 = arith.constant 0 : i32
          %dma_wait3A_226 = tpu.memref_slice %arg7[%rem3A_62, %dma_wait3A_225] : memref<2x2048xf32, #tpu.memory_space<vmem>> -> memref<1x2048xf32, #tpu.memory_space<vmem>>
          %dma_wait3A_227 = tpu.memref_squeeze %dma_wait3A_226 : memref<1x2048xf32, #tpu.memory_space<vmem>> -> memref<2048xf32, #tpu.memory_space<vmem>>
          %dma_wait3A_228 = tpu.memref_slice %dma_wait3A_227[%add3A_92] : memref<2048xf32, #tpu.memory_space<vmem>> -> memref<128xf32, #tpu.memory_space<vmem>>
          %dma_wait3A_229 = arith.constant 0 : i32
          %dma_wait3A_230 = tpu.memref_slice %arg6[%rem3A_62, %dma_wait3A_229] : memref<2x2048xi32, #tpu.memory_space<vmem>> -> memref<1x2048xi32, #tpu.memory_space<vmem>>
          %dma_wait3A_231 = tpu.memref_squeeze %dma_wait3A_230 : memref<1x2048xi32, #tpu.memory_space<vmem>> -> memref<2048xi32, #tpu.memory_space<vmem>>
          %dma_wait3A_232 = tpu.memref_slice %dma_wait3A_231[%add3A_90] : memref<2048xi32, #tpu.memory_space<vmem>> -> memref<128xi32, #tpu.memory_space<vmem>>
          %dma_wait3A_233 = arith.constant 0 : i32
          %dma_wait3A_234 = tpu.memref_slice %arg5[%arg1, %dma_wait3A_233] : memref<16x100000xf32, #tpu.memory_space<vmem_shared>> -> memref<1x100000xf32, #tpu.memory_space<vmem_shared>>
          %dma_wait3A_235 = tpu.memref_squeeze %dma_wait3A_234 : memref<1x100000xf32, #tpu.memory_space<vmem_shared>> -> memref<100000xf32, #tpu.memory_space<vmem_shared>>
          %dma_wait3A_236 = arith.constant 0 : i32
          %dma_wait3A_237 = tpu.memref_slice %dma_wait3A_235[%dma_wait3A_236] : memref<100000xf32, #tpu.memory_space<vmem_shared>> -> memref<100000xf32, #tpu.memory_space<vmem_shared>>
          tpu.wait_indirect_dma semaphore(%arg8 : memref<!tpu.dma_semaphore, #tpu.memory_space<semaphore_mem>>) src(%dma_wait3A_237 : memref<100000xf32, #tpu.memory_space<vmem_shared>>) dst(%dma_wait3A_228 : memref<128xf32, #tpu.memory_space<vmem>>)
          %dma_wait3A_238 = arith.constant 0 : i32
          %dma_wait3A_239 = tpu.memref_slice %arg7[%rem3A_62, %dma_wait3A_238] : memref<2x2048xf32, #tpu.memory_space<vmem>> -> memref<1x2048xf32, #tpu.memory_space<vmem>>
          %dma_wait3A_240 = tpu.memref_squeeze %dma_wait3A_239 : memref<1x2048xf32, #tpu.memory_space<vmem>> -> memref<2048xf32, #tpu.memory_space<vmem>>
          %dma_wait3A_241 = tpu.memref_slice %dma_wait3A_240[%add3A_109] : memref<2048xf32, #tpu.memory_space<vmem>> -> memref<128xf32, #tpu.memory_space<vmem>>
          %dma_wait3A_242 = arith.constant 0 : i32
          %dma_wait3A_243 = tpu.memref_slice %arg6[%rem3A_62, %dma_wait3A_242] : memref<2x2048xi32, #tpu.memory_space<vmem>> -> memref<1x2048xi32, #tpu.memory_space<vmem>>
          %dma_wait3A_244 = tpu.memref_squeeze %dma_wait3A_243 : memref<1x2048xi32, #tpu.memory_space<vmem>> -> memref<2048xi32, #tpu.memory_space<vmem>>
          %dma_wait3A_245 = tpu.memref_slice %dma_wait3A_244[%add3A_107] : memref<2048xi32, #tpu.memory_space<vmem>> -> memref<128xi32, #tpu.memory_space<vmem>>
          %dma_wait3A_246 = arith.constant 0 : i32
          %dma_wait3A_247 = tpu.memref_slice %arg5[%arg1, %dma_wait3A_246] : memref<16x100000xf32, #tpu.memory_space<vmem_shared>> -> memref<1x100000xf32, #tpu.memory_space<vmem_shared>>
          %dma_wait3A_248 = tpu.memref_squeeze %dma_wait3A_247 : memref<1x100000xf32, #tpu.memory_space<vmem_shared>> -> memref<100000xf32, #tpu.memory_space<vmem_shared>>
          %dma_wait3A_249 = arith.constant 0 : i32
          %dma_wait3A_250 = tpu.memref_slice %dma_wait3A_248[%dma_wait3A_249] : memref<100000xf32, #tpu.memory_space<vmem_shared>> -> memref<100000xf32, #tpu.memory_space<vmem_shared>>
          tpu.wait_indirect_dma semaphore(%arg8 : memref<!tpu.dma_semaphore, #tpu.memory_space<semaphore_mem>>) src(%dma_wait3A_250 : memref<100000xf32, #tpu.memory_space<vmem_shared>>) dst(%dma_wait3A_241 : memref<128xf32, #tpu.memory_space<vmem>>)
          %dma_wait3A_251 = arith.constant 0 : i32
          %dma_wait3A_252 = tpu.memref_slice %arg7[%rem3A_62, %dma_wait3A_251] : memref<2x2048xf32, #tpu.memory_space<vmem>> -> memref<1x2048xf32, #tpu.memory_space<vmem>>
          %dma_wait3A_253 = tpu.memref_squeeze %dma_wait3A_252 : memref<1x2048xf32, #tpu.memory_space<vmem>> -> memref<2048xf32, #tpu.memory_space<vmem>>
          %dma_wait3A_254 = tpu.memref_slice %dma_wait3A_253[%add3A_126] : memref<2048xf32, #tpu.memory_space<vmem>> -> memref<128xf32, #tpu.memory_space<vmem>>
          %dma_wait3A_255 = arith.constant 0 : i32
          %dma_wait3A_256 = tpu.memref_slice %arg6[%rem3A_62, %dma_wait3A_255] : memref<2x2048xi32, #tpu.memory_space<vmem>> -> memref<1x2048xi32, #tpu.memory_space<vmem>>
          %dma_wait3A_257 = tpu.memref_squeeze %dma_wait3A_256 : memref<1x2048xi32, #tpu.memory_space<vmem>> -> memref<2048xi32, #tpu.memory_space<vmem>>
          %dma_wait3A_258 = tpu.memref_slice %dma_wait3A_257[%add3A_124] : memref<2048xi32, #tpu.memory_space<vmem>> -> memref<128xi32, #tpu.memory_space<vmem>>
          %dma_wait3A_259 = arith.constant 0 : i32
          %dma_wait3A_260 = tpu.memref_slice %arg5[%arg1, %dma_wait3A_259] : memref<16x100000xf32, #tpu.memory_space<vmem_shared>> -> memref<1x100000xf32, #tpu.memory_space<vmem_shared>>
          %dma_wait3A_261 = tpu.memref_squeeze %dma_wait3A_260 : memref<1x100000xf32, #tpu.memory_space<vmem_shared>> -> memref<100000xf32, #tpu.memory_space<vmem_shared>>
          %dma_wait3A_262 = arith.constant 0 : i32
          %dma_wait3A_263 = tpu.memref_slice %dma_wait3A_261[%dma_wait3A_262] : memref<100000xf32, #tpu.memory_space<vmem_shared>> -> memref<100000xf32, #tpu.memory_space<vmem_shared>>
          tpu.wait_indirect_dma semaphore(%arg8 : memref<!tpu.dma_semaphore, #tpu.memory_space<semaphore_mem>>) src(%dma_wait3A_263 : memref<100000xf32, #tpu.memory_space<vmem_shared>>) dst(%dma_wait3A_254 : memref<128xf32, #tpu.memory_space<vmem>>)
          %dma_wait3A_264 = arith.constant 0 : i32
          %dma_wait3A_265 = tpu.memref_slice %arg7[%rem3A_62, %dma_wait3A_264] : memref<2x2048xf32, #tpu.memory_space<vmem>> -> memref<1x2048xf32, #tpu.memory_space<vmem>>
          %dma_wait3A_266 = tpu.memref_squeeze %dma_wait3A_265 : memref<1x2048xf32, #tpu.memory_space<vmem>> -> memref<2048xf32, #tpu.memory_space<vmem>>
          %dma_wait3A_267 = tpu.memref_slice %dma_wait3A_266[%add3A_143] : memref<2048xf32, #tpu.memory_space<vmem>> -> memref<128xf32, #tpu.memory_space<vmem>>
          %dma_wait3A_268 = arith.constant 0 : i32
          %dma_wait3A_269 = tpu.memref_slice %arg6[%rem3A_62, %dma_wait3A_268] : memref<2x2048xi32, #tpu.memory_space<vmem>> -> memref<1x2048xi32, #tpu.memory_space<vmem>>
          %dma_wait3A_270 = tpu.memref_squeeze %dma_wait3A_269 : memref<1x2048xi32, #tpu.memory_space<vmem>> -> memref<2048xi32, #tpu.memory_space<vmem>>
          %dma_wait3A_271 = tpu.memref_slice %dma_wait3A_270[%add3A_141] : memref<2048xi32, #tpu.memory_space<vmem>> -> memref<128xi32, #tpu.memory_space<vmem>>
          %dma_wait3A_272 = arith.constant 0 : i32
          %dma_wait3A_273 = tpu.memref_slice %arg5[%arg1, %dma_wait3A_272] : memref<16x100000xf32, #tpu.memory_space<vmem_shared>> -> memref<1x100000xf32, #tpu.memory_space<vmem_shared>>
          %dma_wait3A_274 = tpu.memref_squeeze %dma_wait3A_273 : memref<1x100000xf32, #tpu.memory_space<vmem_shared>> -> memref<100000xf32, #tpu.memory_space<vmem_shared>>
          %dma_wait3A_275 = arith.constant 0 : i32
          %dma_wait3A_276 = tpu.memref_slice %dma_wait3A_274[%dma_wait3A_275] : memref<100000xf32, #tpu.memory_space<vmem_shared>> -> memref<100000xf32, #tpu.memory_space<vmem_shared>>
          tpu.wait_indirect_dma semaphore(%arg8 : memref<!tpu.dma_semaphore, #tpu.memory_space<semaphore_mem>>) src(%dma_wait3A_276 : memref<100000xf32, #tpu.memory_space<vmem_shared>>) dst(%dma_wait3A_267 : memref<128xf32, #tpu.memory_space<vmem>>)
          %dma_wait3A_277 = arith.constant 0 : i32
          %dma_wait3A_278 = tpu.memref_slice %arg7[%rem3A_62, %dma_wait3A_277] : memref<2x2048xf32, #tpu.memory_space<vmem>> -> memref<1x2048xf32, #tpu.memory_space<vmem>>
          %dma_wait3A_279 = tpu.memref_squeeze %dma_wait3A_278 : memref<1x2048xf32, #tpu.memory_space<vmem>> -> memref<2048xf32, #tpu.memory_space<vmem>>
          %dma_wait3A_280 = tpu.memref_slice %dma_wait3A_279[%add3A_160] : memref<2048xf32, #tpu.memory_space<vmem>> -> memref<128xf32, #tpu.memory_space<vmem>>
          %dma_wait3A_281 = arith.constant 0 : i32
          %dma_wait3A_282 = tpu.memref_slice %arg6[%rem3A_62, %dma_wait3A_281] : memref<2x2048xi32, #tpu.memory_space<vmem>> -> memref<1x2048xi32, #tpu.memory_space<vmem>>
          %dma_wait3A_283 = tpu.memref_squeeze %dma_wait3A_282 : memref<1x2048xi32, #tpu.memory_space<vmem>> -> memref<2048xi32, #tpu.memory_space<vmem>>
          %dma_wait3A_284 = tpu.memref_slice %dma_wait3A_283[%add3A_158] : memref<2048xi32, #tpu.memory_space<vmem>> -> memref<128xi32, #tpu.memory_space<vmem>>
          %dma_wait3A_285 = arith.constant 0 : i32
          %dma_wait3A_286 = tpu.memref_slice %arg5[%arg1, %dma_wait3A_285] : memref<16x100000xf32, #tpu.memory_space<vmem_shared>> -> memref<1x100000xf32, #tpu.memory_space<vmem_shared>>
          %dma_wait3A_287 = tpu.memref_squeeze %dma_wait3A_286 : memref<1x100000xf32, #tpu.memory_space<vmem_shared>> -> memref<100000xf32, #tpu.memory_space<vmem_shared>>
          %dma_wait3A_288 = arith.constant 0 : i32
          %dma_wait3A_289 = tpu.memref_slice %dma_wait3A_287[%dma_wait3A_288] : memref<100000xf32, #tpu.memory_space<vmem_shared>> -> memref<100000xf32, #tpu.memory_space<vmem_shared>>
          tpu.wait_indirect_dma semaphore(%arg8 : memref<!tpu.dma_semaphore, #tpu.memory_space<semaphore_mem>>) src(%dma_wait3A_289 : memref<100000xf32, #tpu.memory_space<vmem_shared>>) dst(%dma_wait3A_280 : memref<128xf32, #tpu.memory_space<vmem>>)
          %dma_wait3A_290 = arith.constant 0 : i32
          %dma_wait3A_291 = tpu.memref_slice %arg7[%rem3A_62, %dma_wait3A_290] : memref<2x2048xf32, #tpu.memory_space<vmem>> -> memref<1x2048xf32, #tpu.memory_space<vmem>>
          %dma_wait3A_292 = tpu.memref_squeeze %dma_wait3A_291 : memref<1x2048xf32, #tpu.memory_space<vmem>> -> memref<2048xf32, #tpu.memory_space<vmem>>
          %dma_wait3A_293 = tpu.memref_slice %dma_wait3A_292[%add3A_177] : memref<2048xf32, #tpu.memory_space<vmem>> -> memref<128xf32, #tpu.memory_space<vmem>>
          %dma_wait3A_294 = arith.constant 0 : i32
          %dma_wait3A_295 = tpu.memref_slice %arg6[%rem3A_62, %dma_wait3A_294] : memref<2x2048xi32, #tpu.memory_space<vmem>> -> memref<1x2048xi32, #tpu.memory_space<vmem>>
          %dma_wait3A_296 = tpu.memref_squeeze %dma_wait3A_295 : memref<1x2048xi32, #tpu.memory_space<vmem>> -> memref<2048xi32, #tpu.memory_space<vmem>>
          %dma_wait3A_297 = tpu.memref_slice %dma_wait3A_296[%add3A_175] : memref<2048xi32, #tpu.memory_space<vmem>> -> memref<128xi32, #tpu.memory_space<vmem>>
          %dma_wait3A_298 = arith.constant 0 : i32
          %dma_wait3A_299 = tpu.memref_slice %arg5[%arg1, %dma_wait3A_298] : memref<16x100000xf32, #tpu.memory_space<vmem_shared>> -> memref<1x100000xf32, #tpu.memory_space<vmem_shared>>
          %dma_wait3A_300 = tpu.memref_squeeze %dma_wait3A_299 : memref<1x100000xf32, #tpu.memory_space<vmem_shared>> -> memref<100000xf32, #tpu.memory_space<vmem_shared>>
          %dma_wait3A_301 = arith.constant 0 : i32
          %dma_wait3A_302 = tpu.memref_slice %dma_wait3A_300[%dma_wait3A_301] : memref<100000xf32, #tpu.memory_space<vmem_shared>> -> memref<100000xf32, #tpu.memory_space<vmem_shared>>
          tpu.wait_indirect_dma semaphore(%arg8 : memref<!tpu.dma_semaphore, #tpu.memory_space<semaphore_mem>>) src(%dma_wait3A_302 : memref<100000xf32, #tpu.memory_space<vmem_shared>>) dst(%dma_wait3A_293 : memref<128xf32, #tpu.memory_space<vmem>>)
          %dma_wait3A_303 = arith.constant 0 : i32
          %dma_wait3A_304 = tpu.memref_slice %arg7[%rem3A_62, %dma_wait3A_303] : memref<2x2048xf32, #tpu.memory_space<vmem>> -> memref<1x2048xf32, #tpu.memory_space<vmem>>
          %dma_wait3A_305 = tpu.memref_squeeze %dma_wait3A_304 : memref<1x2048xf32, #tpu.memory_space<vmem>> -> memref<2048xf32, #tpu.memory_space<vmem>>
          %dma_wait3A_306 = tpu.memref_slice %dma_wait3A_305[%add3A_194] : memref<2048xf32, #tpu.memory_space<vmem>> -> memref<128xf32, #tpu.memory_space<vmem>>
          %dma_wait3A_307 = arith.constant 0 : i32
          %dma_wait3A_308 = tpu.memref_slice %arg6[%rem3A_62, %dma_wait3A_307] : memref<2x2048xi32, #tpu.memory_space<vmem>> -> memref<1x2048xi32, #tpu.memory_space<vmem>>
          %dma_wait3A_309 = tpu.memref_squeeze %dma_wait3A_308 : memref<1x2048xi32, #tpu.memory_space<vmem>> -> memref<2048xi32, #tpu.memory_space<vmem>>
          %dma_wait3A_310 = tpu.memref_slice %dma_wait3A_309[%add3A_192] : memref<2048xi32, #tpu.memory_space<vmem>> -> memref<128xi32, #tpu.memory_space<vmem>>
          %dma_wait3A_311 = arith.constant 0 : i32
          %dma_wait3A_312 = tpu.memref_slice %arg5[%arg1, %dma_wait3A_311] : memref<16x100000xf32, #tpu.memory_space<vmem_shared>> -> memref<1x100000xf32, #tpu.memory_space<vmem_shared>>
          %dma_wait3A_313 = tpu.memref_squeeze %dma_wait3A_312 : memref<1x100000xf32, #tpu.memory_space<vmem_shared>> -> memref<100000xf32, #tpu.memory_space<vmem_shared>>
          %dma_wait3A_314 = arith.constant 0 : i32
          %dma_wait3A_315 = tpu.memref_slice %dma_wait3A_313[%dma_wait3A_314] : memref<100000xf32, #tpu.memory_space<vmem_shared>> -> memref<100000xf32, #tpu.memory_space<vmem_shared>>
          tpu.wait_indirect_dma semaphore(%arg8 : memref<!tpu.dma_semaphore, #tpu.memory_space<semaphore_mem>>) src(%dma_wait3A_315 : memref<100000xf32, #tpu.memory_space<vmem_shared>>) dst(%dma_wait3A_306 : memref<128xf32, #tpu.memory_space<vmem>>)
          %dma_wait3A_316 = arith.constant 0 : i32
          %dma_wait3A_317 = tpu.memref_slice %arg7[%rem3A_62, %dma_wait3A_316] : memref<2x2048xf32, #tpu.memory_space<vmem>> -> memref<1x2048xf32, #tpu.memory_space<vmem>>
          %dma_wait3A_318 = tpu.memref_squeeze %dma_wait3A_317 : memref<1x2048xf32, #tpu.memory_space<vmem>> -> memref<2048xf32, #tpu.memory_space<vmem>>
          %dma_wait3A_319 = tpu.memref_slice %dma_wait3A_318[%add3A_211] : memref<2048xf32, #tpu.memory_space<vmem>> -> memref<128xf32, #tpu.memory_space<vmem>>
          %dma_wait3A_320 = arith.constant 0 : i32
          %dma_wait3A_321 = tpu.memref_slice %arg6[%rem3A_62, %dma_wait3A_320] : memref<2x2048xi32, #tpu.memory_space<vmem>> -> memref<1x2048xi32, #tpu.memory_space<vmem>>
          %dma_wait3A_322 = tpu.memref_squeeze %dma_wait3A_321 : memref<1x2048xi32, #tpu.memory_space<vmem>> -> memref<2048xi32, #tpu.memory_space<vmem>>
          %dma_wait3A_323 = tpu.memref_slice %dma_wait3A_322[%add3A_209] : memref<2048xi32, #tpu.memory_space<vmem>> -> memref<128xi32, #tpu.memory_space<vmem>>
          %dma_wait3A_324 = arith.constant 0 : i32
          %dma_wait3A_325 = tpu.memref_slice %arg5[%arg1, %dma_wait3A_324] : memref<16x100000xf32, #tpu.memory_space<vmem_shared>> -> memref<1x100000xf32, #tpu.memory_space<vmem_shared>>
          %dma_wait3A_326 = tpu.memref_squeeze %dma_wait3A_325 : memref<1x100000xf32, #tpu.memory_space<vmem_shared>> -> memref<100000xf32, #tpu.memory_space<vmem_shared>>
          %dma_wait3A_327 = arith.constant 0 : i32
          %dma_wait3A_328 = tpu.memref_slice %dma_wait3A_326[%dma_wait3A_327] : memref<100000xf32, #tpu.memory_space<vmem_shared>> -> memref<100000xf32, #tpu.memory_space<vmem_shared>>
          tpu.wait_indirect_dma semaphore(%arg8 : memref<!tpu.dma_semaphore, #tpu.memory_space<semaphore_mem>>) src(%dma_wait3A_328 : memref<100000xf32, #tpu.memory_space<vmem_shared>>) dst(%dma_wait3A_319 : memref<128xf32, #tpu.memory_space<vmem>>)
        }
        %scan3A_76 = arith.constant 2 : i32
        %mul3A_77 = arith.constant 2048 : i32
        %mul3A_78 = arith.muli %scan3A_60, %mul3A_77 : i32
        "tpu.region"() ({
          %run_scoped3A = tpu.sem_alloc : memref<!tpu.dma_semaphore, #tpu.memory_space<semaphore_mem>>
          %dma_start3A_86 = arith.constant 0 : i32
          %dma_start3A_87 = tpu.memref_slice %arg7[%rem3A_62, %dma_start3A_86] : memref<2x2048xf32, #tpu.memory_space<vmem>> -> memref<1x2048xf32, #tpu.memory_space<vmem>>
          %dma_start3A_88 = tpu.memref_squeeze %dma_start3A_87 : memref<1x2048xf32, #tpu.memory_space<vmem>> -> memref<2048xf32, #tpu.memory_space<vmem>>
          %dma_start3A_89 = tpu.memref_slice %arg4[%add3A_9, %mul3A_78] : memref<192x16384xf32, #tpu.memory_space<hbm>> -> memref<1x2048xf32, #tpu.memory_space<hbm>>
          %dma_start3A_90 = tpu.memref_squeeze %dma_start3A_89 : memref<1x2048xf32, #tpu.memory_space<hbm>> -> memref<2048xf32, #tpu.memory_space<hbm>>
          %dma_start3A_91 = tpu.memref_slice %arg4[%add3A_9, %mul3A_78] : memref<192x16384xf32, #tpu.memory_space<hbm>> -> memref<1x2048xf32, #tpu.memory_space<hbm>>
          %dma_start3A_92 = tpu.memref_squeeze %dma_start3A_91 : memref<1x2048xf32, #tpu.memory_space<hbm>> -> memref<2048xf32, #tpu.memory_space<hbm>>
          %dma_start3A_93 = arith.constant 0 : i32
          %dma_start3A_94 = tpu.memref_slice %arg7[%rem3A_62, %dma_start3A_93] : memref<2x2048xf32, #tpu.memory_space<vmem>> -> memref<1x2048xf32, #tpu.memory_space<vmem>>
          %dma_start3A_95 = tpu.memref_squeeze %dma_start3A_94 : memref<1x2048xf32, #tpu.memory_space<vmem>> -> memref<2048xf32, #tpu.memory_space<vmem>>
          tpu.enqueue_dma source(%dma_start3A_95 : memref<2048xf32, #tpu.memory_space<vmem>>) target(%dma_start3A_92 : memref<2048xf32, #tpu.memory_space<hbm>>) target_semaphore(%run_scoped3A : memref<!tpu.dma_semaphore, #tpu.memory_space<semaphore_mem>>)
          %dma_wait3A_96 = arith.constant 0 : i32
          %dma_wait3A_97 = tpu.memref_slice %arg7[%rem3A_62, %dma_wait3A_96] : memref<2x2048xf32, #tpu.memory_space<vmem>> -> memref<1x2048xf32, #tpu.memory_space<vmem>>
          %dma_wait3A_98 = tpu.memref_squeeze %dma_wait3A_97 : memref<1x2048xf32, #tpu.memory_space<vmem>> -> memref<2048xf32, #tpu.memory_space<vmem>>
          %dma_wait3A_99 = tpu.memref_slice %arg4[%add3A_9, %mul3A_78] : memref<192x16384xf32, #tpu.memory_space<hbm>> -> memref<1x2048xf32, #tpu.memory_space<hbm>>
          %dma_wait3A_100 = tpu.memref_squeeze %dma_wait3A_99 : memref<1x2048xf32, #tpu.memory_space<hbm>> -> memref<2048xf32, #tpu.memory_space<hbm>>
          %dma_wait3A_101 = tpu.memref_slice %arg4[%add3A_9, %mul3A_78] : memref<192x16384xf32, #tpu.memory_space<hbm>> -> memref<1x2048xf32, #tpu.memory_space<hbm>>
          %dma_wait3A_102 = tpu.memref_squeeze %dma_wait3A_101 : memref<1x2048xf32, #tpu.memory_space<hbm>> -> memref<2048xf32, #tpu.memory_space<hbm>>
          %dma_wait3A_103 = arith.constant 0 : i32
          %dma_wait3A_104 = tpu.memref_slice %arg7[%rem3A_62, %dma_wait3A_103] : memref<2x2048xf32, #tpu.memory_space<vmem>> -> memref<1x2048xf32, #tpu.memory_space<vmem>>
          %dma_wait3A_105 = tpu.memref_squeeze %dma_wait3A_104 : memref<1x2048xf32, #tpu.memory_space<vmem>> -> memref<2048xf32, #tpu.memory_space<vmem>>
          tpu.wait_dma2 semaphore(%run_scoped3A : memref<!tpu.dma_semaphore, #tpu.memory_space<semaphore_mem>>) src(%dma_wait3A_105 : memref<2048xf32, #tpu.memory_space<vmem>>) dst(%dma_wait3A_102 : memref<2048xf32, #tpu.memory_space<hbm>>)
          tpu.yield
        }) : () -> ()
        %add3A_79 = arith.constant 1 : i32
        %add3A_80 = arith.addi %scan3A_60, %add3A_79 : i32
        %lt3A_81 = arith.constant 8 : i32
        %lt3A_82 = arith.cmpi slt, %add3A_80, %lt3A_81 : i32
        %convert_element_type3A_83 = arith.extui %lt3A_82 : i1 to i32
        %cond3A_84 = arith.constant 0 : i32
        %cond3A_85 = arith.cmpi ne, %convert_element_type3A_83, %cond3A_84 : i32
        scf.if %cond3A_85 {
          %add3A_86 = arith.constant 1 : i32
          %add3A_87 = arith.addi %scan3A_60, %add3A_86 : i32
          %mul3A_88 = arith.constant 2048 : i32
          %mul3A_89 = arith.muli %add3A_87, %mul3A_88 : i32
          %dma_wait3A_90 = arith.constant 0 : i32
          %dma_wait3A_91 = tpu.memref_slice %arg6[%rem3A_66, %dma_wait3A_90] : memref<2x2048xi32, #tpu.memory_space<vmem>> -> memref<1x2048xi32, #tpu.memory_space<vmem>>
          %dma_wait3A_92 = tpu.memref_squeeze %dma_wait3A_91 : memref<1x2048xi32, #tpu.memory_space<vmem>> -> memref<2048xi32, #tpu.memory_space<vmem>>
          %dma_wait3A_93 = tpu.memref_slice %arg3[%select_n3A, %mul3A_89] : memref<26x16384xi32, #tpu.memory_space<hbm>> -> memref<1x2048xi32, #tpu.memory_space<hbm>>
          %dma_wait3A_94 = tpu.memref_squeeze %dma_wait3A_93 : memref<1x2048xi32, #tpu.memory_space<hbm>> -> memref<2048xi32, #tpu.memory_space<hbm>>
          %dma_wait3A_95 = arith.constant 0 : i32
          %dma_wait3A_96 = tpu.memref_slice %arg6[%rem3A_66, %dma_wait3A_95] : memref<2x2048xi32, #tpu.memory_space<vmem>> -> memref<1x2048xi32, #tpu.memory_space<vmem>>
          %dma_wait3A_97 = tpu.memref_squeeze %dma_wait3A_96 : memref<1x2048xi32, #tpu.memory_space<vmem>> -> memref<2048xi32, #tpu.memory_space<vmem>>
          %dma_wait3A_98 = tpu.memref_slice %arg3[%select_n3A, %mul3A_89] : memref<26x16384xi32, #tpu.memory_space<hbm>> -> memref<1x2048xi32, #tpu.memory_space<hbm>>
          %dma_wait3A_99 = tpu.memref_squeeze %dma_wait3A_98 : memref<1x2048xi32, #tpu.memory_space<hbm>> -> memref<2048xi32, #tpu.memory_space<hbm>>
          tpu.wait_dma2 semaphore(%arg9 : memref<!tpu.dma_semaphore, #tpu.memory_space<semaphore_mem>>) src(%dma_wait3A_99 : memref<2048xi32, #tpu.memory_space<hbm>>) dst(%dma_wait3A_97 : memref<2048xi32, #tpu.memory_space<vmem>>)
        } else {
        }
      }
      %scan3A_59 = arith.constant 8 : i32
    }
    %scan3A_5 = arith.constant 6 : i32
    return
  }
}

module attributes {stable_mosaic.version = 14 : i64} {
  func.func @_mlp_body(%arg0: i32, %arg1: memref<224x1024xf32, #tpu.memory_space<vmem>>, %arg2: memref<192x1024xf32, #tpu.memory_space<vmem>>, %arg3: memref<26x1024xf32, #tpu.memory_space<vmem>>, %arg4: memref<416x256xf32, #tpu.memory_space<vmem>>, %arg5: memref<1x256xf32, #tpu.memory_space<vmem>>, %arg6: memref<256x128xf32, #tpu.memory_space<vmem>>, %arg7: memref<1x128xf32, #tpu.memory_space<vmem>>, %arg8: memref<128x64xf32, #tpu.memory_space<vmem>>, %arg9: memref<1x64xf32, #tpu.memory_space<vmem>>, %arg10: memref<64x1xf32, #tpu.memory_space<vmem>>, %arg11: memref<1x1xf32, #tpu.memory_space<vmem>>, %arg12: memref<1024x1xf32, #tpu.memory_space<vmem>>) attributes {dimension_semantics = [#tpu.dimension_semantics<arbitrary>], iteration_bounds = array<i64: 16>, scalar_prefetch = 0 : i64, scratch_operands = 0 : i64, tpu.core_type = #tpu.core_type<tc>, window_params = [{transform_indices = @transform_0, window_bounds = array<i64: 224, 1024>}, {transform_indices = @transform_1, window_bounds = array<i64: 192, 1024>}, {transform_indices = @transform_2, window_bounds = array<i64: 26, 1024>}, {pipeline_mode = #tpu.pipeline_mode<synchronous>, transform_indices = @transform_3, window_bounds = array<i64: 416, 256>}, {pipeline_mode = #tpu.pipeline_mode<synchronous>, transform_indices = @transform_4, window_bounds = array<i64: 1, 256>}, {pipeline_mode = #tpu.pipeline_mode<synchronous>, transform_indices = @transform_5, window_bounds = array<i64: 256, 128>}, {pipeline_mode = #tpu.pipeline_mode<synchronous>, transform_indices = @transform_6, window_bounds = array<i64: 1, 128>}, {pipeline_mode = #tpu.pipeline_mode<synchronous>, transform_indices = @transform_7, window_bounds = array<i64: 128, 64>}, {pipeline_mode = #tpu.pipeline_mode<synchronous>, transform_indices = @transform_8, window_bounds = array<i64: 1, 64>}, {pipeline_mode = #tpu.pipeline_mode<synchronous>, transform_indices = @transform_9, window_bounds = array<i64: 64, 1>}, {pipeline_mode = #tpu.pipeline_mode<synchronous>, transform_indices = @transform_10, window_bounds = array<i64: 1, 1>}, {transform_indices = @transform_11, window_bounds = array<i64: 1024, 1>}]} {
    %get3A = arith.constant 0 : index
    %get3A_0 = arith.constant 0 : index
    %get3A_1 = vector.load %arg4[%get3A, %get3A_0] : memref<416x256xf32, #tpu.memory_space<vmem>>, vector<416x256xf32>
    %get3A_2 = arith.constant 0 : index
    %get3A_3 = arith.constant 0 : index
    %get3A_4 = vector.load %arg1[%get3A_2, %get3A_3] : memref<224x1024xf32, #tpu.memory_space<vmem>>, vector<224x1024xf32>
    %slice3A = vector.extract_strided_slice %get3A_1 {offsets = [0, 0], sizes = [224, 256], strides = [1, 1]} : vector<416x256xf32> to vector<224x256xf32>
    %dot_general3A = arith.constant dense<0.000000e+00> : vector<1024x256xf32>
    %dot_general3A_5 = tpu.matmul %get3A_4, %slice3A, %dot_general3A {dimension_numbers = #tpu.dot_dimension_numbers<[0], [0], [1], [1], [0, 1, 1, 1], [], []>, transpose_lhs_hint = false} : vector<224x1024xf32>, vector<224x256xf32>, vector<1024x256xf32> -> vector<1024x256xf32>
    %get3A_6 = arith.constant 0 : index
    %get3A_7 = arith.constant 0 : index
    %get3A_8 = vector.load %arg2[%get3A_6, %get3A_7] : memref<192x1024xf32, #tpu.memory_space<vmem>>, vector<192x1024xf32>
    %slice3A_9 = vector.extract_strided_slice %get3A_1 {offsets = [224, 0], sizes = [192, 256], strides = [1, 1]} : vector<416x256xf32> to vector<192x256xf32>
    %dot_general3A_10 = arith.constant dense<0.000000e+00> : vector<1024x256xf32>
    %dot_general3A_11 = tpu.matmul %get3A_8, %slice3A_9, %dot_general3A_10 {dimension_numbers = #tpu.dot_dimension_numbers<[0], [0], [1], [1], [0, 1, 1, 1], [], []>, transpose_lhs_hint = false} : vector<192x1024xf32>, vector<192x256xf32>, vector<1024x256xf32> -> vector<1024x256xf32>
    %add3A = arith.addf %dot_general3A_5, %dot_general3A_11 : vector<1024x256xf32>
    %get3A_12 = arith.constant 0 : index
    %get3A_13 = arith.constant 0 : index
    %get3A_14 = vector.load %arg5[%get3A_12, %get3A_13] : memref<1x256xf32, #tpu.memory_space<vmem>>, vector<1x256xf32>
    %add3A_15 = vector.broadcast %get3A_14 : vector<1x256xf32> to vector<1024x256xf32>
    %add3A_16 = arith.addf %add3A, %add3A_15 : vector<1024x256xf32>
    %max3A = arith.constant 0.000000e+00 : f32
    %max3A_17 = vector.broadcast %max3A : f32 to vector<1024x256xf32>
    %max3A_18 = arith.maximumf %add3A_16, %max3A_17 : vector<1024x256xf32>
    %get3A_19 = arith.constant 0 : index
    %get3A_20 = arith.constant 0 : index
    %get3A_21 = vector.load %arg6[%get3A_19, %get3A_20] : memref<256x128xf32, #tpu.memory_space<vmem>>, vector<256x128xf32>
    %dot_general3A_22 = arith.constant dense<0.000000e+00> : vector<1024x128xf32>
    %dot_general3A_23 = tpu.matmul %max3A_18, %get3A_21, %dot_general3A_22 {dimension_numbers = #tpu.dot_dimension_numbers<[1], [0], [0], [1], [0, 0, 1, 1], [], []>, transpose_lhs_hint = false} : vector<1024x256xf32>, vector<256x128xf32>, vector<1024x128xf32> -> vector<1024x128xf32>
    %get3A_24 = arith.constant 0 : index
    %get3A_25 = arith.constant 0 : index
    %get3A_26 = vector.load %arg7[%get3A_24, %get3A_25] : memref<1x128xf32, #tpu.memory_space<vmem>>, vector<1x128xf32>
    %add3A_27 = vector.broadcast %get3A_26 : vector<1x128xf32> to vector<1024x128xf32>
    %add3A_28 = arith.addf %dot_general3A_23, %add3A_27 : vector<1024x128xf32>
    %max3A_29 = arith.constant 0.000000e+00 : f32
    %max3A_30 = vector.broadcast %max3A_29 : f32 to vector<1024x128xf32>
    %max3A_31 = arith.maximumf %add3A_28, %max3A_30 : vector<1024x128xf32>
    %get3A_32 = arith.constant 0 : index
    %get3A_33 = arith.constant 0 : index
    %get3A_34 = vector.load %arg8[%get3A_32, %get3A_33] : memref<128x64xf32, #tpu.memory_space<vmem>>, vector<128x64xf32>
    %dot_general3A_35 = arith.constant dense<0.000000e+00> : vector<1024x64xf32>
    %dot_general3A_36 = tpu.matmul %max3A_31, %get3A_34, %dot_general3A_35 {dimension_numbers = #tpu.dot_dimension_numbers<[1], [0], [0], [1], [0, 0, 1, 1], [], []>, transpose_lhs_hint = false} : vector<1024x128xf32>, vector<128x64xf32>, vector<1024x64xf32> -> vector<1024x64xf32>
    %get3A_37 = arith.constant 0 : index
    %get3A_38 = arith.constant 0 : index
    %get3A_39 = vector.load %arg9[%get3A_37, %get3A_38] : memref<1x64xf32, #tpu.memory_space<vmem>>, vector<1x64xf32>
    %add3A_40 = vector.broadcast %get3A_39 : vector<1x64xf32> to vector<1024x64xf32>
    %add3A_41 = arith.addf %dot_general3A_36, %add3A_40 : vector<1024x64xf32>
    %max3A_42 = arith.constant 0.000000e+00 : f32
    %max3A_43 = vector.broadcast %max3A_42 : f32 to vector<1024x64xf32>
    %max3A_44 = arith.maximumf %add3A_41, %max3A_43 : vector<1024x64xf32>
    %get3A_45 = arith.constant 0 : index
    %get3A_46 = arith.constant 0 : index
    %get3A_47 = vector.load %arg10[%get3A_45, %get3A_46] : memref<64x1xf32, #tpu.memory_space<vmem>>, vector<64x1xf32>
    %dot_general3A_48 = arith.constant dense<0.000000e+00> : vector<1024x1xf32>
    %dot_general3A_49 = tpu.matmul %max3A_44, %get3A_47, %dot_general3A_48 {dimension_numbers = #tpu.dot_dimension_numbers<[1], [0], [0], [1], [0, 0, 1, 1], [], []>, transpose_lhs_hint = false} : vector<1024x64xf32>, vector<64x1xf32>, vector<1024x1xf32> -> vector<1024x1xf32>
    %get3A_50 = arith.constant 0 : index
    %get3A_51 = arith.constant 0 : index
    %get3A_52 = vector.load %arg11[%get3A_50, %get3A_51] : memref<1x1xf32, #tpu.memory_space<vmem>>, vector<1x1xf32>
    %add3A_53 = vector.broadcast %get3A_52 : vector<1x1xf32> to vector<1024x1xf32>
    %add3A_54 = arith.addf %dot_general3A_49, %add3A_53 : vector<1024x1xf32>
    %broadcast_in_dim3A = arith.constant 1.000000e+00 : f32
    %broadcast_in_dim3A_55 = vector.broadcast %broadcast_in_dim3A : f32 to vector<26x1xf32>
    %get3A_56 = arith.constant 0 : index
    %get3A_57 = arith.constant 0 : index
    %get3A_58 = vector.load %arg3[%get3A_56, %get3A_57] : memref<26x1024xf32, #tpu.memory_space<vmem>>, vector<26x1024xf32>
    %dot_general3A_59 = arith.constant dense<0.000000e+00> : vector<1024x1xf32>
    %dot_general3A_60 = tpu.matmul %get3A_58, %broadcast_in_dim3A_55, %dot_general3A_59 {dimension_numbers = #tpu.dot_dimension_numbers<[0], [0], [1], [1], [0, 1, 1, 1], [], []>, transpose_lhs_hint = false} : vector<26x1024xf32>, vector<26x1xf32>, vector<1024x1xf32> -> vector<1024x1xf32>
    %mul3A = arith.constant 5.000000e-01 : f32
    %mul3A_61 = vector.broadcast %mul3A : f32 to vector<1024x1xf32>
    %mul3A_62 = arith.mulf %mul3A_61, %dot_general3A_60 : vector<1024x1xf32>
    %mul3A_63 = arith.constant 5.000000e-01 : f32
    %mul3A_64 = vector.broadcast %mul3A_63 : f32 to vector<1024x1xf32>
    %mul3A_65 = arith.mulf %mul3A_64, %add3A_54 : vector<1024x1xf32>
    %add3A_66 = arith.addf %mul3A_62, %mul3A_65 : vector<1024x1xf32>
    %neg3A = arith.constant 0.000000e+00 : f32
    %neg3A_67 = vector.broadcast %neg3A : f32 to vector<1024x1xf32>
    %neg3A_68 = arith.subf %neg3A_67, %add3A_66 : vector<1024x1xf32>
    %exp3A = math.exp %neg3A_68 : vector<1024x1xf32>
    %add3A_69 = arith.constant 1.000000e+00 : f32
    %add3A_70 = vector.broadcast %add3A_69 : f32 to vector<1024x1xf32>
    %add3A_71 = arith.addf %add3A_70, %exp3A : vector<1024x1xf32>
    %div3A = arith.constant 1.000000e+00 : f32
    %div3A_72 = vector.broadcast %div3A : f32 to vector<1024x1xf32>
    %div3A_73 = arith.divf %div3A_72, %add3A_71 : vector<1024x1xf32>
    %swap3A = arith.constant 0 : index
    %swap3A_74 = arith.constant 0 : index
    %swap3A_75 = vector.load %arg12[%swap3A, %swap3A_74] : memref<1024x1xf32, #tpu.memory_space<vmem>>, vector<1024x1xf32>
    tpu.vector_store %arg12[%swap3A, %swap3A_74], %div3A_73 {strides = array<i32>} : memref<1024x1xf32, #tpu.memory_space<vmem>>, vector<1024x1xf32>,
    return
  }
  func.func @transform_0(%arg0: i32) -> (i32, i32) {
    %c0_i32 = arith.constant 0 : i32
    %c0_i32_0 = arith.constant 0 : i32
    return %c0_i32, %arg0 : i32, i32
  }
  func.func @transform_1(%arg0: i32) -> (i32, i32) {
    %c0_i32 = arith.constant 0 : i32
    %c0_i32_0 = arith.constant 0 : i32
    return %c0_i32, %arg0 : i32, i32
  }
  func.func @transform_2(%arg0: i32) -> (i32, i32) {
    %c0_i32 = arith.constant 0 : i32
    %c0_i32_0 = arith.constant 0 : i32
    return %c0_i32, %arg0 : i32, i32
  }
  func.func @transform_3(%arg0: i32) -> (i32, i32) {
    %c0_i32 = arith.constant 0 : i32
    %c0_i32_0 = arith.constant 0 : i32
    %c0_i32_1 = arith.constant 0 : i32
    return %c0_i32, %c0_i32_0 : i32, i32
  }
  func.func @transform_4(%arg0: i32) -> (i32, i32) {
    %c0_i32 = arith.constant 0 : i32
    %c0_i32_0 = arith.constant 0 : i32
    %c0_i32_1 = arith.constant 0 : i32
    return %c0_i32, %c0_i32_0 : i32, i32
  }
  func.func @transform_5(%arg0: i32) -> (i32, i32) {
    %c0_i32 = arith.constant 0 : i32
    %c0_i32_0 = arith.constant 0 : i32
    %c0_i32_1 = arith.constant 0 : i32
    return %c0_i32, %c0_i32_0 : i32, i32
  }
  func.func @transform_6(%arg0: i32) -> (i32, i32) {
    %c0_i32 = arith.constant 0 : i32
    %c0_i32_0 = arith.constant 0 : i32
    %c0_i32_1 = arith.constant 0 : i32
    return %c0_i32, %c0_i32_0 : i32, i32
  }
  func.func @transform_7(%arg0: i32) -> (i32, i32) {
    %c0_i32 = arith.constant 0 : i32
    %c0_i32_0 = arith.constant 0 : i32
    %c0_i32_1 = arith.constant 0 : i32
    return %c0_i32, %c0_i32_0 : i32, i32
  }
  func.func @transform_8(%arg0: i32) -> (i32, i32) {
    %c0_i32 = arith.constant 0 : i32
    %c0_i32_0 = arith.constant 0 : i32
    %c0_i32_1 = arith.constant 0 : i32
    return %c0_i32, %c0_i32_0 : i32, i32
  }
  func.func @transform_9(%arg0: i32) -> (i32, i32) {
    %c0_i32 = arith.constant 0 : i32
    %c0_i32_0 = arith.constant 0 : i32
    %c0_i32_1 = arith.constant 0 : i32
    return %c0_i32, %c0_i32_0 : i32, i32
  }
  func.func @transform_10(%arg0: i32) -> (i32, i32) {
    %c0_i32 = arith.constant 0 : i32
    %c0_i32_0 = arith.constant 0 : i32
    %c0_i32_1 = arith.constant 0 : i32
    return %c0_i32, %c0_i32_0 : i32, i32
  }
  func.func @transform_11(%arg0: i32) -> (i32, i32) {
    %c0_i32 = arith.constant 0 : i32
    %c0_i32_0 = arith.constant 0 : i32
    return %arg0, %c0_i32 : i32, i32
  }
}

</mosaic_0001>

<sc_bundles>
// kernel: kernel.12.cloned.1.call-start
scs
__scs_entry_jumppad:
0x0: {  	(pc) =	sbr.rel $0x88, $3  }
0x1: {  	(tag) =	ssettag $0x0;
	lr =	simm.s32 $0x1  }
0x2: {  	[smem:$0x3F96] =	sst lr;
	_ =	strace $0xD0000000  }
0x3: {  	_ = 	snop  }
0x4: {  	_ = 	snop  }
0x5: {  	_ = 	snop  }
0x6: {  	_ = 	snop  }
0x7: {  	_ = 	snop  }
__scs_overlays_trampoline_lowered:
0x8: {  	[smem:$0x3FA5] =	sst s0  }
0x9: {  	[smem:$0x3FA6] =	sst s1  }
0xa: {  	[smem:$0x3FA7] =	sst s2  }
0xb: {  	[smem:$0x3FA8] =	sst s3  }
0xc: {  	[smem:$0x3FA9] =	sst s4  }
0xd: {  	[smem:$0x3FAA] =	sst s5  }
0xe: {  	[smem:$0x3FAB] =	sst s6  }
0xf: {  	[smem:$0x3FAC] =	sst s7  }
0x10: {  	[smem:$0x3FAD] =	sst s8  }
0x11: {  	[smem:$0x3FAE] =	sst s9;
	s0 =	simm.s32 @!p0 $0x0  }
0x12: {  	s1 =	sld [smem:$0x3F94];
	s0 =	simm.s32 @p0 $0x1  }
0x13: {  	[smem:$0x3FAF] =	sst s0;
	s0 =	simm.s32 @!p1 $0x0  }
0x14: {  	s2 =	sld [smem:$0x3F93];
	s0 =	simm.s32 @p1 $0x1  }
0x15: {  	[smem:$0x3FB0] =	sst s0;
	s0 =	simm.s32 @!p2 $0x0  }
0x16: {  	s3 =	sld [smem:$0x3FDB];
	s0 =	simm.s32 @p2 $0x1  }
0x17: {  	s4 =	simm.s32 $0x1BF5;
	[smem:$0x3FB2] =	sst s0  }
0x18: {  	s0 =	sld [smem:$0x3F95];
	_ =	swait.ge [sflag:s4], $0x0  }
0x19: {  	s7 =	sld [smem:$0x3F96]  }
0x1a: {  	s8 =	sadd.s32 $0xFFFFE003, lr  }
0x1b: {  	s9 =	sadd.s32 $0xFFFFFEF7, lr;
	s5 =	simm.s32 $0xFFFFFFFF;
	p2 =	slt.u32 s8, $0xFFFFF086  }
0x1c: {  	p1 =	slt.u32 s9, $0xF7A;
	s5 =	simm.s32 @!p2 $0x0  }
0x1d: {  	s5 =	simm.s32 @p1 $0x1;
	p0 =	seq.s32 s7, s2  }
0x1e: {  	s7 =	smul.u32 @!p0 $0xF7A, s2;
	p2 =	seq.s32 @!p0 s5, $0x0  }
0x1f: {  	s9 =	smul.u32 $0xF7A, s1;
	s8 =	simm.s32 @!p0 $0x1BF5;
	p2 =	por !p2, p0  }
0x20: {  	[sflag:s8] =	ssyncset.s32 @!p0 $0xFFFFF086;
	s6 =	sadd.s32 @!p0 s3, s7;
	s7 =	simm.s32 @!p0 $0x108  }
0x21: {  	s3 =	sadd.s32 s3, s9;
	s6 =	sadd.s32 @!p0 $0x88, s6;
	s7 =	simm.s32 @p2 $0x1082  }
0x22: {  	[simem:s7], [sflag:s8] =	dma.local @!p0 [hbm:s6], $0xF7A  }
0x23: {  	s9 =	sor.u32 $0xD0000000, s2;
	s6 =	simm.s32 $0x108;
	_ =	swait.ge @!p0 [sflag:s8], $0x0  }
0x24: {  	s3 =	sadd.s32 $0x88, s3;
	s6 =	simm.s32 @!p1 $0x1082;
	[sflag:s4] =	ssyncset.s32 $0xFFFFF086  }
0x25: {  	[simem:s6], [sflag:s4] =	dma.local [hbm:s3], $0xF7A  }
0x26: {  	[smem:$0x3F96] =	sst s1;
	(tag) =	ssettag s2;
	_ =	strace s9  }
0x27: {  	s1 =	sld [smem:$0x3FA6]  }
0x28: {  	s2 =	sld [smem:$0x3FA7]  }
0x29: {  	s4 =	sld [smem:$0x3FA9]  }
0x2a: {  	p0 =	seq.s32 s5, $0x0;
	s5 =	sld [smem:$0x3FAA]  }
0x2b: {  	s6 =	sld [smem:$0x3FAB]  }
0x2c: {  	s7 =	sld [smem:$0x3FAC]  }
0x2d: {  	s3 =	simm.s32 $0x108;
	s8 =	sld [smem:$0x3FAD]  }
0x2e: {  	s3 =	simm.s32 @!p0 $0x1082;
	s9 =	sld [smem:$0x3FAE]  }
0x2f: {  	lr =	sadd.s32 s0, s3;
	s0 =	sld [smem:$0x3FA5]  }
0x30: {  	s3 =	sld [smem:$0x3FA8]  }
0x31: {  	[smem:$0x3FB1] =	sst s10  }
0x32: {  	s10 =	sld [smem:$0x3FAF];
	_ =	sdelay $0x3  }
0x33: {  	p0 =	seq.s32 s10, $0x1;
	s10 =	sld [smem:$0x3FB1];
	_ =	sdelay $0x3  }
0x34: {  	[smem:$0x3FB1] =	sst s10  }
0x35: {  	s10 =	sld [smem:$0x3FB0];
	_ =	sdelay $0x3  }
0x36: {  	p1 =	seq.s32 s10, $0x1;
	s10 =	sld [smem:$0x3FB1];
	_ =	sdelay $0x3  }
0x37: {  	[smem:$0x3FB1] =	sst s10  }
0x38: {  	s10 =	sld [smem:$0x3FB2]  }
0x39: {  	_ = 	snop;
	(pc) =	sbr.ind lr, $3  }
0x3a: {  	_ = 	snop  }
0x3b: {  	_ = 	snop  }
0x3c: {  	p2 =	seq.s32 s10, $0x1;
	s10 =	sld [smem:$0x3FB1]  }
0x3d: {  	_ =	shalt  }
0x3e: {  	_ =	shalt  }
0x3f: {  	_ =	shalt  }
0x40: {  	_ =	shalt  }
0x41: {  	_ =	shalt  }
0x42: {  	_ =	shalt  }
0x43: {  	_ =	shalt  }
0x44: {  	_ =	shalt  }
0x45: {  	_ =	shalt  }
0x46: {  	_ =	shalt  }
0x47: {  	_ =	shalt  }
0x48: {  	_ =	shalt  }
0x49: {  	_ =	shalt  }
0x4a: {  	_ =	shalt  }
0x4b: {  	_ =	shalt  }
0x4c: {  	_ =	shalt  }
0x4d: {  	_ =	shalt  }
0x4e: {  	_ =	shalt  }
0x4f: {  	_ =	shalt  }
0x50: {  	_ =	shalt  }
0x51: {  	_ =	shalt  }
0x52: {  	_ =	shalt  }
0x53: {  	_ =	shalt  }
0x54: {  	_ =	shalt  }
0x55: {  	_ =	shalt  }
0x56: {  	_ =	shalt  }
0x57: {  	_ =	shalt  }
0x58: {  	_ =	shalt  }
0x59: {  	_ =	shalt  }
0x5a: {  	_ =	shalt  }
0x5b: {  	_ =	shalt  }
0x5c: {  	_ =	shalt  }
0x5d: {  	_ =	shalt  }
0x5e: {  	_ =	shalt  }
0x5f: {  	_ =	shalt  }
0x60: {  	_ =	shalt  }
0x61: {  	_ =	shalt  }
0x62: {  	_ =	shalt  }
0x63: {  	_ =	shalt  }
0x64: {  	_ =	shalt  }
0x65: {  	_ =	shalt  }
0x66: {  	_ =	shalt  }
0x67: {  	_ =	shalt  }
0x68: {  	_ =	shalt  }
0x69: {  	_ =	shalt  }
0x6a: {  	_ =	shalt  }
0x6b: {  	_ =	shalt  }
0x6c: {  	_ =	shalt  }
0x6d: {  	_ =	shalt  }
0x6e: {  	_ =	shalt  }
0x6f: {  	_ =	shalt  }
0x70: {  	_ =	shalt  }
0x71: {  	_ =	shalt  }
0x72: {  	_ =	shalt  }
0x73: {  	_ =	shalt  }
0x74: {  	_ =	shalt  }
0x75: {  	_ =	shalt  }
0x76: {  	_ =	shalt  }
0x77: {  	_ =	shalt  }
0x78: {  	_ =	shalt  }
0x79: {  	_ =	shalt  }
0x7a: {  	_ =	shalt  }
0x7b: {  	_ =	shalt  }
0x7c: {  	_ =	shalt  }
0x7d: {  	_ =	shalt  }
0x7e: {  	_ =	shalt  }
0x7f: {  	_ =	shalt  }
0x80: {  	_ =	shalt  }
0x81: {  	_ =	shalt  }
0x82: {  	_ =	shalt  }
0x83: {  	_ =	shalt  }
0x84: {  	_ =	shalt  }
0x85: {  	_ =	shalt  }
0x86: {  	_ =	shalt  }
0x87: {  	_ =	shalt  }
.Lfunc_end0:
.L_simem_size_0:
called_computation.2_lowered:
.L_overlay_start_0:
0x88: {  	s2 =	sld [smem:$0x3FD9]  }
0x89: {  	s3 =	sld [smem:$0x3FFE];
	_ =	sdelay $0x1  }
0x8a: {  	s1 =	srdreg.scid  }
0x8b: {  	s0 =	sand.u32 $0x1, s1  }
0x8c: {  	s17 =	sshll.u32 s0, $0xA;
	s2 =	sadd.s32 s3, s2  }
0x8d: {  	s2 =	sadd.s32 s2, s17  }
0x8e: {  	[smem:$0x3FBD] =	sst s2  }
0x8f: {  	_ = 	snop  }
0x90: {  	(tm) =	ssettm $0x1  }
0x91: {  	s18 =	sld [smem:$0x3FFB];
	_ =	sdelay $0x3  }
0x92: {  	_ =	strace s18  }
0x93: {  	s2 =	sld [smem:$0x3FFC];
	_ =	sdelay $0x3  }
0x94: {  	_ =	strace s2  }
0x95: {  	s2 =	sld [smem:$0x3FFD];
	_ =	sdelay $0x3  }
0x96: {  	_ =	strace s2  }
0x97: {  	_ =	strace $0x8FFFFFFF  }
0x98: {  	s19 =	sld [smem:$0x3FDB];
	_ =	sdelay $0x1  }
0x99: {  	s20 =	simm.s32 $_scs_section_size  }
0x9a: {  	s4 =	simm.s32 $_size__tile_overlayer_lowered;
	s5 =	simm.s32 $_tile_overlayer_lowered  }
0x9b: {  	s6 =	simm.s32 $0x1BFF;
	s21 =	sshll.u32 s5, $0x1;
	s3 =	sadd.s32 s20, s19  }
0x9c: {  	s22 =	simm.s32 $0x0;
	s4 =	sshll.u32 s4, $0x1;
	s5 =	sadd.s32 s21, s3  }
0x9d: {  	[timem:s22], [sflag:s6] =	dma.local [hbm:s5], s4  }
0x9e: {  	_ =	swait.ge [sflag:s6], s4  }
0x9f: {  	s4 =	ssub.s32 $0x0, s4;
	[sflag:s6] =	ssyncset.done $0x0  }
0xa0: {  	[sflag:s6] =	ssyncadd.s32 s4;
	_ =	sdelay $0x1  }
0xa1: {  	s23 =	simm.s32 $0x1B8B  }
0xa2: {  	_ =	swait.ge [sflag:s23], $0x1  }
0xa3: {  	[sflag:s23] =	ssyncset.done $0x0  }
0xa4: {  	[sflag:s23] =	ssyncadd.s32 $0xFFFFFFFF  }
0xa5: {  	s4 =	sld [smem:$0x0]  }
0xa6: {  	s5 =	sand.u32 $0xFFFFFFFE, s1  }
0xa7: {  	p0 =	sne.s32 s1, s5  }
0xa8: {  	s5 =	sshll.u32 @p0 s5, $0xE  }
0xa9: {  	s5 =	sadd.s32 @p0 $0x11B8D, s5;
	s6 =	sshll.u32 @p0 s4, $0x11  }
0xaa: {  	s5 =	sor.u32 @p0 s6, s5  }
0xab: {  	[sflag:s5] =	ssyncadd.remote.s32 @p0 $0x1;
	_ =	sdelay $0x1  }
0xac: {  	s5 =	simm.s32 @p0 $0x1B8D  }
0xad: {  	_ =	swait.eq @p0 [sflag:s5], $0x1  }
0xae: {  	[sflag:s5] =	ssyncadd.s32 @p0 $0xFFFFFFFF  }
0xaf: {  	s6 =	sshll.u32 @!p0 s1, $0xE  }
0xb0: {  	s6 =	sor.u32 @!p0 $0x4000, s6;
	s5 =	simm.s32 @!p0 $0x1B8D  }
0xb1: {  	s4 =	sshll.u32 @!p0 s4, $0x11;
	s6 =	sadd.s32 @!p0 $0x11B8D, s6;
	_ =	swait.eq @!p0 [sflag:s5], $0x1  }
0xb2: {  	s4 =	sor.u32 @!p0 s4, s6;
	[sflag:s5] =	ssyncadd.s32 @!p0 $0xFFFFFFFF  }
0xb3: {  	s25 =	simm.s32 $0x1B8E;
	s24 =	sld [smem:$0x3FFE];
	[sflag:s4] =	ssyncadd.remote.s32 @!p0 $0x1  }
0xb4: {  	s26 =	simm.s32 $execute0_lowered;
	[smem:$0x3FD2] =	sst s25  }
0xb5: {  	s5 =	sshll.u32 s26, $0x1;
	_ =	strace $0x8000004C;
	[dreg:$0x1] =	wrdreg $0xFFFFFFFF  }
0xb6: {  	s28 =	simm.s32 $_size_execute0_lowered;
	s3 =	sadd.s32 s3, s5;
	[dreg:$0x0] =	wrdreg $0x0  }
0xb7: {  	s5 =	sshll.u32 s28, $0x1;
	[dreg:$0x2] =	wrdreg s3  }
0xb8: {  	[dreg:$0x3] =	wrdreg s5  }
0xb9: {  	[dreg:$0x4] =	wrdreg $0xC0  }
0xba: {  	_ =	task [dreg:s22], $0x5FFFF  }
0xbb: {  	[dreg:$0x1] =	wrdreg $0xFFFFFFFF  }
0xbc: {  	[dreg:$0x0] =	wrdreg $0x60  }
0xbd: {  	[dreg:$0x2] =	wrdreg s24  }
0xbe: {  	[dreg:$0x3] =	wrdreg $0xB  }
0xbf: {  	_ =	task.clear_ibuf [dreg:s22], $0x4FFFF;
	_ =	strace $0x9000004C  }
0xc0: {  	s29 =	simm.s32 $0xB;
	_ =	strace $0x8000004E  }
0xc1: {  	_ =	swait.ge [sflag:s29], $0x1  }
0xc2: {  	[sflag:s29] =	ssyncadd.s32 $0xFFFFFFFF  }
0xc3: {  	_ =	strace $0x9000004E  }
0xc4: {  	_ =	sfence  }
0xc5: {  	s30 =	sld [smem:$0x0];
	_ =	sdelay $0x2  }
0xc6: {  	s31 =	sshll.u32 s1, $0xD;
	s1 =	sshrl.u32 s1, $0x2  }
0xc7: {  	s4 =	sand.u32 $0x4000, s31;
	s1 =	sadd.s32 s1, s30  }
0xc8: {  	s0 =	sor.u32 s4, s0;
	s1 =	sshll.u32 s1, $0x11  }
0xc9: {  	s0 =	sor.u32 s1, s0  }
0xca: {  	s0 =	sadd.s32 $0x8F2B, s0  }
0xcb: {  	[sflag:s0] =	ssyncadd.remote.s32 $0x1  }
0xcc: {  	_ =	sfence.sel $0xFFFF  }
0xcd: {  	[dreg:$0x0] =	wrdreg $0xFFFFFFFF;
	(pc) =	sbr.abs _section_cstart, $3  }
0xce: {  	[dreg:$0x1] =	wrdreg $0xFFFFFFFF  }
0xcf: {  	_ =	task.clear_ibuf [dreg:s22], $0x2FFFF;
	_ =	strace $0x9FFFFFFF  }
0xd0: {  	(tm) =	ssettm $0x7FFFFFFF  }
0xd1: {  	_ =	shalt  }
tec
execute0_lowered:
.L_overlay_start_1:
0x0: {  	(tag) =	ssettag $0x1  }
0x1: {  	s0 =	rddreg [dreg:$0x0];
	s2 =	simm.s32 $0x0;
	s1 =	srdreg.scid  }
0x2: {  	s3 =	stileid.u32;
	s9 =	simm.s32 $0x3;
	s10 =	simm.s32 $0x80  }
0x3: {  	s11 =	simm.s32 $0x800;
	s25 =	simm.s32 $0x1;
	s28 =	simm.s32 $0xC00  }
0x4: {  	s29 =	simm.s32 $0x480;
	s30 =	simm.s32 $0xC80;
	s31 =	simm.s32 $0x500  }
0x5: {  	s12 =	simm.s32 $0x600;
	s13 =	simm.s32 $0xE00;
	s14 =	simm.s32 $0x680  }
0x6: {  	s15 =	simm.s32 $0xE80;
	s16 =	simm.s32 $0x700;
	s17 =	simm.s32 $0xF00  }
0x7: {  	s18 =	simm.s32 $0x780;
	s19 =	simm.s32 $0xF80;
	s20 =	simm.s32 $0x2  }
0x8: {  	s22 =	simm.s32 $0x0;
	[smem:$0x7FF] =	sst s2;
	s1 =	sand.u32 $0x1, s1  }
0x9: {  	s3 =	sshll.u32 s3, $0x1;
	s4 =	sadd.s32 $0x1800, s0;
	s5 =	sadd.s32 $0x5D4200, s0  }
.Ltmp0:
0xa: {  	s7 =	ssub.s32 $0x2, s1;
	s1 =	sor.u32 s1, s3;
	(pc) =	sbr.rel .LBB2_1-.Ltmp0, $4  }
0xb: {  	s6 =	sadd.s32 $0x623800, s0;
	s8 =	sshrl.u32 s7, $0x1;
	s1 =	sshll.u32 s1, $0x8  }
0xc: {  	_ =	strace $0x8000004D;
	s26 =	ssub.s32 s7, s8;
	s7 =	sand.u32 $0x700, s1  }
0xd: {  	s1 =	simm.s32 $0x580;
	s8 =	simm.s32 $0xD80;
	s0 =	smax.u32 s26, $0x1  }
0xe: {  	s26 =	simm.s32 $0x0;
	[dreg:$0x2] =	wrdreg s0;
	s0 =	simm.s32 $0xD00  }
.LBB2_7:
0xf: {  	s22 =	rddreg [dreg:$0x3]  }
0x10: {  	s21 =	rddreg [dreg:$0x2];
	s22 =	sadd.s32 $0x1, s22  }
0x11: {  	p0 =	sne.s32 s22, s21  }
.Ltmp1:
0x12: {  	_ = 	snop;
	(pc) =	sbr.rel @!p0 .LBB2_8-.Ltmp1, $1  }
0x13: {  	_ =	sdelay $0x3  }
.LBB2_1:
.Ltmp2:
0x14: {  	(pc) =	sbr.rel .LBB2_2-.Ltmp2, $2  }
0x15: {  	_ =	sdelay $0x2  }
0x16: {  	[dreg:$0x3] =	wrdreg s22;
	s22 =	simm.s32 $0x0  }
.LBB2_6:
0x17: {  	s22 =	sadd.s32 $0x1, s22  }
0x18: {  	p0 =	sne.s32 s22, $0x7  }
.Ltmp3:
0x19: {  	_ = 	snop;
	(pc) =	sbr.rel @!p0 .LBB2_7-.Ltmp3, $1  }
0x1a: {  	_ =	sdelay $0x3  }
.LBB2_2:
0x1b: {  	s21 =	sshll.u32 s22, $0x5  }
0x1c: {  	s21 =	sor.u32 s3, s21  }
0x1d: {  	p0 =	sgt.u32 s21, $0xCF  }
.Ltmp4:
0x1e: {  	_ = 	snop;
	(pc) =	sbr.rel @p0 .LBB2_6-.Ltmp4, $1  }
0x1f: {  	_ =	sdelay $0x3  }
0x20: {  	s23 =	sshrl.u32 s21, $0x3  }
0x21: {  	s21 =	sshll.u32 s23, $0xB  }
0x22: {  	s21 =	sor.u32 s7, s21  }
0x23: {  	s24 =	sadd.s32 s4, s21  }
0x24: {  	[tilespmem:s26], [sflag:$0x3] =	stream.linear.gather [hbm4b:s24+s26], $0x800, $0x38;
	[tilespmem:$0x1000] =	vst v63  }
0x25: {  	s23 =	smul.u32 $0x186A0, s23;
	_ =	swait.ge [sflag:s9], $0x800  }
0x26: {  	[sflag:s9] =	ssyncset.done $0x0  }
0x27: {  	v0 =	vmov s23;
	s23 =	simm.s32 $0x0;
	s24 =	simm.s32 $0x40;
	[sflag:s9] =	ssyncadd.s32 $0xFFFFF800  }
.LBB2_4:
0x28: {  	p0 =	sne.s32 s24, $0x1FC0;
	v1 =	vld [tilespmem:s23+$0x0];
	_ =	sdelay $0x1  }
.Ltmp5:
0x29: {  	(pc) =	sbr.rel @p0 .LBB2_4-.Ltmp5, $3  }
0x2a: {  	_ =	sdelay $0x1  }
0x2b: {  	v1 =	vadd.s32 v0, v1  }
0x2c: {  	[tilespmem:s23+$0x0] =	vst v1;
	s23 =	sshra.s32 s24, $0x2;
	s24 =	sadd.s32 $0x40, s24  }
0x2d: {  	v1 =	vld [tilespmem:s23+$0x0];
	_ =	sdelay $0x4  }
0x2e: {  	v0 =	vadd.s32 v0, v1  }
0x2f: {  	[tilespmem:s23+$0x0] =	vst v0  }
0x30: {  	[tilespmem:s11], [sflag:$0x1] =	stream.indirect.gather [hbm4b:s5+s10], $0x1, s2, s10, $0xb8;
	[tilespmem:$0x1000] =	vst v63  }
0x31: {  	s24 =	simm.s32 $0x880  }
0x32: {  	[tilespmem:s24], [sflag:$0x1] =	stream.indirect.gather [hbm4b:s5+s10], $0x1, s10, s10, $0xb8;
	[tilespmem:$0x1000] =	vst v63  }
0x33: {  	s23 =	simm.s32 $0x100;
	s24 =	simm.s32 $0x900  }
0x34: {  	[tilespmem:s24], [sflag:$0x1] =	stream.indirect.gather [hbm4b:s5+s10], $0x1, s23, s10, $0xb8;
	[tilespmem:$0x1000] =	vst v63  }
0x35: {  	s23 =	simm.s32 $0x180;
	s24 =	simm.s32 $0x980  }
0x36: {  	[tilespmem:s24], [sflag:$0x1] =	stream.indirect.gather [hbm4b:s5+s10], $0x1, s23, s10, $0xb8;
	[tilespmem:$0x1000] =	vst v63  }
0x37: {  	s23 =	simm.s32 $0x200;
	s24 =	simm.s32 $0xA00  }
0x38: {  	[tilespmem:s24], [sflag:$0x1] =	stream.indirect.gather [hbm4b:s5+s10], $0x1, s23, s10, $0xb8;
	[tilespmem:$0x1000] =	vst v63  }
0x39: {  	s23 =	simm.s32 $0x280;
	s24 =	simm.s32 $0xA80  }
0x3a: {  	[tilespmem:s24], [sflag:$0x1] =	stream.indirect.gather [hbm4b:s5+s10], $0x1, s23, s10, $0xb8;
	[tilespmem:$0x1000] =	vst v63  }
0x3b: {  	s23 =	simm.s32 $0x300;
	s24 =	simm.s32 $0xB00  }
0x3c: {  	[tilespmem:s24], [sflag:$0x1] =	stream.indirect.gather [hbm4b:s5+s10], $0x1, s23, s10, $0xb8;
	[tilespmem:$0x1000] =	vst v63  }
0x3d: {  	s23 =	simm.s32 $0x380;
	s24 =	simm.s32 $0xB80  }
0x3e: {  	[tilespmem:s24], [sflag:$0x1] =	stream.indirect.gather [hbm4b:s5+s10], $0x1, s23, s10, $0xb8;
	[tilespmem:$0x1000] =	vst v63  }
0x3f: {  	_ =	swait.ge [sflag:s25], $0x80  }
0x40: {  	[sflag:s25] =	ssyncset.done $0x0  }
0x41: {  	[sflag:s25] =	ssyncadd.s32 $0xFFFFFF80  }
0x42: {  	_ =	swait.ge [sflag:s25], $0x80  }
0x43: {  	[sflag:s25] =	ssyncset.done $0x0  }
0x44: {  	[sflag:s25] =	ssyncadd.s32 $0xFFFFFF80  }
0x45: {  	_ =	swait.ge [sflag:s25], $0x80  }
0x46: {  	[sflag:s25] =	ssyncset.done $0x0  }
0x47: {  	[sflag:s25] =	ssyncadd.s32 $0xFFFFFF80  }
0x48: {  	_ =	swait.ge [sflag:s25], $0x80  }
0x49: {  	[sflag:s25] =	ssyncset.done $0x0  }
0x4a: {  	[sflag:s25] =	ssyncadd.s32 $0xFFFFFF80  }
0x4b: {  	_ =	swait.ge [sflag:s25], $0x80  }
0x4c: {  	[sflag:s25] =	ssyncset.done $0x0  }
0x4d: {  	[sflag:s25] =	ssyncadd.s32 $0xFFFFFF80  }
0x4e: {  	_ =	swait.ge [sflag:s25], $0x80  }
0x4f: {  	[sflag:s25] =	ssyncset.done $0x0  }
0x50: {  	[sflag:s25] =	ssyncadd.s32 $0xFFFFFF80  }
0x51: {  	_ =	swait.ge [sflag:s25], $0x80  }
0x52: {  	[sflag:s25] =	ssyncset.done $0x0  }
0x53: {  	[sflag:s25] =	ssyncadd.s32 $0xFFFFFF80  }
0x54: {  	_ =	swait.ge [sflag:s25], $0x80  }
0x55: {  	[sflag:s25] =	ssyncset.done $0x0  }
0x56: {  	s24 =	simm.s32 $0x400;
	[sflag:s25] =	ssyncadd.s32 $0xFFFFFF80  }
0x57: {  	[tilespmem:s28], [sflag:$0x1] =	stream.indirect.gather [hbm4b:s5+s10], $0x1, s24, s10, $0xb8;
	[tilespmem:$0x1000] =	vst v63  }
0x58: {  	_ = 	snop  }
0x59: {  	[tilespmem:s30], [sflag:$0x1] =	stream.indirect.gather [hbm4b:s5+s10], $0x1, s29, s10, $0xb8;
	[tilespmem:$0x1000] =	vst v63  }
0x5a: {  	_ = 	snop  }
0x5b: {  	[tilespmem:s0], [sflag:$0x1] =	stream.indirect.gather [hbm4b:s5+s10], $0x1, s31, s10, $0xb8;
	[tilespmem:$0x1000] =	vst v63  }
0x5c: {  	_ = 	snop  }
0x5d: {  	[tilespmem:s8], [sflag:$0x1] =	stream.indirect.gather [hbm4b:s5+s10], $0x1, s1, s10, $0xb8;
	[tilespmem:$0x1000] =	vst v63  }
0x5e: {  	_ = 	snop  }
0x5f: {  	[tilespmem:s13], [sflag:$0x1] =	stream.indirect.gather [hbm4b:s5+s10], $0x1, s12, s10, $0xb8;
	[tilespmem:$0x1000] =	vst v63  }
0x60: {  	_ = 	snop  }
0x61: {  	[tilespmem:s15], [sflag:$0x1] =	stream.indirect.gather [hbm4b:s5+s10], $0x1, s14, s10, $0xb8;
	[tilespmem:$0x1000] =	vst v63  }
0x62: {  	_ = 	snop  }
0x63: {  	[tilespmem:s17], [sflag:$0x1] =	stream.indirect.gather [hbm4b:s5+s10], $0x1, s16, s10, $0xb8;
	[tilespmem:$0x1000] =	vst v63  }
0x64: {  	_ = 	snop  }
0x65: {  	[tilespmem:s19], [sflag:$0x1] =	stream.indirect.gather [hbm4b:s5+s10], $0x1, s18, s10, $0xb8;
	[tilespmem:$0x1000] =	vst v63  }
0x66: {  	_ =	swait.ge [sflag:s25], $0x80  }
0x67: {  	[sflag:s25] =	ssyncset.done $0x0  }
0x68: {  	[sflag:s25] =	ssyncadd.s32 $0xFFFFFF80  }
0x69: {  	_ =	swait.ge [sflag:s25], $0x80  }
0x6a: {  	[sflag:s25] =	ssyncset.done $0x0  }
0x6b: {  	[sflag:s25] =	ssyncadd.s32 $0xFFFFFF80  }
0x6c: {  	_ =	swait.ge [sflag:s25], $0x80  }
0x6d: {  	[sflag:s25] =	ssyncset.done $0x0  }
0x6e: {  	[sflag:s25] =	ssyncadd.s32 $0xFFFFFF80  }
0x6f: {  	_ =	swait.ge [sflag:s25], $0x80  }
0x70: {  	[sflag:s25] =	ssyncset.done $0x0  }
0x71: {  	[sflag:s25] =	ssyncadd.s32 $0xFFFFFF80  }
0x72: {  	_ =	swait.ge [sflag:s25], $0x80  }
0x73: {  	[sflag:s25] =	ssyncset.done $0x0  }
0x74: {  	[sflag:s25] =	ssyncadd.s32 $0xFFFFFF80  }
0x75: {  	_ =	swait.ge [sflag:s25], $0x80  }
0x76: {  	[sflag:s25] =	ssyncset.done $0x0  }
0x77: {  	[sflag:s25] =	ssyncadd.s32 $0xFFFFFF80  }
0x78: {  	_ =	swait.ge [sflag:s25], $0x80  }
0x79: {  	[sflag:s25] =	ssyncset.done $0x0  }
0x7a: {  	[sflag:s25] =	ssyncadd.s32 $0xFFFFFF80  }
0x7b: {  	_ =	swait.ge [sflag:s25], $0x80  }
0x7c: {  	[sflag:s25] =	ssyncset.done $0x0  }
.Ltmp6:
0x7d: {  	s21 =	sadd.s32 s6, s21;
	[sflag:s25] =	ssyncadd.s32 $0xFFFFFF80;
	(pc) =	sbr.rel .LBB2_6-.Ltmp6, $4  }
0x7e: {  	[hbm4b:s21+s2] =	stream.linear.scatter [tilespmem:s11], [sflag:$0x2], $0x800, $0x38;
	[tilespmem:$0x1000] =	vst v63  }
0x7f: {  	_ =	swait.ge [sflag:s20], $0x800  }
0x80: {  	[sflag:s20] =	ssyncset.done $0x0  }
0x81: {  	[sflag:s20] =	ssyncadd.s32 $0xFFFFF800  }
.LBB2_8:
0x82: {  	_ =	sfence.sel $0x180000  }
0x83: {  	[bflag:$0x0] =	sbarrier.arrive $0xFFFF  }
0x84: {  	_ =	strace $0x9000004D  }
0x85: {  	s0 =	stileid.u32;
	[bflag:$0x2] =	sbarrier.arrive $0xFFFF  }
0x86: {  	p0 =	sne.s32 s0, $0x0;
	s0 =	rddreg [dreg:$0x1]  }
0x87: {  	s0 =	sadd.s32 @!p0 $0x100000, s0  }
0x88: {  	[sflag:s0] =	ssyncadd.tile.s32 @!p0 $0x1;
	_ =	shalt  }
.Lfunc_end2:
_tile_overlayer_lowered:
.L_overlay_start_2:
0x89: {  	(tag) =	ssettag $0x2  }
0x8a: {  	s0 =	rddreg [dreg:$0x0];
	s2 =	stileid.u32  }
0x8b: {  	s1 =	rddreg [dreg:$0x1];
	p0 =	sne.s32 s2, $0x0  }
0x8c: {  	s3 =	rddreg [dreg:$0x2];
	[bflag:$0x3] =	sbarrier.arrive $0xFFFF;
	s2 =	simm.s32 @!p0 $0x1C02  }
0x8d: {  	[timem:s3], [sflag:s2] =	dma.local @!p0 [hbm:s0], s1  }
0x8e: {  	s0 =	simm.s32 @!p0 $0x2  }
0x8f: {  	_ =	swait.ge @!p0 [sflag:s0], s1  }
0x90: {  	s1 =	ssub.s32 @!p0 $0x0, s1;
	[sflag:s0] =	ssyncset.done @!p0 $0x0  }
0x91: {  	[sflag:s0] =	ssyncadd.s32 @!p0 s1  }
0x92: {  	[bflag:$0x3] =	sbarrier.arrive $0xFFFF  }
0x93: {  	_ =	shalt  }

// kernel: kernel.6.cloned.1.call-start
scs
__scs_entry_jumppad:
0x0: {  	(pc) =	sbr.rel $0x88, $3  }
0x1: {  	(tag) =	ssettag $0x0;
	lr =	simm.s32 $0x1  }
0x2: {  	[smem:$0x3F96] =	sst lr;
	_ =	strace $0xD0000000  }
0x3: {  	_ = 	snop  }
0x4: {  	_ = 	snop  }
0x5: {  	_ = 	snop  }
0x6: {  	_ = 	snop  }
0x7: {  	_ = 	snop  }
__scs_overlays_trampoline_lowered:
0x8: {  	[smem:$0x3FA5] =	sst s0  }
0x9: {  	[smem:$0x3FA6] =	sst s1  }
0xa: {  	[smem:$0x3FA7] =	sst s2  }
0xb: {  	[smem:$0x3FA8] =	sst s3  }
0xc: {  	[smem:$0x3FA9] =	sst s4  }
0xd: {  	[smem:$0x3FAA] =	sst s5  }
0xe: {  	[smem:$0x3FAB] =	sst s6  }
0xf: {  	[smem:$0x3FAC] =	sst s7  }
0x10: {  	[smem:$0x3FAD] =	sst s8  }
0x11: {  	[smem:$0x3FAE] =	sst s9;
	s0 =	simm.s32 @!p0 $0x0  }
0x12: {  	s1 =	sld [smem:$0x3F94];
	s0 =	simm.s32 @p0 $0x1  }
0x13: {  	[smem:$0x3FAF] =	sst s0;
	s0 =	simm.s32 @!p1 $0x0  }
0x14: {  	s2 =	sld [smem:$0x3F93];
	s0 =	simm.s32 @p1 $0x1  }
0x15: {  	[smem:$0x3FB0] =	sst s0;
	s0 =	simm.s32 @!p2 $0x0  }
0x16: {  	s3 =	sld [smem:$0x3FDB];
	s0 =	simm.s32 @p2 $0x1  }
0x17: {  	s4 =	simm.s32 $0x1BF5;
	[smem:$0x3FB2] =	sst s0  }
0x18: {  	s0 =	sld [smem:$0x3F95];
	_ =	swait.ge [sflag:s4], $0x0  }
0x19: {  	s7 =	sld [smem:$0x3F96]  }
0x1a: {  	s8 =	sadd.s32 $0xFFFFE003, lr  }
0x1b: {  	s9 =	sadd.s32 $0xFFFFFEF7, lr;
	s5 =	simm.s32 $0xFFFFFFFF;
	p2 =	slt.u32 s8, $0xFFFFF086  }
0x1c: {  	p1 =	slt.u32 s9, $0xF7A;
	s5 =	simm.s32 @!p2 $0x0  }
0x1d: {  	s5 =	simm.s32 @p1 $0x1;
	p0 =	seq.s32 s7, s2  }
0x1e: {  	s7 =	smul.u32 @!p0 $0xF7A, s2;
	p2 =	seq.s32 @!p0 s5, $0x0  }
0x1f: {  	s9 =	smul.u32 $0xF7A, s1;
	s8 =	simm.s32 @!p0 $0x1BF5;
	p2 =	por !p2, p0  }
0x20: {  	[sflag:s8] =	ssyncset.s32 @!p0 $0xFFFFF086;
	s6 =	sadd.s32 @!p0 s3, s7;
	s7 =	simm.s32 @!p0 $0x108  }
0x21: {  	s3 =	sadd.s32 s3, s9;
	s6 =	sadd.s32 @!p0 $0x88, s6;
	s7 =	simm.s32 @p2 $0x1082  }
0x22: {  	[simem:s7], [sflag:s8] =	dma.local @!p0 [hbm:s6], $0xF7A  }
0x23: {  	s9 =	sor.u32 $0xD0000000, s2;
	s6 =	simm.s32 $0x108;
	_ =	swait.ge @!p0 [sflag:s8], $0x0  }
0x24: {  	s3 =	sadd.s32 $0x88, s3;
	s6 =	simm.s32 @!p1 $0x1082;
	[sflag:s4] =	ssyncset.s32 $0xFFFFF086  }
0x25: {  	[simem:s6], [sflag:s4] =	dma.local [hbm:s3], $0xF7A  }
0x26: {  	[smem:$0x3F96] =	sst s1;
	(tag) =	ssettag s2;
	_ =	strace s9  }
0x27: {  	s1 =	sld [smem:$0x3FA6]  }
0x28: {  	s2 =	sld [smem:$0x3FA7]  }
0x29: {  	s4 =	sld [smem:$0x3FA9]  }
0x2a: {  	p0 =	seq.s32 s5, $0x0;
	s5 =	sld [smem:$0x3FAA]  }
0x2b: {  	s6 =	sld [smem:$0x3FAB]  }
0x2c: {  	s7 =	sld [smem:$0x3FAC]  }
0x2d: {  	s3 =	simm.s32 $0x108;
	s8 =	sld [smem:$0x3FAD]  }
0x2e: {  	s3 =	simm.s32 @!p0 $0x1082;
	s9 =	sld [smem:$0x3FAE]  }
0x2f: {  	lr =	sadd.s32 s0, s3;
	s0 =	sld [smem:$0x3FA5]  }
0x30: {  	s3 =	sld [smem:$0x3FA8]  }
0x31: {  	[smem:$0x3FB1] =	sst s10  }
0x32: {  	s10 =	sld [smem:$0x3FAF];
	_ =	sdelay $0x3  }
0x33: {  	p0 =	seq.s32 s10, $0x1;
	s10 =	sld [smem:$0x3FB1];
	_ =	sdelay $0x3  }
0x34: {  	[smem:$0x3FB1] =	sst s10  }
0x35: {  	s10 =	sld [smem:$0x3FB0];
	_ =	sdelay $0x3  }
0x36: {  	p1 =	seq.s32 s10, $0x1;
	s10 =	sld [smem:$0x3FB1];
	_ =	sdelay $0x3  }
0x37: {  	[smem:$0x3FB1] =	sst s10  }
0x38: {  	s10 =	sld [smem:$0x3FB2]  }
0x39: {  	_ = 	snop;
	(pc) =	sbr.ind lr, $3  }
0x3a: {  	_ = 	snop  }
0x3b: {  	_ = 	snop  }
0x3c: {  	p2 =	seq.s32 s10, $0x1;
	s10 =	sld [smem:$0x3FB1]  }
0x3d: {  	_ =	shalt  }
0x3e: {  	_ =	shalt  }
0x3f: {  	_ =	shalt  }
0x40: {  	_ =	shalt  }
0x41: {  	_ =	shalt  }
0x42: {  	_ =	shalt  }
0x43: {  	_ =	shalt  }
0x44: {  	_ =	shalt  }
0x45: {  	_ =	shalt  }
0x46: {  	_ =	shalt  }
0x47: {  	_ =	shalt  }
0x48: {  	_ =	shalt  }
0x49: {  	_ =	shalt  }
0x4a: {  	_ =	shalt  }
0x4b: {  	_ =	shalt  }
0x4c: {  	_ =	shalt  }
0x4d: {  	_ =	shalt  }
0x4e: {  	_ =	shalt  }
0x4f: {  	_ =	shalt  }
0x50: {  	_ =	shalt  }
0x51: {  	_ =	shalt  }
0x52: {  	_ =	shalt  }
0x53: {  	_ =	shalt  }
0x54: {  	_ =	shalt  }
0x55: {  	_ =	shalt  }
0x56: {  	_ =	shalt  }
0x57: {  	_ =	shalt  }
0x58: {  	_ =	shalt  }
0x59: {  	_ =	shalt  }
0x5a: {  	_ =	shalt  }
0x5b: {  	_ =	shalt  }
0x5c: {  	_ =	shalt  }
0x5d: {  	_ =	shalt  }
0x5e: {  	_ =	shalt  }
0x5f: {  	_ =	shalt  }
0x60: {  	_ =	shalt  }
0x61: {  	_ =	shalt  }
0x62: {  	_ =	shalt  }
0x63: {  	_ =	shalt  }
0x64: {  	_ =	shalt  }
0x65: {  	_ =	shalt  }
0x66: {  	_ =	shalt  }
0x67: {  	_ =	shalt  }
0x68: {  	_ =	shalt  }
0x69: {  	_ =	shalt  }
0x6a: {  	_ =	shalt  }
0x6b: {  	_ =	shalt  }
0x6c: {  	_ =	shalt  }
0x6d: {  	_ =	shalt  }
0x6e: {  	_ =	shalt  }
0x6f: {  	_ =	shalt  }
0x70: {  	_ =	shalt  }
0x71: {  	_ =	shalt  }
0x72: {  	_ =	shalt  }
0x73: {  	_ =	shalt  }
0x74: {  	_ =	shalt  }
0x75: {  	_ =	shalt  }
0x76: {  	_ =	shalt  }
0x77: {  	_ =	shalt  }
0x78: {  	_ =	shalt  }
0x79: {  	_ =	shalt  }
0x7a: {  	_ =	shalt  }
0x7b: {  	_ =	shalt  }
0x7c: {  	_ =	shalt  }
0x7d: {  	_ =	shalt  }
0x7e: {  	_ =	shalt  }
0x7f: {  	_ =	shalt  }
0x80: {  	_ =	shalt  }
0x81: {  	_ =	shalt  }
0x82: {  	_ =	shalt  }
0x83: {  	_ =	shalt  }
0x84: {  	_ =	shalt  }
0x85: {  	_ =	shalt  }
0x86: {  	_ =	shalt  }
0x87: {  	_ =	shalt  }
.Lfunc_end0:
.L_simem_size_0:
called_computation_lowered:
.L_overlay_start_0:
0x88: {  	s2 =	sld [smem:$0x3FD9]  }
0x89: {  	s3 =	sld [smem:$0x3FFE];
	_ =	sdelay $0x1  }
0x8a: {  	s1 =	srdreg.scid  }
0x8b: {  	s0 =	sand.u32 $0x1, s1  }
0x8c: {  	s16 =	sshll.u32 s0, $0xA;
	s2 =	sadd.s32 s3, s2  }
0x8d: {  	s2 =	sadd.s32 s2, s16  }
0x8e: {  	[smem:$0x3FBD] =	sst s2  }
0x8f: {  	_ = 	snop  }
0x90: {  	(tm) =	ssettm $0x1  }
0x91: {  	s17 =	sld [smem:$0x3FFB];
	_ =	sdelay $0x3  }
0x92: {  	_ =	strace s17  }
0x93: {  	s2 =	sld [smem:$0x3FFC];
	_ =	sdelay $0x3  }
0x94: {  	_ =	strace s2  }
0x95: {  	s2 =	sld [smem:$0x3FFD];
	_ =	sdelay $0x3  }
0x96: {  	_ =	strace s2  }
0x97: {  	_ =	strace $0x8FFFFFFF  }
0x98: {  	s18 =	sld [smem:$0x3FDB];
	_ =	sdelay $0x1  }
0x99: {  	s19 =	simm.s32 $_scs_section_size  }
0x9a: {  	s4 =	simm.s32 $_size__tile_overlayer_lowered;
	s5 =	simm.s32 $_tile_overlayer_lowered  }
0x9b: {  	s22 =	simm.s32 $0x1BFF;
	s21 =	sshll.u32 s5, $0x1;
	s2 =	sadd.s32 s19, s18  }
0x9c: {  	s6 =	simm.s32 $0x0;
	s20 =	sshll.u32 s4, $0x1;
	s4 =	sadd.s32 s21, s2  }
0x9d: {  	[timem:s6], [sflag:s22] =	dma.local [hbm:s4], s20  }
0x9e: {  	_ =	swait.ge [sflag:s22], s20  }
0x9f: {  	s3 =	ssub.s32 $0x0, s20;
	[sflag:s22] =	ssyncset.done $0x0  }
0xa0: {  	[sflag:s22] =	ssyncadd.s32 s3;
	_ =	sdelay $0x1  }
0xa1: {  	s23 =	simm.s32 $0x1B8B  }
0xa2: {  	_ =	swait.ge [sflag:s23], $0x1  }
0xa3: {  	[sflag:s23] =	ssyncset.done $0x0  }
0xa4: {  	s25 =	simm.s32 $0x1B8E;
	s24 =	sld [smem:$0x3FFE];
	[sflag:s23] =	ssyncadd.s32 $0xFFFFFFFF  }
0xa5: {  	s26 =	simm.s32 $execute0_lowered;
	[smem:$0x3FD2] =	sst s25  }
0xa6: {  	s4 =	sshll.u32 s26, $0x1;
	_ =	strace $0x80000046;
	[dreg:$0x1] =	wrdreg $0xFFFFFFFF  }
0xa7: {  	s28 =	simm.s32 $_size_execute0_lowered;
	s2 =	sadd.s32 s2, s4;
	[dreg:$0x0] =	wrdreg $0x0  }
0xa8: {  	s4 =	sshll.u32 s28, $0x1;
	[dreg:$0x2] =	wrdreg s2  }
0xa9: {  	[dreg:$0x3] =	wrdreg s4  }
0xaa: {  	[dreg:$0x4] =	wrdreg $0xC0  }
0xab: {  	_ =	task [dreg:s6], $0x5FFFF  }
0xac: {  	[dreg:$0x1] =	wrdreg $0xFFFFFFFF  }
0xad: {  	[dreg:$0x0] =	wrdreg $0x60  }
0xae: {  	[dreg:$0x2] =	wrdreg s24  }
0xaf: {  	[dreg:$0x3] =	wrdreg $0x0  }
0xb0: {  	[dreg:$0x4] =	wrdreg $0x9  }
0xb1: {  	_ =	task.clear_ibuf [dreg:s6], $0x5FFFF;
	_ =	strace $0x90000046  }
0xb2: {  	s29 =	simm.s32 $0x9;
	_ =	strace $0x80000048  }
0xb3: {  	_ =	swait.ge [sflag:s29], $0x1  }
0xb4: {  	[sflag:s29] =	ssyncadd.s32 $0xFFFFFFFF  }
0xb5: {  	_ =	strace $0x90000048  }
0xb6: {  	_ =	sfence  }
0xb7: {  	s30 =	sld [smem:$0x0];
	_ =	sdelay $0x2  }
0xb8: {  	s31 =	sshll.u32 s1, $0xD;
	s1 =	sshrl.u32 s1, $0x2  }
0xb9: {  	s3 =	sand.u32 $0x4000, s31;
	s1 =	sadd.s32 s1, s30  }
0xba: {  	s0 =	sor.u32 s3, s0;
	s1 =	sshll.u32 s1, $0x11  }
0xbb: {  	s0 =	sor.u32 s1, s0  }
0xbc: {  	s0 =	sadd.s32 $0x8F2B, s0  }
0xbd: {  	[sflag:s0] =	ssyncadd.remote.s32 $0x1  }
0xbe: {  	_ =	sfence.sel $0xFFFF  }
0xbf: {  	[dreg:$0x0] =	wrdreg $0xFFFFFFFF;
	(pc) =	sbr.abs _section_cstart, $3  }
0xc0: {  	[dreg:$0x1] =	wrdreg $0xFFFFFFFF  }
0xc1: {  	_ =	task.clear_ibuf [dreg:s6], $0x2FFFF;
	_ =	strace $0x9FFFFFFF  }
0xc2: {  	(tm) =	ssettm $0x7FFFFFFF  }
0xc3: {  	_ =	shalt  }
tec
execute0_lowered:
.L_overlay_start_1:
0x0: {  	(tag) =	ssettag $0x1  }
0x1: {  	s9 =	rddreg [dreg:$0x0]  }
0x2: {  	s6 =	rddreg [dreg:$0x1]  }
0x3: {  	s0 =	rddreg [dreg:$0x2]  }
0x4: {  	s2 =	simm.s32 $0x0;
	s1 =	stileid.u32;
	s4 =	srdreg.scid  }
0x5: {  	s14 =	simm.s32 $0x186A0;
	s15 =	simm.s32 $0x2;
	s16 =	simm.s32 $0x80  }
0x6: {  	s17 =	simm.s32 $0x1;
	s18 =	simm.s32 $0x0;
	s5 =	smul.u32 $0x7000, s1  }
0x7: {  	[smem:$0x7FF] =	sst s2;
	s3 =	sadd.s32 $0xE800, s9;
	s10 =	smul.u32 $0x61A80, s1  }
0x8: {  	s8 =	sand.u32 $0x1, s4;
	s7 =	sshll.u32 s1, $0x1;
	s29 =	smul.u32 $0x3800, s1  }
0x9: {  	s4 =	sadd.s32 $0x1800, s9;
	s31 =	sshll.u32 s1, $0x6;
	s13 =	smul.u32 $0x3800, s8  }
0xa: {  	_ =	strace $0x80000047;
	s7 =	sor.u32 s8, s7;
	s30 =	smul.u32 $0x1C00, s8  }
0xb: {  	s12 =	ssub.s32 $0x2, s8;
	s11 =	sadd.s32 s5, s9;
	s5 =	smul.u32 $0x7, s7  }
0xc: {  	s28 =	sshrl.u32 s12, $0x1;
	s10 =	sshrl.u32 s10, $0x2;
	s9 =	sadd.s32 $0x1900, s9  }
0xd: {  	s7 =	ssub.s32 s12, s28;
	s6 =	sadd.s32 s10, s6;
	s11 =	sadd.s32 s13, s11  }
0xe: {  	s10 =	sadd.s32 s30, s29;
	s13 =	simm.s32 $0x3;
	s7 =	smax.u32 s7, $0x1  }
0xf: {  	s8 =	sadd.s32 $0x504200, s11;
	s11 =	sor.u32 $0x1C03, s31;
	s12 =	sshrl.u32 s6, $0x3  }
.LBB2_1:
0x10: {  	s19 =	smov.u32 s10;
	s20 =	smov.u32 s8;
	s21 =	simm.s32 $0x0  }
.LBB2_2:
0x11: {  	s22 =	sadd.s32 s5, s21  }
0x12: {  	s23 =	smul.u32 $0x30D4, s22;
	_ =	sdelay $0x1  }
0x13: {  	s23 =	sadd.s32 s3, s23  }
0x14: {  	[spmem:s12], [sflag:s11] =	dma.local [hbm:s23], $0x30D4  }
0x15: {  	s22 =	sshll.u32 s22, $0x7;
	_ =	swait.ge [sflag:s13], $0x30D4  }
0x16: {  	s22 =	sand.u32 $0xFFFF800, s22;
	[sflag:s13] =	ssyncset.done $0x0  }
0x17: {  	s25 =	simm.s32 $0x0;
	s22 =	sadd.s32 s4, s22;
	[sflag:s13] =	ssyncadd.s32 $0xFFFFCF2C  }
0x18: {  	[tilespmem:s14], [sflag:$0x2] =	stream.linear.gather [hbm4b:s22+s25], $0x800, $0x38;
	[tilespmem:$0x1A6A0] =	vst v63  }
0x19: {  	s31 =	sshrl.u32 s19, $0x3;
	_ =	swait.ge [sflag:s15], $0x800  }
0x1a: {  	s24 =	smov.u32 s20;
	s22 =	sand.u32 $0x1FFFF800, s31;
	[sflag:s15] =	ssyncset.done $0x0  }
0x1b: {  	s23 =	simm.s32 $0x2000;
	s22 =	sadd.s32 s22, s9;
	[sflag:s15] =	ssyncadd.s32 $0xFFFFF800  }
.LBB2_3:
0x1c: {  	p0 =	seq.s32 s25, $0x7  }
0x1d: {  	s26 =	sand.u32 @!p0 $0x2000, s23  }
0x1e: {  	s28 =	sand.u32 $0x1, s25;
	s26 =	sshrl.u32 @!p0 s26, $0x2  }
0x1f: {  	s29 =	simm.s32 @!p0 $0x0;
	s28 =	sshll.u32 s28, $0xB;
	s26 =	sor.u32 @!p0 $0x186A0, s26  }
0x20: {  	[tilespmem:s26], [sflag:$0x2] =	stream.linear.gather @!p0 [hbm4b:s22+s29], $0x800, $0x38;
	[tilespmem:$0x1A6A0] =	vst v63  }
0x21: {  	s30 =	sor.u32 $0x186A0, s28;
	s26 =	sor.u32 $0x196A0, s28  }
0x22: {  	[tilespmem:s26], [sflag:$0x1] =	stream.indirect.gather [spmem:s6], $0x1, s30, s16, $0xb8;
	[tilespmem:$0x1A6A0] =	vst v63  }
0x23: {  	s31 =	sor.u32 $0x19720, s28;
	s30 =	sor.u32 $0x18720, s28  }
0x24: {  	[tilespmem:s31], [sflag:$0x1] =	stream.indirect.gather [spmem:s6], $0x1, s30, s16, $0xb8;
	[tilespmem:$0x1A6A0] =	vst v63  }
0x25: {  	s29 =	sor.u32 $0x197A0, s28;
	s31 =	sor.u32 $0x187A0, s28  }
0x26: {  	[tilespmem:s29], [sflag:$0x1] =	stream.indirect.gather [spmem:s6], $0x1, s31, s16, $0xb8;
	[tilespmem:$0x1A6A0] =	vst v63  }
0x27: {  	s29 =	sadd.s32 $0x19820, s28;
	s31 =	sadd.s32 $0x18820, s28  }
0x28: {  	[tilespmem:s29], [sflag:$0x1] =	stream.indirect.gather [spmem:s6], $0x1, s31, s16, $0xb8;
	[tilespmem:$0x1A6A0] =	vst v63  }
0x29: {  	s29 =	sadd.s32 $0x198A0, s28;
	s31 =	sadd.s32 $0x188A0, s28  }
0x2a: {  	[tilespmem:s29], [sflag:$0x1] =	stream.indirect.gather [spmem:s6], $0x1, s31, s16, $0xb8;
	[tilespmem:$0x1A6A0] =	vst v63  }
0x2b: {  	s29 =	sadd.s32 $0x19920, s28;
	s31 =	sadd.s32 $0x18920, s28  }
0x2c: {  	[tilespmem:s29], [sflag:$0x1] =	stream.indirect.gather [spmem:s6], $0x1, s31, s16, $0xb8;
	[tilespmem:$0x1A6A0] =	vst v63  }
0x2d: {  	s29 =	sadd.s32 $0x199A0, s28;
	s31 =	sadd.s32 $0x189A0, s28  }
0x2e: {  	[tilespmem:s29], [sflag:$0x1] =	stream.indirect.gather [spmem:s6], $0x1, s31, s16, $0xb8;
	[tilespmem:$0x1A6A0] =	vst v63  }
0x2f: {  	s29 =	sadd.s32 $0x19A20, s28;
	s31 =	sadd.s32 $0x18A20, s28  }
0x30: {  	[tilespmem:s29], [sflag:$0x1] =	stream.indirect.gather [spmem:s6], $0x1, s31, s16, $0xb8;
	[tilespmem:$0x1A6A0] =	vst v63  }
0x31: {  	_ =	swait.ge [sflag:s17], $0x80  }
0x32: {  	[sflag:s17] =	ssyncset.done $0x0  }
0x33: {  	[sflag:s17] =	ssyncadd.s32 $0xFFFFFF80  }
0x34: {  	_ =	swait.ge [sflag:s17], $0x80  }
0x35: {  	[sflag:s17] =	ssyncset.done $0x0  }
0x36: {  	[sflag:s17] =	ssyncadd.s32 $0xFFFFFF80  }
0x37: {  	_ =	swait.ge [sflag:s17], $0x80  }
0x38: {  	[sflag:s17] =	ssyncset.done $0x0  }
0x39: {  	[sflag:s17] =	ssyncadd.s32 $0xFFFFFF80  }
0x3a: {  	_ =	swait.ge [sflag:s17], $0x80  }
0x3b: {  	[sflag:s17] =	ssyncset.done $0x0  }
0x3c: {  	[sflag:s17] =	ssyncadd.s32 $0xFFFFFF80  }
0x3d: {  	_ =	swait.ge [sflag:s17], $0x80  }
0x3e: {  	[sflag:s17] =	ssyncset.done $0x0  }
0x3f: {  	[sflag:s17] =	ssyncadd.s32 $0xFFFFFF80  }
0x40: {  	_ =	swait.ge [sflag:s17], $0x80  }
0x41: {  	[sflag:s17] =	ssyncset.done $0x0  }
0x42: {  	[sflag:s17] =	ssyncadd.s32 $0xFFFFFF80  }
0x43: {  	_ =	swait.ge [sflag:s17], $0x80  }
0x44: {  	[sflag:s17] =	ssyncset.done $0x0  }
0x45: {  	[sflag:s17] =	ssyncadd.s32 $0xFFFFFF80  }
0x46: {  	_ =	swait.ge [sflag:s17], $0x80  }
0x47: {  	[sflag:s17] =	ssyncset.done $0x0  }
0x48: {  	s29 =	sadd.s32 $0x19AA0, s28;
	s31 =	sadd.s32 $0x18AA0, s28;
	[sflag:s17] =	ssyncadd.s32 $0xFFFFFF80  }
0x49: {  	[tilespmem:s29], [sflag:$0x1] =	stream.indirect.gather [spmem:s6], $0x1, s31, s16, $0xb8;
	[tilespmem:$0x1A6A0] =	vst v63  }
0x4a: {  	s29 =	sadd.s32 $0x19B20, s28;
	s31 =	sadd.s32 $0x18B20, s28  }
0x4b: {  	[tilespmem:s29], [sflag:$0x1] =	stream.indirect.gather [spmem:s6], $0x1, s31, s16, $0xb8;
	[tilespmem:$0x1A6A0] =	vst v63  }
0x4c: {  	s29 =	sadd.s32 $0x19BA0, s28;
	s31 =	sadd.s32 $0x18BA0, s28  }
0x4d: {  	[tilespmem:s29], [sflag:$0x1] =	stream.indirect.gather [spmem:s6], $0x1, s31, s16, $0xb8;
	[tilespmem:$0x1A6A0] =	vst v63  }
0x4e: {  	s29 =	sadd.s32 $0x19C20, s28;
	s31 =	sadd.s32 $0x18C20, s28  }
0x4f: {  	[tilespmem:s29], [sflag:$0x1] =	stream.indirect.gather [spmem:s6], $0x1, s31, s16, $0xb8;
	[tilespmem:$0x1A6A0] =	vst v63  }
0x50: {  	s29 =	sadd.s32 $0x19CA0, s28;
	s31 =	sadd.s32 $0x18CA0, s28  }
0x51: {  	[tilespmem:s29], [sflag:$0x1] =	stream.indirect.gather [spmem:s6], $0x1, s31, s16, $0xb8;
	[tilespmem:$0x1A6A0] =	vst v63  }
0x52: {  	s29 =	sadd.s32 $0x19D20, s28;
	s31 =	sadd.s32 $0x18D20, s28  }
0x53: {  	[tilespmem:s29], [sflag:$0x1] =	stream.indirect.gather [spmem:s6], $0x1, s31, s16, $0xb8;
	[tilespmem:$0x1A6A0] =	vst v63  }
0x54: {  	s29 =	sadd.s32 $0x19DA0, s28;
	s31 =	sadd.s32 $0x18DA0, s28  }
0x55: {  	[tilespmem:s29], [sflag:$0x1] =	stream.indirect.gather [spmem:s6], $0x1, s31, s16, $0xb8;
	[tilespmem:$0x1A6A0] =	vst v63  }
0x56: {  	s31 =	sadd.s32 $0x19E20, s28;
	s28 =	sadd.s32 $0x18E20, s28  }
0x57: {  	[tilespmem:s31], [sflag:$0x1] =	stream.indirect.gather [spmem:s6], $0x1, s28, s16, $0xb8;
	[tilespmem:$0x1A6A0] =	vst v63  }
0x58: {  	_ =	swait.ge [sflag:s17], $0x80  }
0x59: {  	[sflag:s17] =	ssyncset.done $0x0  }
0x5a: {  	[sflag:s17] =	ssyncadd.s32 $0xFFFFFF80  }
0x5b: {  	_ =	swait.ge [sflag:s17], $0x80  }
0x5c: {  	[sflag:s17] =	ssyncset.done $0x0  }
0x5d: {  	[sflag:s17] =	ssyncadd.s32 $0xFFFFFF80  }
0x5e: {  	_ =	swait.ge [sflag:s17], $0x80  }
0x5f: {  	[sflag:s17] =	ssyncset.done $0x0  }
0x60: {  	[sflag:s17] =	ssyncadd.s32 $0xFFFFFF80  }
0x61: {  	_ =	swait.ge [sflag:s17], $0x80  }
0x62: {  	[sflag:s17] =	ssyncset.done $0x0  }
0x63: {  	[sflag:s17] =	ssyncadd.s32 $0xFFFFFF80  }
0x64: {  	_ =	swait.ge [sflag:s17], $0x80  }
0x65: {  	[sflag:s17] =	ssyncset.done $0x0  }
0x66: {  	[sflag:s17] =	ssyncadd.s32 $0xFFFFFF80  }
0x67: {  	_ =	swait.ge [sflag:s17], $0x80  }
0x68: {  	[sflag:s17] =	ssyncset.done $0x0  }
0x69: {  	[sflag:s17] =	ssyncadd.s32 $0xFFFFFF80  }
0x6a: {  	_ =	swait.ge [sflag:s17], $0x80  }
0x6b: {  	[sflag:s17] =	ssyncset.done $0x0  }
0x6c: {  	[sflag:s17] =	ssyncadd.s32 $0xFFFFFF80  }
0x6d: {  	_ =	swait.ge [sflag:s17], $0x80  }
0x6e: {  	s25 =	sadd.s32 $0x1, s25;
	[sflag:s17] =	ssyncset.done $0x0  }
0x6f: {  	p1 =	sne.s32 @!p0 s25, $0x8;
	[sflag:s17] =	ssyncadd.s32 $0xFFFFFF80  }
0x70: {  	[hbm4b:s24+s2] =	stream.linear.scatter [tilespmem:s26], [sflag:$0x3], $0x800, $0x38;
	[tilespmem:$0x1A6A0] =	vst v63  }
0x71: {  	p1 =	por p0, !p1;
	_ =	swait.ge [sflag:s13], $0x800  }
.Ltmp0:
0x72: {  	[sflag:s13] =	ssyncset.done $0x0;
	(pc) =	sbr.rel @!p1 .LBB2_3-.Ltmp0, $4  }
0x73: {  	s26 =	simm.s32 @!p0 $0x2;
	[sflag:s13] =	ssyncadd.s32 $0xFFFFF800  }
0x74: {  	_ =	swait.ge @!p0 [sflag:s26], $0x800  }
0x75: {  	s23 =	sadd.s32 @!p0 $0x2000, s23;
	[sflag:s26] =	ssyncset.done @!p0 $0x0  }
0x76: {  	s22 =	sadd.s32 @!p0 $0x100, s22;
	s24 =	sadd.s32 @!p0 $0x100, s24;
	[sflag:s26] =	ssyncadd.s32 @!p0 $0xFFFFF800  }
0x77: {  	s21 =	sadd.s32 $0x1, s21  }
0x78: {  	p0 =	sne.s32 s21, $0x7  }
.Ltmp1:
0x79: {  	_ = 	snop;
	(pc) =	sbr.rel @p0 .LBB2_2-.Ltmp1, $2  }
0x7a: {  	_ =	sdelay $0x2  }
0x7b: {  	s20 =	sadd.s32 $0x800, s20;
	s19 =	sadd.s32 $0x400, s19  }
0x7c: {  	s18 =	sadd.s32 $0x1, s18  }
0x7d: {  	p0 =	sne.s32 s18, s7  }
.Ltmp2:
0x7e: {  	_ = 	snop;
	(pc) =	sbr.rel @p0 .LBB2_1-.Ltmp2, $1  }
0x7f: {  	_ =	sdelay $0x3  }
0x80: {  	_ =	sfence.sel $0x180000  }
0x81: {  	[bflag:$0x0] =	sbarrier.arrive $0xFFFF  }
0x82: {  	p0 =	sne.s32 s1, $0x0;
	_ =	strace $0x90000047  }
0x83: {  	s0 =	sadd.s32 @!p0 $0x100000, s0;
	[bflag:$0x2] =	sbarrier.arrive $0xFFFF  }
0x84: {  	[sflag:s0] =	ssyncadd.tile.s32 @!p0 $0x1;
	_ =	shalt  }
.Lfunc_end2:
_tile_overlayer_lowered:
.L_overlay_start_2:
0x85: {  	(tag) =	ssettag $0x2  }
0x86: {  	s0 =	rddreg [dreg:$0x0];
	s2 =	stileid.u32  }
0x87: {  	s1 =	rddreg [dreg:$0x1];
	p0 =	sne.s32 s2, $0x0  }
0x88: {  	s3 =	rddreg [dreg:$0x2];
	[bflag:$0x3] =	sbarrier.arrive $0xFFFF;
	s2 =	simm.s32 @!p0 $0x1C03  }
0x89: {  	[timem:s3], [sflag:s2] =	dma.local @!p0 [hbm:s0], s1  }
0x8a: {  	s0 =	simm.s32 @!p0 $0x3  }
0x8b: {  	_ =	swait.ge @!p0 [sflag:s0], s1  }
0x8c: {  	s1 =	ssub.s32 @!p0 $0x0, s1;
	[sflag:s0] =	ssyncset.done @!p0 $0x0  }
0x8d: {  	[sflag:s0] =	ssyncadd.s32 @!p0 s1  }
0x8e: {  	[bflag:$0x3] =	sbarrier.arrive $0xFFFF  }
0x8f: {  	_ =	shalt  }

// kernel: kernel.9.cloned.1.call-start
scs
__scs_entry_jumppad:
0x0: {  	(pc) =	sbr.rel $0x88, $3  }
0x1: {  	(tag) =	ssettag $0x0;
	lr =	simm.s32 $0x1  }
0x2: {  	[smem:$0x3F96] =	sst lr;
	_ =	strace $0xD0000000  }
0x3: {  	_ = 	snop  }
0x4: {  	_ = 	snop  }
0x5: {  	_ = 	snop  }
0x6: {  	_ = 	snop  }
0x7: {  	_ = 	snop  }
__scs_overlays_trampoline_lowered:
0x8: {  	[smem:$0x3FA5] =	sst s0  }
0x9: {  	[smem:$0x3FA6] =	sst s1  }
0xa: {  	[smem:$0x3FA7] =	sst s2  }
0xb: {  	[smem:$0x3FA8] =	sst s3  }
0xc: {  	[smem:$0x3FA9] =	sst s4  }
0xd: {  	[smem:$0x3FAA] =	sst s5  }
0xe: {  	[smem:$0x3FAB] =	sst s6  }
0xf: {  	[smem:$0x3FAC] =	sst s7  }
0x10: {  	[smem:$0x3FAD] =	sst s8  }
0x11: {  	[smem:$0x3FAE] =	sst s9;
	s0 =	simm.s32 @!p0 $0x0  }
0x12: {  	s1 =	sld [smem:$0x3F94];
	s0 =	simm.s32 @p0 $0x1  }
0x13: {  	[smem:$0x3FAF] =	sst s0;
	s0 =	simm.s32 @!p1 $0x0  }
0x14: {  	s2 =	sld [smem:$0x3F93];
	s0 =	simm.s32 @p1 $0x1  }
0x15: {  	[smem:$0x3FB0] =	sst s0;
	s0 =	simm.s32 @!p2 $0x0  }
0x16: {  	s3 =	sld [smem:$0x3FDB];
	s0 =	simm.s32 @p2 $0x1  }
0x17: {  	s4 =	simm.s32 $0x1BF5;
	[smem:$0x3FB2] =	sst s0  }
0x18: {  	s0 =	sld [smem:$0x3F95];
	_ =	swait.ge [sflag:s4], $0x0  }
0x19: {  	s7 =	sld [smem:$0x3F96]  }
0x1a: {  	s8 =	sadd.s32 $0xFFFFE003, lr  }
0x1b: {  	s9 =	sadd.s32 $0xFFFFFEF7, lr;
	s5 =	simm.s32 $0xFFFFFFFF;
	p2 =	slt.u32 s8, $0xFFFFF086  }
0x1c: {  	p1 =	slt.u32 s9, $0xF7A;
	s5 =	simm.s32 @!p2 $0x0  }
0x1d: {  	s5 =	simm.s32 @p1 $0x1;
	p0 =	seq.s32 s7, s2  }
0x1e: {  	s7 =	smul.u32 @!p0 $0xF7A, s2;
	p2 =	seq.s32 @!p0 s5, $0x0  }
0x1f: {  	s9 =	smul.u32 $0xF7A, s1;
	s8 =	simm.s32 @!p0 $0x1BF5;
	p2 =	por !p2, p0  }
0x20: {  	[sflag:s8] =	ssyncset.s32 @!p0 $0xFFFFF086;
	s6 =	sadd.s32 @!p0 s3, s7;
	s7 =	simm.s32 @!p0 $0x108  }
0x21: {  	s3 =	sadd.s32 s3, s9;
	s6 =	sadd.s32 @!p0 $0x88, s6;
	s7 =	simm.s32 @p2 $0x1082  }
0x22: {  	[simem:s7], [sflag:s8] =	dma.local @!p0 [hbm:s6], $0xF7A  }
0x23: {  	s9 =	sor.u32 $0xD0000000, s2;
	s6 =	simm.s32 $0x108;
	_ =	swait.ge @!p0 [sflag:s8], $0x0  }
0x24: {  	s3 =	sadd.s32 $0x88, s3;
	s6 =	simm.s32 @!p1 $0x1082;
	[sflag:s4] =	ssyncset.s32 $0xFFFFF086  }
0x25: {  	[simem:s6], [sflag:s4] =	dma.local [hbm:s3], $0xF7A  }
0x26: {  	[smem:$0x3F96] =	sst s1;
	(tag) =	ssettag s2;
	_ =	strace s9  }
0x27: {  	s1 =	sld [smem:$0x3FA6]  }
0x28: {  	s2 =	sld [smem:$0x3FA7]  }
0x29: {  	s4 =	sld [smem:$0x3FA9]  }
0x2a: {  	p0 =	seq.s32 s5, $0x0;
	s5 =	sld [smem:$0x3FAA]  }
0x2b: {  	s6 =	sld [smem:$0x3FAB]  }
0x2c: {  	s7 =	sld [smem:$0x3FAC]  }
0x2d: {  	s3 =	simm.s32 $0x108;
	s8 =	sld [smem:$0x3FAD]  }
0x2e: {  	s3 =	simm.s32 @!p0 $0x1082;
	s9 =	sld [smem:$0x3FAE]  }
0x2f: {  	lr =	sadd.s32 s0, s3;
	s0 =	sld [smem:$0x3FA5]  }
0x30: {  	s3 =	sld [smem:$0x3FA8]  }
0x31: {  	[smem:$0x3FB1] =	sst s10  }
0x32: {  	s10 =	sld [smem:$0x3FAF];
	_ =	sdelay $0x3  }
0x33: {  	p0 =	seq.s32 s10, $0x1;
	s10 =	sld [smem:$0x3FB1];
	_ =	sdelay $0x3  }
0x34: {  	[smem:$0x3FB1] =	sst s10  }
0x35: {  	s10 =	sld [smem:$0x3FB0];
	_ =	sdelay $0x3  }
0x36: {  	p1 =	seq.s32 s10, $0x1;
	s10 =	sld [smem:$0x3FB1];
	_ =	sdelay $0x3  }
0x37: {  	[smem:$0x3FB1] =	sst s10  }
0x38: {  	s10 =	sld [smem:$0x3FB2]  }
0x39: {  	_ = 	snop;
	(pc) =	sbr.ind lr, $3  }
0x3a: {  	_ = 	snop  }
0x3b: {  	_ = 	snop  }
0x3c: {  	p2 =	seq.s32 s10, $0x1;
	s10 =	sld [smem:$0x3FB1]  }
0x3d: {  	_ =	shalt  }
0x3e: {  	_ =	shalt  }
0x3f: {  	_ =	shalt  }
0x40: {  	_ =	shalt  }
0x41: {  	_ =	shalt  }
0x42: {  	_ =	shalt  }
0x43: {  	_ =	shalt  }
0x44: {  	_ =	shalt  }
0x45: {  	_ =	shalt  }
0x46: {  	_ =	shalt  }
0x47: {  	_ =	shalt  }
0x48: {  	_ =	shalt  }
0x49: {  	_ =	shalt  }
0x4a: {  	_ =	shalt  }
0x4b: {  	_ =	shalt  }
0x4c: {  	_ =	shalt  }
0x4d: {  	_ =	shalt  }
0x4e: {  	_ =	shalt  }
0x4f: {  	_ =	shalt  }
0x50: {  	_ =	shalt  }
0x51: {  	_ =	shalt  }
0x52: {  	_ =	shalt  }
0x53: {  	_ =	shalt  }
0x54: {  	_ =	shalt  }
0x55: {  	_ =	shalt  }
0x56: {  	_ =	shalt  }
0x57: {  	_ =	shalt  }
0x58: {  	_ =	shalt  }
0x59: {  	_ =	shalt  }
0x5a: {  	_ =	shalt  }
0x5b: {  	_ =	shalt  }
0x5c: {  	_ =	shalt  }
0x5d: {  	_ =	shalt  }
0x5e: {  	_ =	shalt  }
0x5f: {  	_ =	shalt  }
0x60: {  	_ =	shalt  }
0x61: {  	_ =	shalt  }
0x62: {  	_ =	shalt  }
0x63: {  	_ =	shalt  }
0x64: {  	_ =	shalt  }
0x65: {  	_ =	shalt  }
0x66: {  	_ =	shalt  }
0x67: {  	_ =	shalt  }
0x68: {  	_ =	shalt  }
0x69: {  	_ =	shalt  }
0x6a: {  	_ =	shalt  }
0x6b: {  	_ =	shalt  }
0x6c: {  	_ =	shalt  }
0x6d: {  	_ =	shalt  }
0x6e: {  	_ =	shalt  }
0x6f: {  	_ =	shalt  }
0x70: {  	_ =	shalt  }
0x71: {  	_ =	shalt  }
0x72: {  	_ =	shalt  }
0x73: {  	_ =	shalt  }
0x74: {  	_ =	shalt  }
0x75: {  	_ =	shalt  }
0x76: {  	_ =	shalt  }
0x77: {  	_ =	shalt  }
0x78: {  	_ =	shalt  }
0x79: {  	_ =	shalt  }
0x7a: {  	_ =	shalt  }
0x7b: {  	_ =	shalt  }
0x7c: {  	_ =	shalt  }
0x7d: {  	_ =	shalt  }
0x7e: {  	_ =	shalt  }
0x7f: {  	_ =	shalt  }
0x80: {  	_ =	shalt  }
0x81: {  	_ =	shalt  }
0x82: {  	_ =	shalt  }
0x83: {  	_ =	shalt  }
0x84: {  	_ =	shalt  }
0x85: {  	_ =	shalt  }
0x86: {  	_ =	shalt  }
0x87: {  	_ =	shalt  }
.Lfunc_end0:
.L_simem_size_0:
called_computation.1_lowered:
.L_overlay_start_0:
0x88: {  	s2 =	sld [smem:$0x3FD9]  }
0x89: {  	s3 =	sld [smem:$0x3FFE];
	_ =	sdelay $0x1  }
0x8a: {  	s1 =	srdreg.scid  }
0x8b: {  	s0 =	sand.u32 $0x1, s1  }
0x8c: {  	s17 =	sshll.u32 s0, $0xA;
	s2 =	sadd.s32 s3, s2  }
0x8d: {  	s2 =	sadd.s32 s2, s17  }
0x8e: {  	[smem:$0x3FBD] =	sst s2  }
0x8f: {  	_ = 	snop  }
0x90: {  	(tm) =	ssettm $0x1  }
0x91: {  	s18 =	sld [smem:$0x3FFB];
	_ =	sdelay $0x3  }
0x92: {  	_ =	strace s18  }
0x93: {  	s2 =	sld [smem:$0x3FFC];
	_ =	sdelay $0x3  }
0x94: {  	_ =	strace s2  }
0x95: {  	s2 =	sld [smem:$0x3FFD];
	_ =	sdelay $0x3  }
0x96: {  	_ =	strace s2  }
0x97: {  	_ =	strace $0x8FFFFFFF  }
0x98: {  	s19 =	sld [smem:$0x3FDB];
	_ =	sdelay $0x1  }
0x99: {  	s20 =	simm.s32 $_scs_section_size  }
0x9a: {  	s4 =	simm.s32 $_size__tile_overlayer_lowered;
	s5 =	simm.s32 $_tile_overlayer_lowered  }
0x9b: {  	s6 =	simm.s32 $0x1BFF;
	s21 =	sshll.u32 s5, $0x1;
	s3 =	sadd.s32 s20, s19  }
0x9c: {  	s22 =	simm.s32 $0x0;
	s4 =	sshll.u32 s4, $0x1;
	s5 =	sadd.s32 s21, s3  }
0x9d: {  	[timem:s22], [sflag:s6] =	dma.local [hbm:s5], s4  }
0x9e: {  	_ =	swait.ge [sflag:s6], s4  }
0x9f: {  	s4 =	ssub.s32 $0x0, s4;
	[sflag:s6] =	ssyncset.done $0x0  }
0xa0: {  	[sflag:s6] =	ssyncadd.s32 s4;
	_ =	sdelay $0x1  }
0xa1: {  	s23 =	simm.s32 $0x1B8B  }
0xa2: {  	_ =	swait.ge [sflag:s23], $0x1  }
0xa3: {  	[sflag:s23] =	ssyncset.done $0x0  }
0xa4: {  	[sflag:s23] =	ssyncadd.s32 $0xFFFFFFFF  }
0xa5: {  	s4 =	sld [smem:$0x0]  }
0xa6: {  	s5 =	sand.u32 $0xFFFFFFFE, s1  }
0xa7: {  	p0 =	sne.s32 s1, s5  }
0xa8: {  	s5 =	sshll.u32 @p0 s5, $0xE  }
0xa9: {  	s5 =	sadd.s32 @p0 $0x11B8D, s5;
	s6 =	sshll.u32 @p0 s4, $0x11  }
0xaa: {  	s5 =	sor.u32 @p0 s6, s5  }
0xab: {  	[sflag:s5] =	ssyncadd.remote.s32 @p0 $0x1;
	_ =	sdelay $0x1  }
0xac: {  	s5 =	simm.s32 @p0 $0x1B8D  }
0xad: {  	_ =	swait.eq @p0 [sflag:s5], $0x1  }
0xae: {  	[sflag:s5] =	ssyncadd.s32 @p0 $0xFFFFFFFF  }
0xaf: {  	s6 =	sshll.u32 @!p0 s1, $0xE  }
0xb0: {  	s6 =	sor.u32 @!p0 $0x4000, s6;
	s5 =	simm.s32 @!p0 $0x1B8D  }
0xb1: {  	s4 =	sshll.u32 @!p0 s4, $0x11;
	s6 =	sadd.s32 @!p0 $0x11B8D, s6;
	_ =	swait.eq @!p0 [sflag:s5], $0x1  }
0xb2: {  	s4 =	sor.u32 @!p0 s4, s6;
	[sflag:s5] =	ssyncadd.s32 @!p0 $0xFFFFFFFF  }
0xb3: {  	s25 =	simm.s32 $0x1B8E;
	s24 =	sld [smem:$0x3FFE];
	[sflag:s4] =	ssyncadd.remote.s32 @!p0 $0x1  }
0xb4: {  	s26 =	simm.s32 $execute0_lowered;
	[smem:$0x3FD2] =	sst s25  }
0xb5: {  	s5 =	sshll.u32 s26, $0x1;
	_ =	strace $0x80000049;
	[dreg:$0x1] =	wrdreg $0xFFFFFFFF  }
0xb6: {  	s28 =	simm.s32 $_size_execute0_lowered;
	s3 =	sadd.s32 s3, s5;
	[dreg:$0x0] =	wrdreg $0x0  }
0xb7: {  	s5 =	sshll.u32 s28, $0x1;
	[dreg:$0x2] =	wrdreg s3  }
0xb8: {  	[dreg:$0x3] =	wrdreg s5  }
0xb9: {  	[dreg:$0x4] =	wrdreg $0xC0  }
0xba: {  	_ =	task [dreg:s22], $0x5FFFF  }
0xbb: {  	[dreg:$0x1] =	wrdreg $0xFFFFFFFF  }
0xbc: {  	[dreg:$0x0] =	wrdreg $0x60  }
0xbd: {  	[dreg:$0x2] =	wrdreg s24  }
0xbe: {  	[dreg:$0x3] =	wrdreg $0x0  }
0xbf: {  	[dreg:$0x4] =	wrdreg $0xA  }
0xc0: {  	_ =	task.clear_ibuf [dreg:s22], $0x5FFFF;
	_ =	strace $0x90000049  }
0xc1: {  	s29 =	simm.s32 $0xA;
	_ =	strace $0x8000004B  }
0xc2: {  	_ =	swait.ge [sflag:s29], $0x1  }
0xc3: {  	[sflag:s29] =	ssyncadd.s32 $0xFFFFFFFF  }
0xc4: {  	_ =	strace $0x9000004B  }
0xc5: {  	_ =	sfence  }
0xc6: {  	s30 =	sld [smem:$0x0];
	_ =	sdelay $0x2  }
0xc7: {  	s31 =	sshll.u32 s1, $0xD;
	s1 =	sshrl.u32 s1, $0x2  }
0xc8: {  	s4 =	sand.u32 $0x4000, s31;
	s1 =	sadd.s32 s1, s30  }
0xc9: {  	s0 =	sor.u32 s4, s0;
	s1 =	sshll.u32 s1, $0x11  }
0xca: {  	s0 =	sor.u32 s1, s0  }
0xcb: {  	s0 =	sadd.s32 $0x8F2B, s0  }
0xcc: {  	[sflag:s0] =	ssyncadd.remote.s32 $0x1  }
0xcd: {  	_ =	sfence.sel $0xFFFF  }
0xce: {  	[dreg:$0x0] =	wrdreg $0xFFFFFFFF;
	(pc) =	sbr.abs _section_cstart, $3  }
0xcf: {  	[dreg:$0x1] =	wrdreg $0xFFFFFFFF  }
0xd0: {  	_ =	task.clear_ibuf [dreg:s22], $0x2FFFF;
	_ =	strace $0x9FFFFFFF  }
0xd1: {  	(tm) =	ssettm $0x7FFFFFFF  }
tec
execute0_lowered:
.L_overlay_start_1:
0x0: {  	(tag) =	ssettag $0x1  }
0x1: {  	s9 =	rddreg [dreg:$0x0]  }
0x2: {  	s6 =	rddreg [dreg:$0x1]  }
0x3: {  	s0 =	rddreg [dreg:$0x2];
	s2 =	simm.s32 $0x0;
	s1 =	stileid.u32  }
0x4: {  	s4 =	srdreg.scid;
	s15 =	simm.s32 $0x2;
	s16 =	simm.s32 $0x80  }
0x5: {  	s17 =	simm.s32 $0x1;
	s18 =	simm.s32 $0x0;
	s5 =	smul.u32 $0x6000, s1  }
0x6: {  	[smem:$0x7FF] =	sst s2;
	s3 =	sadd.s32 $0xE800, s9;
	s10 =	smul.u32 $0x61A80, s1  }
0x7: {  	s7 =	sand.u32 $0x1, s4;
	s4 =	sadd.s32 $0x1800, s9;
	s13 =	smul.u32 $0xC, s1  }
0x8: {  	s28 =	sshll.u32 s1, $0x1;
	s31 =	sshll.u32 s1, $0x6;
	s12 =	smul.u32 $0x3000, s7  }
0x9: {  	_ =	strace $0x8000004A;
	s8 =	ssub.s32 $0x2, s7;
	s14 =	smul.u32 $0x6, s7  }
0xa: {  	s11 =	sadd.s32 s5, s9;
	s26 =	sshrl.u32 s8, $0x1;
	s5 =	sor.u32 s7, s28  }
0xb: {  	s10 =	sshrl.u32 s10, $0x2;
	s9 =	sadd.s32 $0x1900, s9;
	s8 =	ssub.s32 s8, s26  }
0xc: {  	s5 =	smul.u32 $0x6, s5;
	s6 =	sadd.s32 s10, s6;
	s29 =	sadd.s32 s12, s11  }
0xd: {  	s30 =	sadd.s32 s14, s13;
	s11 =	sor.u32 $0x1C03, s31;
	s13 =	simm.s32 $0x3  }
0xe: {  	s14 =	simm.s32 $0x186A0;
	s7 =	smax.u32 s8, $0x1;
	s10 =	sshll.u32 s30, $0xA  }
0xf: {  	s8 =	sadd.s32 $0x574200, s29;
	s12 =	sshrl.u32 s6, $0x3;
	s10 =	sadd.s32 $0x38000, s10  }
.LBB2_1:
0x10: {  	s19 =	smov.u32 s10;
	s20 =	smov.u32 s8;
	s21 =	simm.s32 $0x0  }
.LBB2_2:
0x11: {  	s22 =	sadd.s32 s5, s21  }
0x12: {  	s22 =	sadd.s32 $0xE0, s22  }
0x13: {  	s23 =	smul.u32 $0x30D4, s22;
	_ =	sdelay $0x1  }
0x14: {  	s23 =	sadd.s32 s3, s23  }
0x15: {  	[spmem:s12], [sflag:s11] =	dma.local [hbm:s23], $0x30D4  }
0x16: {  	s22 =	sshll.u32 s22, $0x7;
	_ =	swait.ge [sflag:s13], $0x30D4  }
0x17: {  	s22 =	sand.u32 $0xFFFF800, s22;
	[sflag:s13] =	ssyncset.done $0x0  }
0x18: {  	s25 =	simm.s32 $0x0;
	s22 =	sadd.s32 s4, s22;
	[sflag:s13] =	ssyncadd.s32 $0xFFFFCF2C  }
0x19: {  	[tilespmem:s14], [sflag:$0x2] =	stream.linear.gather [hbm4b:s22+s25], $0x800, $0x38;
	[tilespmem:$0x1A6A0] =	vst v63  }
0x1a: {  	s31 =	sshrl.u32 s19, $0x3;
	_ =	swait.ge [sflag:s15], $0x800  }
0x1b: {  	s24 =	smov.u32 s20;
	s22 =	sand.u32 $0x1FFFF800, s31;
	[sflag:s15] =	ssyncset.done $0x0  }
0x1c: {  	s23 =	simm.s32 $0x2000;
	s22 =	sadd.s32 s22, s9;
	[sflag:s15] =	ssyncadd.s32 $0xFFFFF800  }
.LBB2_3:
0x1d: {  	p0 =	seq.s32 s25, $0x7  }
0x1e: {  	s26 =	sand.u32 @!p0 $0x2000, s23  }
0x1f: {  	s28 =	sand.u32 $0x1, s25;
	s26 =	sshrl.u32 @!p0 s26, $0x2  }
0x20: {  	s29 =	simm.s32 @!p0 $0x0;
	s28 =	sshll.u32 s28, $0xB;
	s26 =	sor.u32 @!p0 $0x186A0, s26  }
0x21: {  	[tilespmem:s26], [sflag:$0x2] =	stream.linear.gather @!p0 [hbm4b:s22+s29], $0x800, $0x38;
	[tilespmem:$0x1A6A0] =	vst v63  }
0x22: {  	s30 =	sor.u32 $0x186A0, s28;
	s26 =	sor.u32 $0x196A0, s28  }
0x23: {  	[tilespmem:s26], [sflag:$0x1] =	stream.indirect.gather [spmem:s6], $0x1, s30, s16, $0xb8;
	[tilespmem:$0x1A6A0] =	vst v63  }
0x24: {  	s31 =	sor.u32 $0x19720, s28;
	s30 =	sor.u32 $0x18720, s28  }
0x25: {  	[tilespmem:s31], [sflag:$0x1] =	stream.indirect.gather [spmem:s6], $0x1, s30, s16, $0xb8;
	[tilespmem:$0x1A6A0] =	vst v63  }
0x26: {  	s29 =	sor.u32 $0x197A0, s28;
	s31 =	sor.u32 $0x187A0, s28  }
0x27: {  	[tilespmem:s29], [sflag:$0x1] =	stream.indirect.gather [spmem:s6], $0x1, s31, s16, $0xb8;
	[tilespmem:$0x1A6A0] =	vst v63  }
0x28: {  	s29 =	sadd.s32 $0x19820, s28;
	s31 =	sadd.s32 $0x18820, s28  }
0x29: {  	[tilespmem:s29], [sflag:$0x1] =	stream.indirect.gather [spmem:s6], $0x1, s31, s16, $0xb8;
	[tilespmem:$0x1A6A0] =	vst v63  }
0x2a: {  	s29 =	sadd.s32 $0x198A0, s28;
	s31 =	sadd.s32 $0x188A0, s28  }
0x2b: {  	[tilespmem:s29], [sflag:$0x1] =	stream.indirect.gather [spmem:s6], $0x1, s31, s16, $0xb8;
	[tilespmem:$0x1A6A0] =	vst v63  }
0x2c: {  	s29 =	sadd.s32 $0x19920, s28;
	s31 =	sadd.s32 $0x18920, s28  }
0x2d: {  	[tilespmem:s29], [sflag:$0x1] =	stream.indirect.gather [spmem:s6], $0x1, s31, s16, $0xb8;
	[tilespmem:$0x1A6A0] =	vst v63  }
0x2e: {  	s29 =	sadd.s32 $0x199A0, s28;
	s31 =	sadd.s32 $0x189A0, s28  }
0x2f: {  	[tilespmem:s29], [sflag:$0x1] =	stream.indirect.gather [spmem:s6], $0x1, s31, s16, $0xb8;
	[tilespmem:$0x1A6A0] =	vst v63  }
0x30: {  	s29 =	sadd.s32 $0x19A20, s28;
	s31 =	sadd.s32 $0x18A20, s28  }
0x31: {  	[tilespmem:s29], [sflag:$0x1] =	stream.indirect.gather [spmem:s6], $0x1, s31, s16, $0xb8;
	[tilespmem:$0x1A6A0] =	vst v63  }
0x32: {  	_ =	swait.ge [sflag:s17], $0x80  }
0x33: {  	[sflag:s17] =	ssyncset.done $0x0  }
0x34: {  	[sflag:s17] =	ssyncadd.s32 $0xFFFFFF80  }
0x35: {  	_ =	swait.ge [sflag:s17], $0x80  }
0x36: {  	[sflag:s17] =	ssyncset.done $0x0  }
0x37: {  	[sflag:s17] =	ssyncadd.s32 $0xFFFFFF80  }
0x38: {  	_ =	swait.ge [sflag:s17], $0x80  }
0x39: {  	[sflag:s17] =	ssyncset.done $0x0  }
0x3a: {  	[sflag:s17] =	ssyncadd.s32 $0xFFFFFF80  }
0x3b: {  	_ =	swait.ge [sflag:s17], $0x80  }
0x3c: {  	[sflag:s17] =	ssyncset.done $0x0  }
0x3d: {  	[sflag:s17] =	ssyncadd.s32 $0xFFFFFF80  }
0x3e: {  	_ =	swait.ge [sflag:s17], $0x80  }
0x3f: {  	[sflag:s17] =	ssyncset.done $0x0  }
0x40: {  	[sflag:s17] =	ssyncadd.s32 $0xFFFFFF80  }
0x41: {  	_ =	swait.ge [sflag:s17], $0x80  }
0x42: {  	[sflag:s17] =	ssyncset.done $0x0  }
0x43: {  	[sflag:s17] =	ssyncadd.s32 $0xFFFFFF80  }
0x44: {  	_ =	swait.ge [sflag:s17], $0x80  }
0x45: {  	[sflag:s17] =	ssyncset.done $0x0  }
0x46: {  	[sflag:s17] =	ssyncadd.s32 $0xFFFFFF80  }
0x47: {  	_ =	swait.ge [sflag:s17], $0x80  }
0x48: {  	[sflag:s17] =	ssyncset.done $0x0  }
0x49: {  	s29 =	sadd.s32 $0x19AA0, s28;
	s31 =	sadd.s32 $0x18AA0, s28;
	[sflag:s17] =	ssyncadd.s32 $0xFFFFFF80  }
0x4a: {  	[tilespmem:s29], [sflag:$0x1] =	stream.indirect.gather [spmem:s6], $0x1, s31, s16, $0xb8;
	[tilespmem:$0x1A6A0] =	vst v63  }
0x4b: {  	s29 =	sadd.s32 $0x19B20, s28;
	s31 =	sadd.s32 $0x18B20, s28  }
0x4c: {  	[tilespmem:s29], [sflag:$0x1] =	stream.indirect.gather [spmem:s6], $0x1, s31, s16, $0xb8;
	[tilespmem:$0x1A6A0] =	vst v63  }
0x4d: {  	s29 =	sadd.s32 $0x19BA0, s28;
	s31 =	sadd.s32 $0x18BA0, s28  }
0x4e: {  	[tilespmem:s29], [sflag:$0x1] =	stream.indirect.gather [spmem:s6], $0x1, s31, s16, $0xb8;
	[tilespmem:$0x1A6A0] =	vst v63  }
0x4f: {  	s29 =	sadd.s32 $0x19C20, s28;
	s31 =	sadd.s32 $0x18C20, s28  }
0x50: {  	[tilespmem:s29], [sflag:$0x1] =	stream.indirect.gather [spmem:s6], $0x1, s31, s16, $0xb8;
	[tilespmem:$0x1A6A0] =	vst v63  }
0x51: {  	s29 =	sadd.s32 $0x19CA0, s28;
	s31 =	sadd.s32 $0x18CA0, s28  }
0x52: {  	[tilespmem:s29], [sflag:$0x1] =	stream.indirect.gather [spmem:s6], $0x1, s31, s16, $0xb8;
	[tilespmem:$0x1A6A0] =	vst v63  }
0x53: {  	s29 =	sadd.s32 $0x19D20, s28;
	s31 =	sadd.s32 $0x18D20, s28  }
0x54: {  	[tilespmem:s29], [sflag:$0x1] =	stream.indirect.gather [spmem:s6], $0x1, s31, s16, $0xb8;
	[tilespmem:$0x1A6A0] =	vst v63  }
0x55: {  	s29 =	sadd.s32 $0x19DA0, s28;
	s31 =	sadd.s32 $0x18DA0, s28  }
0x56: {  	[tilespmem:s29], [sflag:$0x1] =	stream.indirect.gather [spmem:s6], $0x1, s31, s16, $0xb8;
	[tilespmem:$0x1A6A0] =	vst v63  }
0x57: {  	s31 =	sadd.s32 $0x19E20, s28;
	s28 =	sadd.s32 $0x18E20, s28  }
0x58: {  	[tilespmem:s31], [sflag:$0x1] =	stream.indirect.gather [spmem:s6], $0x1, s28, s16, $0xb8;
	[tilespmem:$0x1A6A0] =	vst v63  }
0x59: {  	_ =	swait.ge [sflag:s17], $0x80  }
0x5a: {  	[sflag:s17] =	ssyncset.done $0x0  }
0x5b: {  	[sflag:s17] =	ssyncadd.s32 $0xFFFFFF80  }
0x5c: {  	_ =	swait.ge [sflag:s17], $0x80  }
0x5d: {  	[sflag:s17] =	ssyncset.done $0x0  }
0x5e: {  	[sflag:s17] =	ssyncadd.s32 $0xFFFFFF80  }
0x5f: {  	_ =	swait.ge [sflag:s17], $0x80  }
0x60: {  	[sflag:s17] =	ssyncset.done $0x0  }
0x61: {  	[sflag:s17] =	ssyncadd.s32 $0xFFFFFF80  }
0x62: {  	_ =	swait.ge [sflag:s17], $0x80  }
0x63: {  	[sflag:s17] =	ssyncset.done $0x0  }
0x64: {  	[sflag:s17] =	ssyncadd.s32 $0xFFFFFF80  }
0x65: {  	_ =	swait.ge [sflag:s17], $0x80  }
0x66: {  	[sflag:s17] =	ssyncset.done $0x0  }
0x67: {  	[sflag:s17] =	ssyncadd.s32 $0xFFFFFF80  }
0x68: {  	_ =	swait.ge [sflag:s17], $0x80  }
0x69: {  	[sflag:s17] =	ssyncset.done $0x0  }
0x6a: {  	[sflag:s17] =	ssyncadd.s32 $0xFFFFFF80  }
0x6b: {  	_ =	swait.ge [sflag:s17], $0x80  }
0x6c: {  	[sflag:s17] =	ssyncset.done $0x0  }
0x6d: {  	[sflag:s17] =	ssyncadd.s32 $0xFFFFFF80  }
0x6e: {  	_ =	swait.ge [sflag:s17], $0x80  }
0x6f: {  	s25 =	sadd.s32 $0x1, s25;
	[sflag:s17] =	ssyncset.done $0x0  }
0x70: {  	p1 =	sne.s32 @!p0 s25, $0x8;
	[sflag:s17] =	ssyncadd.s32 $0xFFFFFF80  }
0x71: {  	[hbm4b:s24+s2] =	stream.linear.scatter [tilespmem:s26], [sflag:$0x3], $0x800, $0x38;
	[tilespmem:$0x1A6A0] =	vst v63  }
0x72: {  	p1 =	por p0, !p1;
	_ =	swait.ge [sflag:s13], $0x800  }
.Ltmp0:
0x73: {  	[sflag:s13] =	ssyncset.done $0x0;
	(pc) =	sbr.rel @!p1 .LBB2_3-.Ltmp0, $4  }
0x74: {  	s26 =	simm.s32 @!p0 $0x2;
	[sflag:s13] =	ssyncadd.s32 $0xFFFFF800  }
0x75: {  	_ =	swait.ge @!p0 [sflag:s26], $0x800  }
0x76: {  	s23 =	sadd.s32 @!p0 $0x2000, s23;
	[sflag:s26] =	ssyncset.done @!p0 $0x0  }
0x77: {  	s22 =	sadd.s32 @!p0 $0x100, s22;
	s24 =	sadd.s32 @!p0 $0x100, s24;
	[sflag:s26] =	ssyncadd.s32 @!p0 $0xFFFFF800  }
0x78: {  	s21 =	sadd.s32 $0x1, s21  }
0x79: {  	p0 =	sne.s32 s21, $0x6  }
.Ltmp1:
0x7a: {  	_ = 	snop;
	(pc) =	sbr.rel @p0 .LBB2_2-.Ltmp1, $2  }
0x7b: {  	_ =	sdelay $0x2  }
0x7c: {  	s20 =	sadd.s32 $0x800, s20;
	s19 =	sadd.s32 $0x400, s19  }
0x7d: {  	s18 =	sadd.s32 $0x1, s18  }
0x7e: {  	p0 =	sne.s32 s18, s7  }
.Ltmp2:
0x7f: {  	_ = 	snop;
	(pc) =	sbr.rel @p0 .LBB2_1-.Ltmp2, $1  }
0x80: {  	_ =	sdelay $0x3  }
0x81: {  	_ =	sfence.sel $0x180000  }
0x82: {  	[bflag:$0x0] =	sbarrier.arrive $0xFFFF  }
0x83: {  	p0 =	sne.s32 s1, $0x0;
	_ =	strace $0x9000004A  }
0x84: {  	s0 =	sadd.s32 @!p0 $0x100000, s0;
	[bflag:$0x2] =	sbarrier.arrive $0xFFFF  }
0x85: {  	[sflag:s0] =	ssyncadd.tile.s32 @!p0 $0x1;
	_ =	shalt  }
.Lfunc_end2:
_tile_overlayer_lowered:
.L_overlay_start_2:
0x86: {  	(tag) =	ssettag $0x2  }
0x87: {  	s0 =	rddreg [dreg:$0x0];
	s2 =	stileid.u32  }
0x88: {  	s1 =	rddreg [dreg:$0x1];
	p0 =	sne.s32 s2, $0x0  }
0x89: {  	s3 =	rddreg [dreg:$0x2];
	[bflag:$0x3] =	sbarrier.arrive $0xFFFF;
	s2 =	simm.s32 @!p0 $0x1C03  }
0x8a: {  	[timem:s3], [sflag:s2] =	dma.local @!p0 [hbm:s0], s1  }
0x8b: {  	s0 =	simm.s32 @!p0 $0x3  }
0x8c: {  	_ =	swait.ge @!p0 [sflag:s0], s1  }
0x8d: {  	s1 =	ssub.s32 @!p0 $0x0, s1;
	[sflag:s0] =	ssyncset.done @!p0 $0x0  }
0x8e: {  	[sflag:s0] =	ssyncadd.s32 @!p0 s1  }
0x8f: {  	[bflag:$0x3] =	sbarrier.arrive $0xFFFF  }
0x90: {  	_ =	shalt  }

</sc_bundles>
